<compile_context>
chip_gen: v7x
topology: tpu7x:2x2x1
jax: 0.10.2.dev20260603
libtpu: 0.0.44.dev20260713+nightly
codegen_flags: <defaults>
</compile_context>

<pallas_src>
import functools

import jax
import jax.numpy as jnp
from jax import lax
from jax.experimental import pallas as pl
from jax.experimental.pallas import tpu as pltpu
from jax.experimental.pallas import tpu_sc as plsc

N = 10000
E = 320000
D = 128
G = 64
DH = D // 2

NC = 2
NS = 16
NW = NC * NS

CHUNK = 128
EPS_REAL = E // NS
NJE = 160
PADS = NJE * CHUNK - EPS_REAL
NJ = NJE // 2

N_PAD = 10240
TRASH = N_PAD - N
RPT = N_PAD // NS

NB = 5
LG = 3
ZR = 64

R = 2048

_mesh = plsc.VectorSubcoreMesh(core_axis_name="c", subcore_axis_name="s")



@functools.partial(
    pl.kernel,
    out_type=jax.ShapeDtypeStruct((NC * N_PAD,), jnp.float32),
    mesh=_mesh,
    scratch_types=[
        pltpu.VMEM((NJ, CHUNK), jnp.int32),
        pltpu.VMEM((CHUNK,), jnp.float32),
        pltpu.VMEM((RPT,), jnp.float32),
        pltpu.VMEM_SHARED((N_PAD,), jnp.float32),
    ],
)
def _deg_kernel(dst_hbm, out_hbm, idx_v, ones_v, zb_v, acc_sh):
    c = lax.axis_index("c")
    s = lax.axis_index("s")
    w = c * NS + s

    def zf(i, _):
        zb_v[pl.ds(i * 16, 16)] = jnp.zeros((16,), jnp.float32)
        return 0
    lax.fori_loop(0, RPT // 16, zf, 0)

    def of(i, _):
        ones_v[pl.ds(i * 16, 16)] = jnp.ones((16,), jnp.float32)
        return 0
    lax.fori_loop(0, CHUNK // 16, of, 0)

    pltpu.sync_copy(zb_v, acc_sh.at[pl.ds(s * RPT, RPT)])
    plsc.subcore_barrier()

    pltpu.sync_copy(dst_hbm.at[pl.ds(w * NJ, NJ)], idx_v)

    def body(j, _):
        pltpu.sync_copy(ones_v, acc_sh.at[idx_v.at[j]], add=True)
        return 0
    lax.fori_loop(0, NJ, body, 0)

    plsc.subcore_barrier()
    pltpu.sync_copy(acc_sh.at[pl.ds(s * RPT, RPT)],
                    out_hbm.at[pl.ds(c * N_PAD + s * RPT, RPT)])


@functools.partial(
    pl.kernel,
    out_type=jax.ShapeDtypeStruct((NC * N_PAD, DH), jnp.float32),
    mesh=_mesh,
    scratch_types=[
        pltpu.VMEM((NJE, CHUNK), jnp.int32),
        pltpu.VMEM((NJE, CHUNK), jnp.int32),
        [pltpu.VMEM((CHUNK, DH), jnp.float32)] * NB,
        pltpu.VMEM((ZR, DH), jnp.float32),
        [pltpu.SemaphoreType.DMA] * 2,
        [pltpu.SemaphoreType.DMA] * NB,
        [pltpu.SemaphoreType.DMA] * NB,
        pltpu.VMEM_SHARED((N_PAD, DH), jnp.float32),
    ],
    compiler_params=pltpu.CompilerParams(use_tc_tiling_on_sc=False),
)
def _agg_kernel(hs_hbm, src_hbm, dst_hbm, out_hbm, src_v, dst_v, rows, zb_v,
                isem, gsem, ssem, acc_sh):
    c = lax.axis_index("c")
    s = lax.axis_index("s")

    scpy = pltpu.make_async_copy(
        src_hbm.at[pl.ds((c * NS + s) * NJE, NJE)], src_v, isem[0])
    scpy.start()
    dcpy = pltpu.make_async_copy(
        dst_hbm.at[pl.ds(s * NJE, NJE)], dst_v, isem[1])
    dcpy.start()

    def gs(k, r):
        pltpu.async_copy(hs_hbm.at[src_v.at[k]], rows[r], gsem[r])

    def gw(k, r):
        pltpu.make_async_copy(hs_hbm.at[src_v.at[k]], rows[r], gsem[r]).wait()

    def ss(k, r):
        pltpu.async_copy(rows[r], acc_sh.at[dst_v.at[k]], ssem[r], add=True)

    def sw(k, r):
        pltpu.make_async_copy(rows[r], acc_sh.at[dst_v.at[k]], ssem[r]).wait()

    def zf(i, _):
        r = i // (DH // 16)
        col = (i % (DH // 16)) * 16
        zb_v[r, pl.ds(col, 16)] = jnp.zeros((16,), jnp.float32)
        return 0
    lax.fori_loop(0, ZR * DH // 16, zf, 0)

    scpy.wait()
    dcpy.wait()
    for r0 in range(LG):
        gs(r0, r0)

    def zcopy(t, _):
        pltpu.sync_copy(zb_v, acc_sh.at[pl.ds(s * RPT + t * ZR, ZR)])
        return 0
    lax.fori_loop(0, RPT // ZR, zcopy, 0)
    plsc.subcore_barrier()

    def ring(i, _):
        for b in range(NB):
            k = NB * i + b
            rb = (b + LG) % NB

            @pl.when(k >= NB - LG)
            def _():
                sw(k - (NB - LG), rb)

            @pl.when(k + LG < NJE)
            def _():
                gs(k + LG, rb)

            gw(k, b)
            ss(k, b)
        return 0
    lax.fori_loop(0, NJE // NB, ring, 0)

    for k in range(NJE - (NB - LG), NJE):
        sw(k, k % NB)

    plsc.subcore_barrier()

    def wb(t, _):
        pltpu.sync_copy(acc_sh.at[pl.ds(s * RPT + t * CHUNK, CHUNK)],
                        out_hbm.at[pl.ds(c * N_PAD + s * RPT + t * CHUNK, CHUNK)])
        return 0
    lax.fori_loop(0, RPT // CHUNK, wb, 0)



def _tc1_body(x_ref, w_ref, degp_ref, o_ref):
    j = pl.program_id(0)
    deg = degp_ref[0, pl.ds(j * R, R)] + degp_ref[1, pl.ds(j * R, R)] + 1.0
    dis = lax.rsqrt(deg)[:, None]
    h = jnp.dot(x_ref[...], w_ref[...], preferred_element_type=jnp.float32)
    h = h * dis
    o_ref[0] = h[:, :DH]
    o_ref[1] = h[:, DH:]


def _tc_mid_body(aggp_ref, hs_ref, degp_ref, w_ref, b_ref, o_ref):
    j = pl.program_id(0)
    deg = degp_ref[0, pl.ds(j * R, R)] + degp_ref[1, pl.ds(j * R, R)] + 1.0
    dis = lax.rsqrt(deg)[:, None]
    agg = jnp.concatenate([aggp_ref[0], aggp_ref[1]], axis=1)
    hs = jnp.concatenate([hs_ref[0], hs_ref[1]], axis=1)
    z = (agg + hs) * dis + b_ref[...]
    a = jnp.maximum(z, 0.0)
    h = jnp.dot(a, w_ref[...], preferred_element_type=jnp.float32) * dis
    o_ref[0] = h[:, :DH]
    o_ref[1] = h[:, DH:]


def _tc_final_body(aggp_ref, hs_ref, degp_ref, b_ref, batch_ref, o_ref):
    j = pl.program_id(0)
    deg = degp_ref[0, pl.ds(j * R, R)] + degp_ref[1, pl.ds(j * R, R)] + 1.0
    dis = lax.rsqrt(deg)[:, None]
    agg = jnp.concatenate([aggp_ref[0], aggp_ref[1]], axis=1)
    hs = jnp.concatenate([hs_ref[0], hs_ref[1]], axis=1)
    z = (agg + hs) * dis + b_ref[...]
    bb = batch_ref[...]
    oh = (bb == lax.broadcasted_iota(jnp.int32, (1, G), 1)).astype(jnp.float32)
    contrib = lax.dot_general(oh, z, (((0,), (0,)), ((), ())),
                              preferred_element_type=jnp.float32)

    @pl.when(j == 0)
    def _():
        o_ref[...] = jnp.zeros_like(o_ref)

    o_ref[...] += contrib


_x_spec = pl.BlockSpec((R, D), lambda j: (j, 0))
_w_spec = pl.BlockSpec((D, D), lambda j: (0, 0))
_degp_spec = pl.BlockSpec((2, N_PAD), lambda j: (0, 0))
_split_spec = pl.BlockSpec((2, R, DH), lambda j: (0, j, 0))
_b_spec = pl.BlockSpec((1, D), lambda j: (0, 0))

_split_shape = jax.ShapeDtypeStruct((2, N_PAD, DH), jnp.float32)

_tc1 = pl.pallas_call(
    _tc1_body,
    grid=(N_PAD // R,),
    in_specs=[_x_spec, _w_spec, _degp_spec],
    out_specs=_split_spec,
    out_shape=_split_shape,
)

_tc_mid = pl.pallas_call(
    _tc_mid_body,
    grid=(N_PAD // R,),
    in_specs=[_split_spec, _split_spec, _degp_spec, _w_spec, _b_spec],
    out_specs=_split_spec,
    out_shape=_split_shape,
)

_tc_final = pl.pallas_call(
    _tc_final_body,
    grid=(N_PAD // R,),
    in_specs=[_split_spec, _split_spec, _degp_spec, _b_spec,
              pl.BlockSpec((R, 1), lambda j: (j, 0))],
    out_specs=pl.BlockSpec((G, D), lambda j: (0, 0)),
    out_shape=jax.ShapeDtypeStruct((G, D), jnp.float32),
)



def kernel(x, edge_index, batch, W1, b1, W2, b2, W3, b3):
    src = edge_index[0].reshape(NS, EPS_REAL)
    dst = edge_index[1].reshape(NS, EPS_REAL)
    iw = jnp.arange(NS, dtype=jnp.int32)[:, None]
    ip = jnp.arange(PADS, dtype=jnp.int32)[None, :]
    pad_src = (iw * 613 + ip * 37) % N
    pad_dst = N + (iw * 7 + ip) % TRASH
    src_p = jnp.concatenate([src, pad_src], axis=1).reshape(NS * NJE, CHUNK)
    dst_p = jnp.concatenate([dst, pad_dst], axis=1).reshape(NS * NJE, CHUNK)
    src_p2 = jnp.concatenate([src_p, src_p + N_PAD], axis=0)

    degp = _deg_kernel(dst_p).reshape(NC, N_PAD)
    x_p = jnp.pad(x, ((0, N_PAD - N), (0, 0)))
    batch_p = jnp.pad(batch, (0, N_PAD - N), constant_values=G)
    hs1 = _tc1(x_p, W1, degp)
    agg1 = _agg_kernel(hs1.reshape(NC * N_PAD, DH), src_p2, dst_p)
    hs2 = _tc_mid(agg1.reshape(2, N_PAD, DH), hs1, degp, W2, b1.reshape(1, D))
    agg2 = _agg_kernel(hs2.reshape(NC * N_PAD, DH), src_p2, dst_p)
    hs3 = _tc_mid(agg2.reshape(2, N_PAD, DH), hs2, degp, W3, b2.reshape(1, D))
    agg3 = _agg_kernel(hs3.reshape(NC * N_PAD, DH), src_p2, dst_p)
    out = _tc_final(agg3.reshape(2, N_PAD, DH), hs3, degp,
                    b3.reshape(1, D), batch_p.reshape(N_PAD, 1))
    return out

# --- scband reference (transcript-rebuilt; emitter-appended) ---
"""Pipeline reference for scband-mpnnmodel-42417097015744 (READ-ONLY COPY).

The authoritative reference and input builder live on the scoring server;
editing this copy changes nothing except your own understanding.
"""

import jax, jax.numpy as jnp
import numpy as np

N = 10000
E = 320000
D_IN = 128
D_HID = 128
D_OUT = 128
G = 64


def setup_inputs(seed: int = 0) -> dict:
    key = jax.random.key(seed)
    ks = jax.random.split(key, 10)
    x = jax.random.normal(ks[0], (N, D_IN), dtype=jnp.float32)
    edge_index = jax.random.randint(ks[1], (2, E), 0, N, dtype=jnp.int32)
    batch = jnp.sort(jax.random.randint(ks[2], (N,), 0, G, dtype=jnp.int32))
    s1 = 1.0 / np.sqrt(D_IN)
    s2 = 1.0 / np.sqrt(D_HID)
    W1 = jax.random.uniform(ks[3], (D_IN, D_HID), dtype=jnp.float32, minval=-s1, maxval=s1)
    b1 = jnp.zeros((D_HID,), dtype=jnp.float32)
    W2 = jax.random.uniform(ks[4], (D_HID, D_HID), dtype=jnp.float32, minval=-s2, maxval=s2)
    b2 = jnp.zeros((D_HID,), dtype=jnp.float32)
    W3 = jax.random.uniform(ks[5], (D_HID, D_OUT), dtype=jnp.float32, minval=-s2, maxval=s2)
    b3 = jnp.zeros((D_OUT,), dtype=jnp.float32)
    return {"x": x, "edge_index": edge_index, "batch": batch,
            "W1": W1, "b1": b1, "W2": W2, "b2": b2, "W3": W3, "b3": b3}


def _gcn_conv(x, src, dst, deg_inv_sqrt, W, b):
    # PyG GCNConv: linear transform, then normalized sum aggregation
    h = x @ W
    norm = deg_inv_sqrt[src] * deg_inv_sqrt[dst]
    msg = h[src] * norm[:, None]
    out = jax.ops.segment_sum(msg, dst, num_segments=N)
    return out + b


def reference(x, edge_index, batch, W1, b1, W2, b2, W3, b3):
    # add self-loops once (shared across layers)
    loop = jnp.arange(N, dtype=edge_index.dtype)
    src = jnp.concatenate([edge_index[0], loop])
    dst = jnp.concatenate([edge_index[1], loop])
    deg = jax.ops.segment_sum(jnp.ones(src.shape[0], dtype=jnp.float32), dst, num_segments=N)
    deg_inv_sqrt = jnp.where(deg > 0, jax.lax.rsqrt(jnp.maximum(deg, 1e-12)), 0.0)

    h = jax.nn.relu(_gcn_conv(x, src, dst, deg_inv_sqrt, W1, b1))
    h = jax.nn.relu(_gcn_conv(h, src, dst, deg_inv_sqrt, W2, b2))
    h = _gcn_conv(h, src, dst, deg_inv_sqrt, W3, b3)
    # global_add_pool over batch assignment
    out = jax.ops.segment_sum(h, batch, num_segments=G)
    return out

if __name__ == "__main__":
    import jax
    _d = setup_inputs()
    print(jax.jit(kernel)(*tuple(_d.values())))

</pallas_src>

<mosaic_0001>
#map = affine_map<(d0, d1) -> (0, 0)>
module attributes {stable_mosaic.version = 14 : i64} {
  func.func @_agg_kernel(%arg0: i32, %arg1: i32, %arg2: memref<20480x64xf32, #tpu.memory_space<hbm>>, %arg3: memref<5120x128xi32, #tpu.memory_space<hbm>>, %arg4: memref<2560x128xi32, #tpu.memory_space<hbm>>, %arg5: memref<20480x64xf32, #tpu.memory_space<hbm>>, %arg6: memref<160x128xi32, #tpu.memory_space<vmem>>, %arg7: memref<160x128xi32, #tpu.memory_space<vmem>>, %arg8: memref<128x64xf32, #tpu.memory_space<vmem>>, %arg9: memref<128x64xf32, #tpu.memory_space<vmem>>, %arg10: memref<128x64xf32, #tpu.memory_space<vmem>>, %arg11: memref<128x64xf32, #tpu.memory_space<vmem>>, %arg12: memref<128x64xf32, #tpu.memory_space<vmem>>, %arg13: memref<64x64xf32, #tpu.memory_space<vmem>>, %arg14: memref<!tpu.dma_semaphore, #tpu.memory_space<semaphore_mem>>, %arg15: memref<!tpu.dma_semaphore, #tpu.memory_space<semaphore_mem>>, %arg16: memref<!tpu.dma_semaphore, #tpu.memory_space<semaphore_mem>>, %arg17: memref<!tpu.dma_semaphore, #tpu.memory_space<semaphore_mem>>, %arg18: memref<!tpu.dma_semaphore, #tpu.memory_space<semaphore_mem>>, %arg19: memref<!tpu.dma_semaphore, #tpu.memory_space<semaphore_mem>>, %arg20: memref<!tpu.dma_semaphore, #tpu.memory_space<semaphore_mem>>, %arg21: memref<!tpu.dma_semaphore, #tpu.memory_space<semaphore_mem>>, %arg22: memref<!tpu.dma_semaphore, #tpu.memory_space<semaphore_mem>>, %arg23: memref<!tpu.dma_semaphore, #tpu.memory_space<semaphore_mem>>, %arg24: memref<!tpu.dma_semaphore, #tpu.memory_space<semaphore_mem>>, %arg25: memref<!tpu.dma_semaphore, #tpu.memory_space<semaphore_mem>>, %arg26: memref<10240x64xf32, #tpu.memory_space<vmem_shared>>) attributes {dimension_semantics = [#tpu.dimension_semantics<core_parallel>, #tpu.dimension_semantics<subcore_parallel>], iteration_bounds = array<i64: 2, 16>, scalar_prefetch = 0 : i64, scratch_operands = 21 : i64, tpu.core_type = #tpu.core_type<sc_vector_subcore>, window_params = [{transform_indices = #map}, {transform_indices = #map}, {transform_indices = #map}, {transform_indices = #map}]} {
    %mul3A = arith.constant 16 : i32
    %mul3A_0 = arith.muli %arg0, %mul3A : i32
    %add3A = arith.addi %mul3A_0, %arg1 : i32
    %mul3A_1 = arith.constant 160 : i32
    %mul3A_2 = arith.muli %add3A, %mul3A_1 : i32
    %dma_start3A = arith.constant 0 : i32
    %dma_start3A_3 = tpu.memref_slice %arg3[%mul3A_2, %dma_start3A] : memref<5120x128xi32, #tpu.memory_space<hbm>> -> memref<160x128xi32, #tpu.memory_space<hbm>>
    %dma_start3A_4 = arith.constant 0 : i32
    %dma_start3A_5 = tpu.memref_slice %arg3[%mul3A_2, %dma_start3A_4] : memref<5120x128xi32, #tpu.memory_space<hbm>> -> memref<160x128xi32, #tpu.memory_space<hbm>>
    tpu.enqueue_dma source(%dma_start3A_5 : memref<160x128xi32, #tpu.memory_space<hbm>>) target(%arg6 : memref<160x128xi32, #tpu.memory_space<vmem>>) target_semaphore(%arg14 : memref<!tpu.dma_semaphore, #tpu.memory_space<semaphore_mem>>)
    %mul3A_6 = arith.constant 160 : i32
    %mul3A_7 = arith.muli %arg1, %mul3A_6 : i32
    %dma_start3A_8 = arith.constant 0 : i32
    %dma_start3A_9 = tpu.memref_slice %arg4[%mul3A_7, %dma_start3A_8] : memref<2560x128xi32, #tpu.memory_space<hbm>> -> memref<160x128xi32, #tpu.memory_space<hbm>>
    %dma_start3A_10 = arith.constant 0 : i32
    %dma_start3A_11 = tpu.memref_slice %arg4[%mul3A_7, %dma_start3A_10] : memref<2560x128xi32, #tpu.memory_space<hbm>> -> memref<160x128xi32, #tpu.memory_space<hbm>>
    tpu.enqueue_dma source(%dma_start3A_11 : memref<160x128xi32, #tpu.memory_space<hbm>>) target(%arg7 : memref<160x128xi32, #tpu.memory_space<vmem>>) target_semaphore(%arg15 : memref<!tpu.dma_semaphore, #tpu.memory_space<semaphore_mem>>)
    %scan3A = arith.constant 0 : i32
    %scan3A_12 = arith.constant 0 : i32
    %scan3A_13 = arith.constant 256 : i32
    %scan3A_14 = arith.addi %scan3A_12, %scan3A_13 : i32
    %scan3A_15 = arith.constant 1 : i32
    %scan3A_16 = scf.for %scan3A_82 = %scan3A_12 to %scan3A_14 step %scan3A_15 iter_args(%scan3A_83 = %scan3A) -> (i32)  : i32 {
      %jit3A = arith.constant 4 : i32
      %div3A = arith.divsi %scan3A_82, %jit3A : i32
      %sign3A = arith.constant 0 : i32
      %sign3A_84 = arith.cmpi sgt, %scan3A_82, %sign3A : i32
      %sign3A_85 = arith.extui %sign3A_84 : i1 to i32
      %sign3A_86 = arith.constant 0 : i32
      %sign3A_87 = arith.cmpi slt, %scan3A_82, %sign3A_86 : i32
      %sign3A_88 = arith.extui %sign3A_87 : i1 to i32
      %sign3A_89 = arith.subi %sign3A_85, %sign3A_88 : i32
      %sign3A_90 = arith.constant 0 : i32
      %sign3A_91 = arith.cmpi sgt, %jit3A, %sign3A_90 : i32
      %sign3A_92 = arith.extui %sign3A_91 : i1 to i32
      %sign3A_93 = arith.constant 0 : i32
      %sign3A_94 = arith.cmpi slt, %jit3A, %sign3A_93 : i32
      %sign3A_95 = arith.extui %sign3A_94 : i1 to i32
      %sign3A_96 = arith.subi %sign3A_92, %sign3A_95 : i32
      %ne3A = arith.cmpi ne, %sign3A_89, %sign3A_96 : i32
      %rem3A = arith.remsi %scan3A_82, %jit3A : i32
      %ne3A_97 = arith.constant 0 : i32
      %ne3A_98 = arith.cmpi ne, %rem3A, %ne3A_97 : i32
      %and3A = arith.andi %ne3A, %ne3A_98 : i1
      %sub3A = arith.constant 1 : i32
      %sub3A_99 = arith.subi %div3A, %sub3A : i32
      %select_n3A = arith.select %and3A, %sub3A_99, %div3A : i32
      %jit3A_100 = arith.constant 4 : i32
      %eq3A = arith.constant 0 : i32
      %eq3A_101 = arith.cmpi eq, %jit3A_100, %eq3A : i32
      %jit3A_102 = arith.constant 1 : i32
      %select_n3A_103 = arith.select %eq3A_101, %jit3A_102, %jit3A_100 : i32
      %rem3A_104 = arith.remsi %scan3A_82, %select_n3A_103 : i32
      %ne3A_105 = arith.constant 0 : i32
      %ne3A_106 = arith.cmpi ne, %rem3A_104, %ne3A_105 : i32
      %lt3A = arith.constant 0 : i32
      %lt3A_107 = arith.cmpi slt, %rem3A_104, %lt3A : i32
      %lt3A_108 = arith.constant 0 : i32
      %lt3A_109 = arith.cmpi slt, %select_n3A_103, %lt3A_108 : i32
      %ne3A_110 = arith.xori %lt3A_107, %lt3A_109 : i1
      %and3A_111 = arith.andi %ne3A_110, %ne3A_106 : i1
      %add3A_112 = arith.addi %rem3A_104, %select_n3A_103 : i32
      %select_n3A_113 = arith.select %and3A_111, %add3A_112, %rem3A_104 : i32
      %mul3A_114 = arith.constant 16 : i32
      %mul3A_115 = arith.muli %select_n3A_113, %mul3A_114 : i32
      %broadcast_in_dim3A = arith.constant 0.000000e+00 : f32
      %broadcast_in_dim3A_116 = vector.broadcast %broadcast_in_dim3A : f32 to vector<16xf32>
      %swap3A = arith.index_cast %select_n3A : i32 to index
      %swap3A_117 = arith.index_cast %mul3A_115 : i32 to index
      %swap3A_118 = tpu.vector_load %arg13[%swap3A, %swap3A_117] {strides = array<i32>} : memref<64x64xf32, #tpu.memory_space<vmem>>, vector<1x16xf32>,
      %swap3A_119 = vector.shape_cast %swap3A_118 : vector<1x16xf32> to vector<16xf32>
      %swap3A_120 = vector.shape_cast %broadcast_in_dim3A_116 : vector<16xf32> to vector<1x16xf32>
      tpu.vector_store %arg13[%swap3A, %swap3A_117], %swap3A_120 {strides = array<i32>} : memref<64x64xf32, #tpu.memory_space<vmem>>, vector<1x16xf32>,
      %scan3A_121 = arith.constant 0 : i32
      scf.yield %scan3A_121 : i32
    }
    %scan3A_17 = arith.constant 256 : i32
    %dma_wait3A = arith.constant 0 : i32
    %dma_wait3A_18 = tpu.memref_slice %arg3[%mul3A_2, %dma_wait3A] : memref<5120x128xi32, #tpu.memory_space<hbm>> -> memref<160x128xi32, #tpu.memory_space<hbm>>
    %dma_wait3A_19 = arith.constant 0 : i32
    %dma_wait3A_20 = tpu.memref_slice %arg3[%mul3A_2, %dma_wait3A_19] : memref<5120x128xi32, #tpu.memory_space<hbm>> -> memref<160x128xi32, #tpu.memory_space<hbm>>
    tpu.wait_dma2 semaphore(%arg14 : memref<!tpu.dma_semaphore, #tpu.memory_space<semaphore_mem>>) src(%dma_wait3A_20 : memref<160x128xi32, #tpu.memory_space<hbm>>) dst(%arg6 : memref<160x128xi32, #tpu.memory_space<vmem>>)
    %dma_wait3A_21 = arith.constant 0 : i32
    %dma_wait3A_22 = tpu.memref_slice %arg4[%mul3A_7, %dma_wait3A_21] : memref<2560x128xi32, #tpu.memory_space<hbm>> -> memref<160x128xi32, #tpu.memory_space<hbm>>
    %dma_wait3A_23 = arith.constant 0 : i32
    %dma_wait3A_24 = tpu.memref_slice %arg4[%mul3A_7, %dma_wait3A_23] : memref<2560x128xi32, #tpu.memory_space<hbm>> -> memref<160x128xi32, #tpu.memory_space<hbm>>
    tpu.wait_dma2 semaphore(%arg15 : memref<!tpu.dma_semaphore, #tpu.memory_space<semaphore_mem>>) src(%dma_wait3A_24 : memref<160x128xi32, #tpu.memory_space<hbm>>) dst(%arg7 : memref<160x128xi32, #tpu.memory_space<vmem>>)
    %dma_start3A_25 = arith.constant 0 : i32
    %dma_start3A_26 = arith.constant 0 : i32
    %dma_start3A_27 = tpu.memref_slice %arg6[%dma_start3A_25, %dma_start3A_26] : memref<160x128xi32, #tpu.memory_space<vmem>> -> memref<1x128xi32, #tpu.memory_space<vmem>>
    %dma_start3A_28 = tpu.memref_squeeze %dma_start3A_27 : memref<1x128xi32, #tpu.memory_space<vmem>> -> memref<128xi32, #tpu.memory_space<vmem>>
    %dma_start3A_29 = arith.constant 0 : i32
    %dma_start3A_30 = arith.constant 0 : i32
    %dma_start3A_31 = tpu.memref_slice %arg2[%dma_start3A_29, %dma_start3A_30] : memref<20480x64xf32, #tpu.memory_space<hbm>> -> memref<20480x64xf32, #tpu.memory_space<hbm>>
    tpu.enqueue_indirect_dma source(%dma_start3A_31 : memref<20480x64xf32, #tpu.memory_space<hbm>>) target(%arg8 : memref<128x64xf32, #tpu.memory_space<vmem>>) offsets(%dma_start3A_28 : memref<128xi32, #tpu.memory_space<vmem>>) semaphore(%arg16 : memref<!tpu.dma_semaphore, #tpu.memory_space<semaphore_mem>>)
    %dma_start3A_32 = arith.constant 1 : i32
    %dma_start3A_33 = arith.constant 0 : i32
    %dma_start3A_34 = tpu.memref_slice %arg6[%dma_start3A_32, %dma_start3A_33] : memref<160x128xi32, #tpu.memory_space<vmem>> -> memref<1x128xi32, #tpu.memory_space<vmem>>
    %dma_start3A_35 = tpu.memref_squeeze %dma_start3A_34 : memref<1x128xi32, #tpu.memory_space<vmem>> -> memref<128xi32, #tpu.memory_space<vmem>>
    %dma_start3A_36 = arith.constant 0 : i32
    %dma_start3A_37 = arith.constant 0 : i32
    %dma_start3A_38 = tpu.memref_slice %arg2[%dma_start3A_36, %dma_start3A_37] : memref<20480x64xf32, #tpu.memory_space<hbm>> -> memref<20480x64xf32, #tpu.memory_space<hbm>>
    tpu.enqueue_indirect_dma source(%dma_start3A_38 : memref<20480x64xf32, #tpu.memory_space<hbm>>) target(%arg9 : memref<128x64xf32, #tpu.memory_space<vmem>>) offsets(%dma_start3A_35 : memref<128xi32, #tpu.memory_space<vmem>>) semaphore(%arg17 : memref<!tpu.dma_semaphore, #tpu.memory_space<semaphore_mem>>)
    %dma_start3A_39 = arith.constant 2 : i32
    %dma_start3A_40 = arith.constant 0 : i32
    %dma_start3A_41 = tpu.memref_slice %arg6[%dma_start3A_39, %dma_start3A_40] : memref<160x128xi32, #tpu.memory_space<vmem>> -> memref<1x128xi32, #tpu.memory_space<vmem>>
    %dma_start3A_42 = tpu.memref_squeeze %dma_start3A_41 : memref<1x128xi32, #tpu.memory_space<vmem>> -> memref<128xi32, #tpu.memory_space<vmem>>
    %dma_start3A_43 = arith.constant 0 : i32
    %dma_start3A_44 = arith.constant 0 : i32
    %dma_start3A_45 = tpu.memref_slice %arg2[%dma_start3A_43, %dma_start3A_44] : memref<20480x64xf32, #tpu.memory_space<hbm>> -> memref<20480x64xf32, #tpu.memory_space<hbm>>
    tpu.enqueue_indirect_dma source(%dma_start3A_45 : memref<20480x64xf32, #tpu.memory_space<hbm>>) target(%arg10 : memref<128x64xf32, #tpu.memory_space<vmem>>) offsets(%dma_start3A_42 : memref<128xi32, #tpu.memory_space<vmem>>) semaphore(%arg18 : memref<!tpu.dma_semaphore, #tpu.memory_space<semaphore_mem>>)
    %scan3A_46 = arith.constant 0 : i32
    %scan3A_47 = arith.constant 0 : i32
    %scan3A_48 = arith.constant 10 : i32
    %scan3A_49 = arith.addi %scan3A_47, %scan3A_48 : i32
    %scan3A_50 = arith.constant 1 : i32
    %scan3A_51 = scf.for %scan3A_82 = %scan3A_47 to %scan3A_49 step %scan3A_50 iter_args(%scan3A_83 = %scan3A_46) -> (i32)  : i32 {
      %mul3A_84 = arith.constant 640 : i32
      %mul3A_85 = arith.muli %arg1, %mul3A_84 : i32
      %mul3A_86 = arith.constant 64 : i32
      %mul3A_87 = arith.muli %scan3A_82, %mul3A_86 : i32
      %add3A_88 = arith.addi %mul3A_85, %mul3A_87 : i32
      "tpu.region"() ({
        %run_scoped3A = tpu.sem_alloc : memref<!tpu.dma_semaphore, #tpu.memory_space<semaphore_mem>>
        %dma_start3A_90 = arith.constant 0 : i32
        %dma_start3A_91 = tpu.memref_slice %arg26[%add3A_88, %dma_start3A_90] : memref<10240x64xf32, #tpu.memory_space<vmem_shared>> -> memref<64x64xf32, #tpu.memory_space<vmem_shared>>
        %dma_start3A_92 = arith.constant 0 : i32
        %dma_start3A_93 = tpu.memref_slice %arg26[%add3A_88, %dma_start3A_92] : memref<10240x64xf32, #tpu.memory_space<vmem_shared>> -> memref<64x64xf32, #tpu.memory_space<vmem_shared>>
        tpu.enqueue_dma source(%arg13 : memref<64x64xf32, #tpu.memory_space<vmem>>) target(%dma_start3A_93 : memref<64x64xf32, #tpu.memory_space<vmem_shared>>) target_semaphore(%run_scoped3A : memref<!tpu.dma_semaphore, #tpu.memory_space<semaphore_mem>>)
        %dma_wait3A_94 = arith.constant 0 : i32
        %dma_wait3A_95 = tpu.memref_slice %arg26[%add3A_88, %dma_wait3A_94] : memref<10240x64xf32, #tpu.memory_space<vmem_shared>> -> memref<64x64xf32, #tpu.memory_space<vmem_shared>>
        %dma_wait3A_96 = arith.constant 0 : i32
        %dma_wait3A_97 = tpu.memref_slice %arg26[%add3A_88, %dma_wait3A_96] : memref<10240x64xf32, #tpu.memory_space<vmem_shared>> -> memref<64x64xf32, #tpu.memory_space<vmem_shared>>
        tpu.wait_dma2 semaphore(%run_scoped3A : memref<!tpu.dma_semaphore, #tpu.memory_space<semaphore_mem>>) src(%arg13 : memref<64x64xf32, #tpu.memory_space<vmem>>) dst(%dma_wait3A_97 : memref<64x64xf32, #tpu.memory_space<vmem_shared>>)
        tpu.yield
      }) : () -> ()
      %scan3A_89 = arith.constant 0 : i32
      scf.yield %scan3A_89 : i32
    }
    %scan3A_52 = arith.constant 10 : i32
    %barrier3A = arith.constant 0 : index
    tpu.barrier barrier_id(%barrier3A)
    %scan3A_53 = arith.constant 0 : i32
    %scan3A_54 = arith.constant 0 : i32
    %scan3A_55 = arith.constant 32 : i32
    %scan3A_56 = arith.addi %scan3A_54, %scan3A_55 : i32
    %scan3A_57 = arith.constant 1 : i32
    %scan3A_58 = scf.for %scan3A_82 = %scan3A_54 to %scan3A_56 step %scan3A_57 iter_args(%scan3A_83 = %scan3A_53) -> (i32)  : i32 {
      %mul3A_84 = arith.constant 5 : i32
      %mul3A_85 = arith.muli %mul3A_84, %scan3A_82 : i32
      %add3A_86 = arith.constant 0 : i32
      %add3A_87 = arith.addi %mul3A_85, %add3A_86 : i32
      %ge3A = arith.constant 2 : i32
      %ge3A_88 = arith.cmpi sge, %add3A_87, %ge3A : i32
      %convert_element_type3A = arith.extui %ge3A_88 : i1 to i32
      %cond3A = arith.constant 0 : i32
      %cond3A_89 = arith.cmpi ne, %convert_element_type3A, %cond3A : i32
      scf.if %cond3A_89 {
        %sub3A = arith.constant 2 : i32
        %sub3A_221 = arith.subi %add3A_87, %sub3A : i32
        %dma_wait3A_222 = arith.constant 0 : i32
        %dma_wait3A_223 = tpu.memref_slice %arg7[%sub3A_221, %dma_wait3A_222] : memref<160x128xi32, #tpu.memory_space<vmem>> -> memref<1x128xi32, #tpu.memory_space<vmem>>
        %dma_wait3A_224 = tpu.memref_squeeze %dma_wait3A_223 : memref<1x128xi32, #tpu.memory_space<vmem>> -> memref<128xi32, #tpu.memory_space<vmem>>
        %dma_wait3A_225 = arith.constant 0 : i32
        %dma_wait3A_226 = arith.constant 0 : i32
        %dma_wait3A_227 = tpu.memref_slice %arg26[%dma_wait3A_225, %dma_wait3A_226] : memref<10240x64xf32, #tpu.memory_space<vmem_shared>> -> memref<10240x64xf32, #tpu.memory_space<vmem_shared>>
        tpu.wait_indirect_dma semaphore(%arg24 : memref<!tpu.dma_semaphore, #tpu.memory_space<semaphore_mem>>) src(%arg11 : memref<128x64xf32, #tpu.memory_space<vmem>>) dst(%dma_wait3A_227 : memref<10240x64xf32, #tpu.memory_space<vmem_shared>>)
      } else {
      }
      %add3A_90 = arith.constant 3 : i32
      %add3A_91 = arith.addi %add3A_87, %add3A_90 : i32
      %lt3A = arith.constant 160 : i32
      %lt3A_92 = arith.cmpi slt, %add3A_91, %lt3A : i32
      %convert_element_type3A_93 = arith.extui %lt3A_92 : i1 to i32
      %cond3A_94 = arith.constant 0 : i32
      %cond3A_95 = arith.cmpi ne, %convert_element_type3A_93, %cond3A_94 : i32
      scf.if %cond3A_95 {
        %add3A_221 = arith.constant 3 : i32
        %add3A_222 = arith.addi %add3A_87, %add3A_221 : i32
        %dma_start3A_223 = arith.constant 0 : i32
        %dma_start3A_224 = tpu.memref_slice %arg6[%add3A_222, %dma_start3A_223] : memref<160x128xi32, #tpu.memory_space<vmem>> -> memref<1x128xi32, #tpu.memory_space<vmem>>
        %dma_start3A_225 = tpu.memref_squeeze %dma_start3A_224 : memref<1x128xi32, #tpu.memory_space<vmem>> -> memref<128xi32, #tpu.memory_space<vmem>>
        %dma_start3A_226 = arith.constant 0 : i32
        %dma_start3A_227 = arith.constant 0 : i32
        %dma_start3A_228 = tpu.memref_slice %arg2[%dma_start3A_226, %dma_start3A_227] : memref<20480x64xf32, #tpu.memory_space<hbm>> -> memref<20480x64xf32, #tpu.memory_space<hbm>>
        tpu.enqueue_indirect_dma source(%dma_start3A_228 : memref<20480x64xf32, #tpu.memory_space<hbm>>) target(%arg11 : memref<128x64xf32, #tpu.memory_space<vmem>>) offsets(%dma_start3A_225 : memref<128xi32, #tpu.memory_space<vmem>>) semaphore(%arg19 : memref<!tpu.dma_semaphore, #tpu.memory_space<semaphore_mem>>)
      } else {
      }
      %dma_wait3A_96 = arith.constant 0 : i32
      %dma_wait3A_97 = tpu.memref_slice %arg6[%add3A_87, %dma_wait3A_96] : memref<160x128xi32, #tpu.memory_space<vmem>> -> memref<1x128xi32, #tpu.memory_space<vmem>>
      %dma_wait3A_98 = tpu.memref_squeeze %dma_wait3A_97 : memref<1x128xi32, #tpu.memory_space<vmem>> -> memref<128xi32, #tpu.memory_space<vmem>>
      %dma_wait3A_99 = arith.constant 0 : i32
      %dma_wait3A_100 = arith.constant 0 : i32
      %dma_wait3A_101 = tpu.memref_slice %arg2[%dma_wait3A_99, %dma_wait3A_100] : memref<20480x64xf32, #tpu.memory_space<hbm>> -> memref<20480x64xf32, #tpu.memory_space<hbm>>
      tpu.wait_indirect_dma semaphore(%arg16 : memref<!tpu.dma_semaphore, #tpu.memory_space<semaphore_mem>>) src(%dma_wait3A_101 : memref<20480x64xf32, #tpu.memory_space<hbm>>) dst(%arg8 : memref<128x64xf32, #tpu.memory_space<vmem>>)
      %dma_start3A_102 = arith.constant 0 : i32
      %dma_start3A_103 = tpu.memref_slice %arg7[%add3A_87, %dma_start3A_102] : memref<160x128xi32, #tpu.memory_space<vmem>> -> memref<1x128xi32, #tpu.memory_space<vmem>>
      %dma_start3A_104 = tpu.memref_squeeze %dma_start3A_103 : memref<1x128xi32, #tpu.memory_space<vmem>> -> memref<128xi32, #tpu.memory_space<vmem>>
      %dma_start3A_105 = arith.constant 0 : i32
      %dma_start3A_106 = arith.constant 0 : i32
      %dma_start3A_107 = tpu.memref_slice %arg26[%dma_start3A_105, %dma_start3A_106] : memref<10240x64xf32, #tpu.memory_space<vmem_shared>> -> memref<10240x64xf32, #tpu.memory_space<vmem_shared>>
      tpu.enqueue_indirect_dma source(%arg8 : memref<128x64xf32, #tpu.memory_space<vmem>>) target(%dma_start3A_107 : memref<10240x64xf32, #tpu.memory_space<vmem_shared>>) offsets(%dma_start3A_104 : memref<128xi32, #tpu.memory_space<vmem>>) semaphore(%arg21 : memref<!tpu.dma_semaphore, #tpu.memory_space<semaphore_mem>>) {add = true}
      %mul3A_108 = arith.constant 5 : i32
      %mul3A_109 = arith.muli %mul3A_108, %scan3A_82 : i32
      %add3A_110 = arith.constant 1 : i32
      %add3A_111 = arith.addi %mul3A_109, %add3A_110 : i32
      %ge3A_112 = arith.constant 2 : i32
      %ge3A_113 = arith.cmpi sge, %add3A_111, %ge3A_112 : i32
      %convert_element_type3A_114 = arith.extui %ge3A_113 : i1 to i32
      %cond3A_115 = arith.constant 0 : i32
      %cond3A_116 = arith.cmpi ne, %convert_element_type3A_114, %cond3A_115 : i32
      scf.if %cond3A_116 {
        %sub3A = arith.constant 2 : i32
        %sub3A_221 = arith.subi %add3A_111, %sub3A : i32
        %dma_wait3A_222 = arith.constant 0 : i32
        %dma_wait3A_223 = tpu.memref_slice %arg7[%sub3A_221, %dma_wait3A_222] : memref<160x128xi32, #tpu.memory_space<vmem>> -> memref<1x128xi32, #tpu.memory_space<vmem>>
        %dma_wait3A_224 = tpu.memref_squeeze %dma_wait3A_223 : memref<1x128xi32, #tpu.memory_space<vmem>> -> memref<128xi32, #tpu.memory_space<vmem>>
        %dma_wait3A_225 = arith.constant 0 : i32
        %dma_wait3A_226 = arith.constant 0 : i32
        %dma_wait3A_227 = tpu.memref_slice %arg26[%dma_wait3A_225, %dma_wait3A_226] : memref<10240x64xf32, #tpu.memory_space<vmem_shared>> -> memref<10240x64xf32, #tpu.memory_space<vmem_shared>>
        tpu.wait_indirect_dma semaphore(%arg25 : memref<!tpu.dma_semaphore, #tpu.memory_space<semaphore_mem>>) src(%arg12 : memref<128x64xf32, #tpu.memory_space<vmem>>) dst(%dma_wait3A_227 : memref<10240x64xf32, #tpu.memory_space<vmem_shared>>)
      } else {
      }
      %add3A_117 = arith.constant 3 : i32
      %add3A_118 = arith.addi %add3A_111, %add3A_117 : i32
      %lt3A_119 = arith.constant 160 : i32
      %lt3A_120 = arith.cmpi slt, %add3A_118, %lt3A_119 : i32
      %convert_element_type3A_121 = arith.extui %lt3A_120 : i1 to i32
      %cond3A_122 = arith.constant 0 : i32
      %cond3A_123 = arith.cmpi ne, %convert_element_type3A_121, %cond3A_122 : i32
      scf.if %cond3A_123 {
        %add3A_221 = arith.constant 3 : i32
        %add3A_222 = arith.addi %add3A_111, %add3A_221 : i32
        %dma_start3A_223 = arith.constant 0 : i32
        %dma_start3A_224 = tpu.memref_slice %arg6[%add3A_222, %dma_start3A_223] : memref<160x128xi32, #tpu.memory_space<vmem>> -> memref<1x128xi32, #tpu.memory_space<vmem>>
        %dma_start3A_225 = tpu.memref_squeeze %dma_start3A_224 : memref<1x128xi32, #tpu.memory_space<vmem>> -> memref<128xi32, #tpu.memory_space<vmem>>
        %dma_start3A_226 = arith.constant 0 : i32
        %dma_start3A_227 = arith.constant 0 : i32
        %dma_start3A_228 = tpu.memref_slice %arg2[%dma_start3A_226, %dma_start3A_227] : memref<20480x64xf32, #tpu.memory_space<hbm>> -> memref<20480x64xf32, #tpu.memory_space<hbm>>
        tpu.enqueue_indirect_dma source(%dma_start3A_228 : memref<20480x64xf32, #tpu.memory_space<hbm>>) target(%arg12 : memref<128x64xf32, #tpu.memory_space<vmem>>) offsets(%dma_start3A_225 : memref<128xi32, #tpu.memory_space<vmem>>) semaphore(%arg20 : memref<!tpu.dma_semaphore, #tpu.memory_space<semaphore_mem>>)
      } else {
      }
      %dma_wait3A_124 = arith.constant 0 : i32
      %dma_wait3A_125 = tpu.memref_slice %arg6[%add3A_111, %dma_wait3A_124] : memref<160x128xi32, #tpu.memory_space<vmem>> -> memref<1x128xi32, #tpu.memory_space<vmem>>
      %dma_wait3A_126 = tpu.memref_squeeze %dma_wait3A_125 : memref<1x128xi32, #tpu.memory_space<vmem>> -> memref<128xi32, #tpu.memory_space<vmem>>
      %dma_wait3A_127 = arith.constant 0 : i32
      %dma_wait3A_128 = arith.constant 0 : i32
      %dma_wait3A_129 = tpu.memref_slice %arg2[%dma_wait3A_127, %dma_wait3A_128] : memref<20480x64xf32, #tpu.memory_space<hbm>> -> memref<20480x64xf32, #tpu.memory_space<hbm>>
      tpu.wait_indirect_dma semaphore(%arg17 : memref<!tpu.dma_semaphore, #tpu.memory_space<semaphore_mem>>) src(%dma_wait3A_129 : memref<20480x64xf32, #tpu.memory_space<hbm>>) dst(%arg9 : memref<128x64xf32, #tpu.memory_space<vmem>>)
      %dma_start3A_130 = arith.constant 0 : i32
      %dma_start3A_131 = tpu.memref_slice %arg7[%add3A_111, %dma_start3A_130] : memref<160x128xi32, #tpu.memory_space<vmem>> -> memref<1x128xi32, #tpu.memory_space<vmem>>
      %dma_start3A_132 = tpu.memref_squeeze %dma_start3A_131 : memref<1x128xi32, #tpu.memory_space<vmem>> -> memref<128xi32, #tpu.memory_space<vmem>>
      %dma_start3A_133 = arith.constant 0 : i32
      %dma_start3A_134 = arith.constant 0 : i32
      %dma_start3A_135 = tpu.memref_slice %arg26[%dma_start3A_133, %dma_start3A_134] : memref<10240x64xf32, #tpu.memory_space<vmem_shared>> -> memref<10240x64xf32, #tpu.memory_space<vmem_shared>>
      tpu.enqueue_indirect_dma source(%arg9 : memref<128x64xf32, #tpu.memory_space<vmem>>) target(%dma_start3A_135 : memref<10240x64xf32, #tpu.memory_space<vmem_shared>>) offsets(%dma_start3A_132 : memref<128xi32, #tpu.memory_space<vmem>>) semaphore(%arg22 : memref<!tpu.dma_semaphore, #tpu.memory_space<semaphore_mem>>) {add = true}
      %mul3A_136 = arith.constant 5 : i32
      %mul3A_137 = arith.muli %mul3A_136, %scan3A_82 : i32
      %add3A_138 = arith.constant 2 : i32
      %add3A_139 = arith.addi %mul3A_137, %add3A_138 : i32
      %ge3A_140 = arith.constant 2 : i32
      %ge3A_141 = arith.cmpi sge, %add3A_139, %ge3A_140 : i32
      %convert_element_type3A_142 = arith.extui %ge3A_141 : i1 to i32
      %cond3A_143 = arith.constant 0 : i32
      %cond3A_144 = arith.cmpi ne, %convert_element_type3A_142, %cond3A_143 : i32
      scf.if %cond3A_144 {
        %sub3A = arith.constant 2 : i32
        %sub3A_221 = arith.subi %add3A_139, %sub3A : i32
        %dma_wait3A_222 = arith.constant 0 : i32
        %dma_wait3A_223 = tpu.memref_slice %arg7[%sub3A_221, %dma_wait3A_222] : memref<160x128xi32, #tpu.memory_space<vmem>> -> memref<1x128xi32, #tpu.memory_space<vmem>>
        %dma_wait3A_224 = tpu.memref_squeeze %dma_wait3A_223 : memref<1x128xi32, #tpu.memory_space<vmem>> -> memref<128xi32, #tpu.memory_space<vmem>>
        %dma_wait3A_225 = arith.constant 0 : i32
        %dma_wait3A_226 = arith.constant 0 : i32
        %dma_wait3A_227 = tpu.memref_slice %arg26[%dma_wait3A_225, %dma_wait3A_226] : memref<10240x64xf32, #tpu.memory_space<vmem_shared>> -> memref<10240x64xf32, #tpu.memory_space<vmem_shared>>
        tpu.wait_indirect_dma semaphore(%arg21 : memref<!tpu.dma_semaphore, #tpu.memory_space<semaphore_mem>>) src(%arg8 : memref<128x64xf32, #tpu.memory_space<vmem>>) dst(%dma_wait3A_227 : memref<10240x64xf32, #tpu.memory_space<vmem_shared>>)
      } else {
      }
      %add3A_145 = arith.constant 3 : i32
      %add3A_146 = arith.addi %add3A_139, %add3A_145 : i32
      %lt3A_147 = arith.constant 160 : i32
      %lt3A_148 = arith.cmpi slt, %add3A_146, %lt3A_147 : i32
      %convert_element_type3A_149 = arith.extui %lt3A_148 : i1 to i32
      %cond3A_150 = arith.constant 0 : i32
      %cond3A_151 = arith.cmpi ne, %convert_element_type3A_149, %cond3A_150 : i32
      scf.if %cond3A_151 {
        %add3A_221 = arith.constant 3 : i32
        %add3A_222 = arith.addi %add3A_139, %add3A_221 : i32
        %dma_start3A_223 = arith.constant 0 : i32
        %dma_start3A_224 = tpu.memref_slice %arg6[%add3A_222, %dma_start3A_223] : memref<160x128xi32, #tpu.memory_space<vmem>> -> memref<1x128xi32, #tpu.memory_space<vmem>>
        %dma_start3A_225 = tpu.memref_squeeze %dma_start3A_224 : memref<1x128xi32, #tpu.memory_space<vmem>> -> memref<128xi32, #tpu.memory_space<vmem>>
        %dma_start3A_226 = arith.constant 0 : i32
        %dma_start3A_227 = arith.constant 0 : i32
        %dma_start3A_228 = tpu.memref_slice %arg2[%dma_start3A_226, %dma_start3A_227] : memref<20480x64xf32, #tpu.memory_space<hbm>> -> memref<20480x64xf32, #tpu.memory_space<hbm>>
        tpu.enqueue_indirect_dma source(%dma_start3A_228 : memref<20480x64xf32, #tpu.memory_space<hbm>>) target(%arg8 : memref<128x64xf32, #tpu.memory_space<vmem>>) offsets(%dma_start3A_225 : memref<128xi32, #tpu.memory_space<vmem>>) semaphore(%arg16 : memref<!tpu.dma_semaphore, #tpu.memory_space<semaphore_mem>>)
      } else {
      }
      %dma_wait3A_152 = arith.constant 0 : i32
      %dma_wait3A_153 = tpu.memref_slice %arg6[%add3A_139, %dma_wait3A_152] : memref<160x128xi32, #tpu.memory_space<vmem>> -> memref<1x128xi32, #tpu.memory_space<vmem>>
      %dma_wait3A_154 = tpu.memref_squeeze %dma_wait3A_153 : memref<1x128xi32, #tpu.memory_space<vmem>> -> memref<128xi32, #tpu.memory_space<vmem>>
      %dma_wait3A_155 = arith.constant 0 : i32
      %dma_wait3A_156 = arith.constant 0 : i32
      %dma_wait3A_157 = tpu.memref_slice %arg2[%dma_wait3A_155, %dma_wait3A_156] : memref<20480x64xf32, #tpu.memory_space<hbm>> -> memref<20480x64xf32, #tpu.memory_space<hbm>>
      tpu.wait_indirect_dma semaphore(%arg18 : memref<!tpu.dma_semaphore, #tpu.memory_space<semaphore_mem>>) src(%dma_wait3A_157 : memref<20480x64xf32, #tpu.memory_space<hbm>>) dst(%arg10 : memref<128x64xf32, #tpu.memory_space<vmem>>)
      %dma_start3A_158 = arith.constant 0 : i32
      %dma_start3A_159 = tpu.memref_slice %arg7[%add3A_139, %dma_start3A_158] : memref<160x128xi32, #tpu.memory_space<vmem>> -> memref<1x128xi32, #tpu.memory_space<vmem>>
      %dma_start3A_160 = tpu.memref_squeeze %dma_start3A_159 : memref<1x128xi32, #tpu.memory_space<vmem>> -> memref<128xi32, #tpu.memory_space<vmem>>
      %dma_start3A_161 = arith.constant 0 : i32
      %dma_start3A_162 = arith.constant 0 : i32
      %dma_start3A_163 = tpu.memref_slice %arg26[%dma_start3A_161, %dma_start3A_162] : memref<10240x64xf32, #tpu.memory_space<vmem_shared>> -> memref<10240x64xf32, #tpu.memory_space<vmem_shared>>
      tpu.enqueue_indirect_dma source(%arg10 : memref<128x64xf32, #tpu.memory_space<vmem>>) target(%dma_start3A_163 : memref<10240x64xf32, #tpu.memory_space<vmem_shared>>) offsets(%dma_start3A_160 : memref<128xi32, #tpu.memory_space<vmem>>) semaphore(%arg23 : memref<!tpu.dma_semaphore, #tpu.memory_space<semaphore_mem>>) {add = true}
      %mul3A_164 = arith.constant 5 : i32
      %mul3A_165 = arith.muli %mul3A_164, %scan3A_82 : i32
      %add3A_166 = arith.constant 3 : i32
      %add3A_167 = arith.addi %mul3A_165, %add3A_166 : i32
      %ge3A_168 = arith.constant 2 : i32
      %ge3A_169 = arith.cmpi sge, %add3A_167, %ge3A_168 : i32
      %convert_element_type3A_170 = arith.extui %ge3A_169 : i1 to i32
      %cond3A_171 = arith.constant 0 : i32
      %cond3A_172 = arith.cmpi ne, %convert_element_type3A_170, %cond3A_171 : i32
      scf.if %cond3A_172 {
        %sub3A = arith.constant 2 : i32
        %sub3A_221 = arith.subi %add3A_167, %sub3A : i32
        %dma_wait3A_222 = arith.constant 0 : i32
        %dma_wait3A_223 = tpu.memref_slice %arg7[%sub3A_221, %dma_wait3A_222] : memref<160x128xi32, #tpu.memory_space<vmem>> -> memref<1x128xi32, #tpu.memory_space<vmem>>
        %dma_wait3A_224 = tpu.memref_squeeze %dma_wait3A_223 : memref<1x128xi32, #tpu.memory_space<vmem>> -> memref<128xi32, #tpu.memory_space<vmem>>
        %dma_wait3A_225 = arith.constant 0 : i32
        %dma_wait3A_226 = arith.constant 0 : i32
        %dma_wait3A_227 = tpu.memref_slice %arg26[%dma_wait3A_225, %dma_wait3A_226] : memref<10240x64xf32, #tpu.memory_space<vmem_shared>> -> memref<10240x64xf32, #tpu.memory_space<vmem_shared>>
        tpu.wait_indirect_dma semaphore(%arg22 : memref<!tpu.dma_semaphore, #tpu.memory_space<semaphore_mem>>) src(%arg9 : memref<128x64xf32, #tpu.memory_space<vmem>>) dst(%dma_wait3A_227 : memref<10240x64xf32, #tpu.memory_space<vmem_shared>>)
      } else {
      }
      %add3A_173 = arith.constant 3 : i32
      %add3A_174 = arith.addi %add3A_167, %add3A_173 : i32
      %lt3A_175 = arith.constant 160 : i32
      %lt3A_176 = arith.cmpi slt, %add3A_174, %lt3A_175 : i32
      %convert_element_type3A_177 = arith.extui %lt3A_176 : i1 to i32
      %cond3A_178 = arith.constant 0 : i32
      %cond3A_179 = arith.cmpi ne, %convert_element_type3A_177, %cond3A_178 : i32
      scf.if %cond3A_179 {
        %add3A_221 = arith.constant 3 : i32
        %add3A_222 = arith.addi %add3A_167, %add3A_221 : i32
        %dma_start3A_223 = arith.constant 0 : i32
        %dma_start3A_224 = tpu.memref_slice %arg6[%add3A_222, %dma_start3A_223] : memref<160x128xi32, #tpu.memory_space<vmem>> -> memref<1x128xi32, #tpu.memory_space<vmem>>
        %dma_start3A_225 = tpu.memref_squeeze %dma_start3A_224 : memref<1x128xi32, #tpu.memory_space<vmem>> -> memref<128xi32, #tpu.memory_space<vmem>>
        %dma_start3A_226 = arith.constant 0 : i32
        %dma_start3A_227 = arith.constant 0 : i32
        %dma_start3A_228 = tpu.memref_slice %arg2[%dma_start3A_226, %dma_start3A_227] : memref<20480x64xf32, #tpu.memory_space<hbm>> -> memref<20480x64xf32, #tpu.memory_space<hbm>>
        tpu.enqueue_indirect_dma source(%dma_start3A_228 : memref<20480x64xf32, #tpu.memory_space<hbm>>) target(%arg9 : memref<128x64xf32, #tpu.memory_space<vmem>>) offsets(%dma_start3A_225 : memref<128xi32, #tpu.memory_space<vmem>>) semaphore(%arg17 : memref<!tpu.dma_semaphore, #tpu.memory_space<semaphore_mem>>)
      } else {
      }
      %dma_wait3A_180 = arith.constant 0 : i32
      %dma_wait3A_181 = tpu.memref_slice %arg6[%add3A_167, %dma_wait3A_180] : memref<160x128xi32, #tpu.memory_space<vmem>> -> memref<1x128xi32, #tpu.memory_space<vmem>>
      %dma_wait3A_182 = tpu.memref_squeeze %dma_wait3A_181 : memref<1x128xi32, #tpu.memory_space<vmem>> -> memref<128xi32, #tpu.memory_space<vmem>>
      %dma_wait3A_183 = arith.constant 0 : i32
      %dma_wait3A_184 = arith.constant 0 : i32
      %dma_wait3A_185 = tpu.memref_slice %arg2[%dma_wait3A_183, %dma_wait3A_184] : memref<20480x64xf32, #tpu.memory_space<hbm>> -> memref<20480x64xf32, #tpu.memory_space<hbm>>
      tpu.wait_indirect_dma semaphore(%arg19 : memref<!tpu.dma_semaphore, #tpu.memory_space<semaphore_mem>>) src(%dma_wait3A_185 : memref<20480x64xf32, #tpu.memory_space<hbm>>) dst(%arg11 : memref<128x64xf32, #tpu.memory_space<vmem>>)
      %dma_start3A_186 = arith.constant 0 : i32
      %dma_start3A_187 = tpu.memref_slice %arg7[%add3A_167, %dma_start3A_186] : memref<160x128xi32, #tpu.memory_space<vmem>> -> memref<1x128xi32, #tpu.memory_space<vmem>>
      %dma_start3A_188 = tpu.memref_squeeze %dma_start3A_187 : memref<1x128xi32, #tpu.memory_space<vmem>> -> memref<128xi32, #tpu.memory_space<vmem>>
      %dma_start3A_189 = arith.constant 0 : i32
      %dma_start3A_190 = arith.constant 0 : i32
      %dma_start3A_191 = tpu.memref_slice %arg26[%dma_start3A_189, %dma_start3A_190] : memref<10240x64xf32, #tpu.memory_space<vmem_shared>> -> memref<10240x64xf32, #tpu.memory_space<vmem_shared>>
      tpu.enqueue_indirect_dma source(%arg11 : memref<128x64xf32, #tpu.memory_space<vmem>>) target(%dma_start3A_191 : memref<10240x64xf32, #tpu.memory_space<vmem_shared>>) offsets(%dma_start3A_188 : memref<128xi32, #tpu.memory_space<vmem>>) semaphore(%arg24 : memref<!tpu.dma_semaphore, #tpu.memory_space<semaphore_mem>>) {add = true}
      %mul3A_192 = arith.constant 5 : i32
      %mul3A_193 = arith.muli %mul3A_192, %scan3A_82 : i32
      %add3A_194 = arith.constant 4 : i32
      %add3A_195 = arith.addi %mul3A_193, %add3A_194 : i32
      %ge3A_196 = arith.constant 2 : i32
      %ge3A_197 = arith.cmpi sge, %add3A_195, %ge3A_196 : i32
      %convert_element_type3A_198 = arith.extui %ge3A_197 : i1 to i32
      %cond3A_199 = arith.constant 0 : i32
      %cond3A_200 = arith.cmpi ne, %convert_element_type3A_198, %cond3A_199 : i32
      scf.if %cond3A_200 {
        %sub3A = arith.constant 2 : i32
        %sub3A_221 = arith.subi %add3A_195, %sub3A : i32
        %dma_wait3A_222 = arith.constant 0 : i32
        %dma_wait3A_223 = tpu.memref_slice %arg7[%sub3A_221, %dma_wait3A_222] : memref<160x128xi32, #tpu.memory_space<vmem>> -> memref<1x128xi32, #tpu.memory_space<vmem>>
        %dma_wait3A_224 = tpu.memref_squeeze %dma_wait3A_223 : memref<1x128xi32, #tpu.memory_space<vmem>> -> memref<128xi32, #tpu.memory_space<vmem>>
        %dma_wait3A_225 = arith.constant 0 : i32
        %dma_wait3A_226 = arith.constant 0 : i32
        %dma_wait3A_227 = tpu.memref_slice %arg26[%dma_wait3A_225, %dma_wait3A_226] : memref<10240x64xf32, #tpu.memory_space<vmem_shared>> -> memref<10240x64xf32, #tpu.memory_space<vmem_shared>>
        tpu.wait_indirect_dma semaphore(%arg23 : memref<!tpu.dma_semaphore, #tpu.memory_space<semaphore_mem>>) src(%arg10 : memref<128x64xf32, #tpu.memory_space<vmem>>) dst(%dma_wait3A_227 : memref<10240x64xf32, #tpu.memory_space<vmem_shared>>)
      } else {
      }
      %add3A_201 = arith.constant 3 : i32
      %add3A_202 = arith.addi %add3A_195, %add3A_201 : i32
      %lt3A_203 = arith.constant 160 : i32
      %lt3A_204 = arith.cmpi slt, %add3A_202, %lt3A_203 : i32
      %convert_element_type3A_205 = arith.extui %lt3A_204 : i1 to i32
      %cond3A_206 = arith.constant 0 : i32
      %cond3A_207 = arith.cmpi ne, %convert_element_type3A_205, %cond3A_206 : i32
      scf.if %cond3A_207 {
        %add3A_221 = arith.constant 3 : i32
        %add3A_222 = arith.addi %add3A_195, %add3A_221 : i32
        %dma_start3A_223 = arith.constant 0 : i32
        %dma_start3A_224 = tpu.memref_slice %arg6[%add3A_222, %dma_start3A_223] : memref<160x128xi32, #tpu.memory_space<vmem>> -> memref<1x128xi32, #tpu.memory_space<vmem>>
        %dma_start3A_225 = tpu.memref_squeeze %dma_start3A_224 : memref<1x128xi32, #tpu.memory_space<vmem>> -> memref<128xi32, #tpu.memory_space<vmem>>
        %dma_start3A_226 = arith.constant 0 : i32
        %dma_start3A_227 = arith.constant 0 : i32
        %dma_start3A_228 = tpu.memref_slice %arg2[%dma_start3A_226, %dma_start3A_227] : memref<20480x64xf32, #tpu.memory_space<hbm>> -> memref<20480x64xf32, #tpu.memory_space<hbm>>
        tpu.enqueue_indirect_dma source(%dma_start3A_228 : memref<20480x64xf32, #tpu.memory_space<hbm>>) target(%arg10 : memref<128x64xf32, #tpu.memory_space<vmem>>) offsets(%dma_start3A_225 : memref<128xi32, #tpu.memory_space<vmem>>) semaphore(%arg18 : memref<!tpu.dma_semaphore, #tpu.memory_space<semaphore_mem>>)
      } else {
      }
      %dma_wait3A_208 = arith.constant 0 : i32
      %dma_wait3A_209 = tpu.memref_slice %arg6[%add3A_195, %dma_wait3A_208] : memref<160x128xi32, #tpu.memory_space<vmem>> -> memref<1x128xi32, #tpu.memory_space<vmem>>
      %dma_wait3A_210 = tpu.memref_squeeze %dma_wait3A_209 : memref<1x128xi32, #tpu.memory_space<vmem>> -> memref<128xi32, #tpu.memory_space<vmem>>
      %dma_wait3A_211 = arith.constant 0 : i32
      %dma_wait3A_212 = arith.constant 0 : i32
      %dma_wait3A_213 = tpu.memref_slice %arg2[%dma_wait3A_211, %dma_wait3A_212] : memref<20480x64xf32, #tpu.memory_space<hbm>> -> memref<20480x64xf32, #tpu.memory_space<hbm>>
      tpu.wait_indirect_dma semaphore(%arg20 : memref<!tpu.dma_semaphore, #tpu.memory_space<semaphore_mem>>) src(%dma_wait3A_213 : memref<20480x64xf32, #tpu.memory_space<hbm>>) dst(%arg12 : memref<128x64xf32, #tpu.memory_space<vmem>>)
      %dma_start3A_214 = arith.constant 0 : i32
      %dma_start3A_215 = tpu.memref_slice %arg7[%add3A_195, %dma_start3A_214] : memref<160x128xi32, #tpu.memory_space<vmem>> -> memref<1x128xi32, #tpu.memory_space<vmem>>
      %dma_start3A_216 = tpu.memref_squeeze %dma_start3A_215 : memref<1x128xi32, #tpu.memory_space<vmem>> -> memref<128xi32, #tpu.memory_space<vmem>>
      %dma_start3A_217 = arith.constant 0 : i32
      %dma_start3A_218 = arith.constant 0 : i32
      %dma_start3A_219 = tpu.memref_slice %arg26[%dma_start3A_217, %dma_start3A_218] : memref<10240x64xf32, #tpu.memory_space<vmem_shared>> -> memref<10240x64xf32, #tpu.memory_space<vmem_shared>>
      tpu.enqueue_indirect_dma source(%arg12 : memref<128x64xf32, #tpu.memory_space<vmem>>) target(%dma_start3A_219 : memref<10240x64xf32, #tpu.memory_space<vmem_shared>>) offsets(%dma_start3A_216 : memref<128xi32, #tpu.memory_space<vmem>>) semaphore(%arg25 : memref<!tpu.dma_semaphore, #tpu.memory_space<semaphore_mem>>) {add = true}
      %scan3A_220 = arith.constant 0 : i32
      scf.yield %scan3A_220 : i32
    }
    %scan3A_59 = arith.constant 32 : i32
    %dma_wait3A_60 = arith.constant 158 : i32
    %dma_wait3A_61 = arith.constant 0 : i32
    %dma_wait3A_62 = tpu.memref_slice %arg7[%dma_wait3A_60, %dma_wait3A_61] : memref<160x128xi32, #tpu.memory_space<vmem>> -> memref<1x128xi32, #tpu.memory_space<vmem>>
    %dma_wait3A_63 = tpu.memref_squeeze %dma_wait3A_62 : memref<1x128xi32, #tpu.memory_space<vmem>> -> memref<128xi32, #tpu.memory_space<vmem>>
    %dma_wait3A_64 = arith.constant 0 : i32
    %dma_wait3A_65 = arith.constant 0 : i32
    %dma_wait3A_66 = tpu.memref_slice %arg26[%dma_wait3A_64, %dma_wait3A_65] : memref<10240x64xf32, #tpu.memory_space<vmem_shared>> -> memref<10240x64xf32, #tpu.memory_space<vmem_shared>>
    tpu.wait_indirect_dma semaphore(%arg24 : memref<!tpu.dma_semaphore, #tpu.memory_space<semaphore_mem>>) src(%arg11 : memref<128x64xf32, #tpu.memory_space<vmem>>) dst(%dma_wait3A_66 : memref<10240x64xf32, #tpu.memory_space<vmem_shared>>)
    %dma_wait3A_67 = arith.constant 159 : i32
    %dma_wait3A_68 = arith.constant 0 : i32
    %dma_wait3A_69 = tpu.memref_slice %arg7[%dma_wait3A_67, %dma_wait3A_68] : memref<160x128xi32, #tpu.memory_space<vmem>> -> memref<1x128xi32, #tpu.memory_space<vmem>>
    %dma_wait3A_70 = tpu.memref_squeeze %dma_wait3A_69 : memref<1x128xi32, #tpu.memory_space<vmem>> -> memref<128xi32, #tpu.memory_space<vmem>>
    %dma_wait3A_71 = arith.constant 0 : i32
    %dma_wait3A_72 = arith.constant 0 : i32
    %dma_wait3A_73 = tpu.memref_slice %arg26[%dma_wait3A_71, %dma_wait3A_72] : memref<10240x64xf32, #tpu.memory_space<vmem_shared>> -> memref<10240x64xf32, #tpu.memory_space<vmem_shared>>
    tpu.wait_indirect_dma semaphore(%arg25 : memref<!tpu.dma_semaphore, #tpu.memory_space<semaphore_mem>>) src(%arg12 : memref<128x64xf32, #tpu.memory_space<vmem>>) dst(%dma_wait3A_73 : memref<10240x64xf32, #tpu.memory_space<vmem_shared>>)
    %barrier3A_74 = arith.constant 0 : index
    tpu.barrier barrier_id(%barrier3A_74)
    %scan3A_75 = arith.constant 0 : i32
    %scan3A_76 = arith.constant 0 : i32
    %scan3A_77 = arith.constant 5 : i32
    %scan3A_78 = arith.addi %scan3A_76, %scan3A_77 : i32
    %scan3A_79 = arith.constant 1 : i32
    %scan3A_80 = scf.for %scan3A_82 = %scan3A_76 to %scan3A_78 step %scan3A_79 iter_args(%scan3A_83 = %scan3A_75) -> (i32)  : i32 {
      %mul3A_84 = arith.constant 640 : i32
      %mul3A_85 = arith.muli %arg1, %mul3A_84 : i32
      %mul3A_86 = arith.constant 128 : i32
      %mul3A_87 = arith.muli %scan3A_82, %mul3A_86 : i32
      %add3A_88 = arith.addi %mul3A_85, %mul3A_87 : i32
      %mul3A_89 = arith.constant 10240 : i32
      %mul3A_90 = arith.muli %arg0, %mul3A_89 : i32
      %mul3A_91 = arith.constant 640 : i32
      %mul3A_92 = arith.muli %arg1, %mul3A_91 : i32
      %add3A_93 = arith.addi %mul3A_90, %mul3A_92 : i32
      %mul3A_94 = arith.constant 128 : i32
      %mul3A_95 = arith.muli %scan3A_82, %mul3A_94 : i32
      %add3A_96 = arith.addi %add3A_93, %mul3A_95 : i32
      "tpu.region"() ({
        %run_scoped3A = tpu.sem_alloc : memref<!tpu.dma_semaphore, #tpu.memory_space<semaphore_mem>>
        %dma_start3A_98 = arith.constant 0 : i32
        %dma_start3A_99 = tpu.memref_slice %arg5[%add3A_96, %dma_start3A_98] : memref<20480x64xf32, #tpu.memory_space<hbm>> -> memref<128x64xf32, #tpu.memory_space<hbm>>
        %dma_start3A_100 = arith.constant 0 : i32
        %dma_start3A_101 = tpu.memref_slice %arg26[%add3A_88, %dma_start3A_100] : memref<10240x64xf32, #tpu.memory_space<vmem_shared>> -> memref<128x64xf32, #tpu.memory_space<vmem_shared>>
        tpu.enqueue_dma source(%dma_start3A_101 : memref<128x64xf32, #tpu.memory_space<vmem_shared>>) target(%dma_start3A_99 : memref<128x64xf32, #tpu.memory_space<hbm>>) target_semaphore(%run_scoped3A : memref<!tpu.dma_semaphore, #tpu.memory_space<semaphore_mem>>)
        %dma_wait3A_102 = arith.constant 0 : i32
        %dma_wait3A_103 = tpu.memref_slice %arg5[%add3A_96, %dma_wait3A_102] : memref<20480x64xf32, #tpu.memory_space<hbm>> -> memref<128x64xf32, #tpu.memory_space<hbm>>
        %dma_wait3A_104 = arith.constant 0 : i32
        %dma_wait3A_105 = tpu.memref_slice %arg26[%add3A_88, %dma_wait3A_104] : memref<10240x64xf32, #tpu.memory_space<vmem_shared>> -> memref<128x64xf32, #tpu.memory_space<vmem_shared>>
        tpu.wait_dma2 semaphore(%run_scoped3A : memref<!tpu.dma_semaphore, #tpu.memory_space<semaphore_mem>>) src(%dma_wait3A_105 : memref<128x64xf32, #tpu.memory_space<vmem_shared>>) dst(%dma_wait3A_103 : memref<128x64xf32, #tpu.memory_space<hbm>>)
        tpu.yield
      }) : () -> ()
      %scan3A_97 = arith.constant 0 : i32
      scf.yield %scan3A_97 : i32
    }
    %scan3A_81 = arith.constant 5 : i32
    return
  }
}

#map = affine_map<(d0, d1) -> (0, 0)>
#map1 = affine_map<(d0, d1) -> (0)>
module attributes {stable_mosaic.version = 14 : i64} {
  func.func @_deg_kernel(%arg0: i32, %arg1: i32, %arg2: memref<2560x128xi32, #tpu.memory_space<hbm>>, %arg3: memref<20480xf32, #tpu.memory_space<hbm>>, %arg4: memref<80x128xi32, #tpu.memory_space<vmem>>, %arg5: memref<128xf32, #tpu.memory_space<vmem>>, %arg6: memref<640xf32, #tpu.memory_space<vmem>>, %arg7: memref<10240xf32, #tpu.memory_space<vmem_shared>>) attributes {dimension_semantics = [#tpu.dimension_semantics<core_parallel>, #tpu.dimension_semantics<subcore_parallel>], iteration_bounds = array<i64: 2, 16>, scalar_prefetch = 0 : i64, scratch_operands = 4 : i64, tpu.core_type = #tpu.core_type<sc_vector_subcore>, window_params = [{transform_indices = #map}, {transform_indices = #map1}]} {
    %mul3A = arith.constant 16 : i32
    %mul3A_0 = arith.muli %arg0, %mul3A : i32
    %add3A = arith.addi %mul3A_0, %arg1 : i32
    %scan3A = arith.constant 0 : i32
    %scan3A_1 = arith.constant 0 : i32
    %scan3A_2 = arith.constant 40 : i32
    %scan3A_3 = arith.addi %scan3A_1, %scan3A_2 : i32
    %scan3A_4 = arith.constant 1 : i32
    %scan3A_5 = scf.for %scan3A_33 = %scan3A_1 to %scan3A_3 step %scan3A_4 iter_args(%scan3A_34 = %scan3A) -> (i32)  : i32 {
      %broadcast_in_dim3A = arith.constant 0.000000e+00 : f32
      %broadcast_in_dim3A_35 = vector.broadcast %broadcast_in_dim3A : f32 to vector<16xf32>
      %mul3A_36 = arith.constant 16 : i32
      %mul3A_37 = arith.muli %scan3A_33, %mul3A_36 : i32
      %swap3A = arith.index_cast %mul3A_37 : i32 to index
      %swap3A_38 = tpu.vector_load %arg6[%swap3A] {strides = array<i32>} : memref<640xf32, #tpu.memory_space<vmem>>, vector<16xf32>,
      %swap3A_39 = vector.shape_cast %swap3A_38 : vector<16xf32> to vector<16xf32>
      %swap3A_40 = vector.shape_cast %broadcast_in_dim3A_35 : vector<16xf32> to vector<16xf32>
      tpu.vector_store %arg6[%swap3A], %swap3A_40 {strides = array<i32>} : memref<640xf32, #tpu.memory_space<vmem>>, vector<16xf32>,
      %scan3A_41 = arith.constant 0 : i32
      scf.yield %scan3A_41 : i32
    }
    %scan3A_6 = arith.constant 40 : i32
    %scan3A_7 = arith.constant 0 : i32
    %scan3A_8 = arith.constant 0 : i32
    %scan3A_9 = arith.constant 8 : i32
    %scan3A_10 = arith.addi %scan3A_8, %scan3A_9 : i32
    %scan3A_11 = arith.constant 1 : i32
    %scan3A_12 = scf.for %scan3A_33 = %scan3A_8 to %scan3A_10 step %scan3A_11 iter_args(%scan3A_34 = %scan3A_7) -> (i32)  : i32 {
      %broadcast_in_dim3A = arith.constant 1.000000e+00 : f32
      %broadcast_in_dim3A_35 = vector.broadcast %broadcast_in_dim3A : f32 to vector<16xf32>
      %mul3A_36 = arith.constant 16 : i32
      %mul3A_37 = arith.muli %scan3A_33, %mul3A_36 : i32
      %swap3A = arith.index_cast %mul3A_37 : i32 to index
      %swap3A_38 = tpu.vector_load %arg5[%swap3A] {strides = array<i32>} : memref<128xf32, #tpu.memory_space<vmem>>, vector<16xf32>,
      %swap3A_39 = vector.shape_cast %swap3A_38 : vector<16xf32> to vector<16xf32>
      %swap3A_40 = vector.shape_cast %broadcast_in_dim3A_35 : vector<16xf32> to vector<16xf32>
      tpu.vector_store %arg5[%swap3A], %swap3A_40 {strides = array<i32>} : memref<128xf32, #tpu.memory_space<vmem>>, vector<16xf32>,
      %scan3A_41 = arith.constant 0 : i32
      scf.yield %scan3A_41 : i32
    }
    %scan3A_13 = arith.constant 8 : i32
    %mul3A_14 = arith.constant 640 : i32
    %mul3A_15 = arith.muli %arg1, %mul3A_14 : i32
    "tpu.region"() ({
      %run_scoped3A = tpu.sem_alloc : memref<!tpu.dma_semaphore, #tpu.memory_space<semaphore_mem>>
      %dma_start3A = tpu.memref_slice %arg7[%mul3A_15] : memref<10240xf32, #tpu.memory_space<vmem_shared>> -> memref<640xf32, #tpu.memory_space<vmem_shared>>
      %dma_start3A_33 = tpu.memref_slice %arg7[%mul3A_15] : memref<10240xf32, #tpu.memory_space<vmem_shared>> -> memref<640xf32, #tpu.memory_space<vmem_shared>>
      tpu.enqueue_dma source(%arg6 : memref<640xf32, #tpu.memory_space<vmem>>) target(%dma_start3A_33 : memref<640xf32, #tpu.memory_space<vmem_shared>>) target_semaphore(%run_scoped3A : memref<!tpu.dma_semaphore, #tpu.memory_space<semaphore_mem>>)
      %dma_wait3A = tpu.memref_slice %arg7[%mul3A_15] : memref<10240xf32, #tpu.memory_space<vmem_shared>> -> memref<640xf32, #tpu.memory_space<vmem_shared>>
      %dma_wait3A_34 = tpu.memref_slice %arg7[%mul3A_15] : memref<10240xf32, #tpu.memory_space<vmem_shared>> -> memref<640xf32, #tpu.memory_space<vmem_shared>>
      tpu.wait_dma2 semaphore(%run_scoped3A : memref<!tpu.dma_semaphore, #tpu.memory_space<semaphore_mem>>) src(%arg6 : memref<640xf32, #tpu.memory_space<vmem>>) dst(%dma_wait3A_34 : memref<640xf32, #tpu.memory_space<vmem_shared>>)
      tpu.yield
    }) : () -> ()
    %barrier3A = arith.constant 0 : index
    tpu.barrier barrier_id(%barrier3A)
    %mul3A_16 = arith.constant 80 : i32
    %mul3A_17 = arith.muli %add3A, %mul3A_16 : i32
    "tpu.region"() ({
      %run_scoped3A = tpu.sem_alloc : memref<!tpu.dma_semaphore, #tpu.memory_space<semaphore_mem>>
      %dma_start3A = arith.constant 0 : i32
      %dma_start3A_33 = tpu.memref_slice %arg2[%mul3A_17, %dma_start3A] : memref<2560x128xi32, #tpu.memory_space<hbm>> -> memref<80x128xi32, #tpu.memory_space<hbm>>
      %dma_start3A_34 = arith.constant 0 : i32
      %dma_start3A_35 = tpu.memref_slice %arg2[%mul3A_17, %dma_start3A_34] : memref<2560x128xi32, #tpu.memory_space<hbm>> -> memref<80x128xi32, #tpu.memory_space<hbm>>
      tpu.enqueue_dma source(%dma_start3A_35 : memref<80x128xi32, #tpu.memory_space<hbm>>) target(%arg4 : memref<80x128xi32, #tpu.memory_space<vmem>>) target_semaphore(%run_scoped3A : memref<!tpu.dma_semaphore, #tpu.memory_space<semaphore_mem>>)
      %dma_wait3A = arith.constant 0 : i32
      %dma_wait3A_36 = tpu.memref_slice %arg2[%mul3A_17, %dma_wait3A] : memref<2560x128xi32, #tpu.memory_space<hbm>> -> memref<80x128xi32, #tpu.memory_space<hbm>>
      %dma_wait3A_37 = arith.constant 0 : i32
      %dma_wait3A_38 = tpu.memref_slice %arg2[%mul3A_17, %dma_wait3A_37] : memref<2560x128xi32, #tpu.memory_space<hbm>> -> memref<80x128xi32, #tpu.memory_space<hbm>>
      tpu.wait_dma2 semaphore(%run_scoped3A : memref<!tpu.dma_semaphore, #tpu.memory_space<semaphore_mem>>) src(%dma_wait3A_38 : memref<80x128xi32, #tpu.memory_space<hbm>>) dst(%arg4 : memref<80x128xi32, #tpu.memory_space<vmem>>)
      tpu.yield
    }) : () -> ()
    %scan3A_18 = arith.constant 0 : i32
    %scan3A_19 = arith.constant 0 : i32
    %scan3A_20 = arith.constant 80 : i32
    %scan3A_21 = arith.addi %scan3A_19, %scan3A_20 : i32
    %scan3A_22 = arith.constant 1 : i32
    %scan3A_23 = scf.for %scan3A_33 = %scan3A_19 to %scan3A_21 step %scan3A_22 iter_args(%scan3A_34 = %scan3A_18) -> (i32)  : i32 {
      "tpu.region"() ({
        %run_scoped3A = tpu.sem_alloc : memref<!tpu.dma_semaphore, #tpu.memory_space<semaphore_mem>>
        %dma_start3A = arith.constant 0 : i32
        %dma_start3A_36 = tpu.memref_slice %arg4[%scan3A_33, %dma_start3A] : memref<80x128xi32, #tpu.memory_space<vmem>> -> memref<1x128xi32, #tpu.memory_space<vmem>>
        %dma_start3A_37 = tpu.memref_squeeze %dma_start3A_36 : memref<1x128xi32, #tpu.memory_space<vmem>> -> memref<128xi32, #tpu.memory_space<vmem>>
        %dma_start3A_38 = arith.constant 0 : i32
        %dma_start3A_39 = tpu.memref_slice %arg7[%dma_start3A_38] : memref<10240xf32, #tpu.memory_space<vmem_shared>> -> memref<10240xf32, #tpu.memory_space<vmem_shared>>
        tpu.enqueue_indirect_dma source(%arg5 : memref<128xf32, #tpu.memory_space<vmem>>) target(%dma_start3A_39 : memref<10240xf32, #tpu.memory_space<vmem_shared>>) offsets(%dma_start3A_37 : memref<128xi32, #tpu.memory_space<vmem>>) semaphore(%run_scoped3A : memref<!tpu.dma_semaphore, #tpu.memory_space<semaphore_mem>>) {add = true}
        %dma_wait3A = arith.constant 0 : i32
        %dma_wait3A_40 = tpu.memref_slice %arg4[%scan3A_33, %dma_wait3A] : memref<80x128xi32, #tpu.memory_space<vmem>> -> memref<1x128xi32, #tpu.memory_space<vmem>>
        %dma_wait3A_41 = tpu.memref_squeeze %dma_wait3A_40 : memref<1x128xi32, #tpu.memory_space<vmem>> -> memref<128xi32, #tpu.memory_space<vmem>>
        %dma_wait3A_42 = arith.constant 0 : i32
        %dma_wait3A_43 = tpu.memref_slice %arg7[%dma_wait3A_42] : memref<10240xf32, #tpu.memory_space<vmem_shared>> -> memref<10240xf32, #tpu.memory_space<vmem_shared>>
        tpu.wait_indirect_dma semaphore(%run_scoped3A : memref<!tpu.dma_semaphore, #tpu.memory_space<semaphore_mem>>) src(%arg5 : memref<128xf32, #tpu.memory_space<vmem>>) dst(%dma_wait3A_43 : memref<10240xf32, #tpu.memory_space<vmem_shared>>)
        tpu.yield
      }) : () -> ()
      %scan3A_35 = arith.constant 0 : i32
      scf.yield %scan3A_35 : i32
    }
    %scan3A_24 = arith.constant 80 : i32
    %barrier3A_25 = arith.constant 0 : index
    tpu.barrier barrier_id(%barrier3A_25)
    %mul3A_26 = arith.constant 640 : i32
    %mul3A_27 = arith.muli %arg1, %mul3A_26 : i32
    %mul3A_28 = arith.constant 10240 : i32
    %mul3A_29 = arith.muli %arg0, %mul3A_28 : i32
    %mul3A_30 = arith.constant 640 : i32
    %mul3A_31 = arith.muli %arg1, %mul3A_30 : i32
    %add3A_32 = arith.addi %mul3A_29, %mul3A_31 : i32
    "tpu.region"() ({
      %run_scoped3A = tpu.sem_alloc : memref<!tpu.dma_semaphore, #tpu.memory_space<semaphore_mem>>
      %dma_start3A = tpu.memref_slice %arg3[%add3A_32] : memref<20480xf32, #tpu.memory_space<hbm>> -> memref<640xf32, #tpu.memory_space<hbm>>
      %dma_start3A_33 = tpu.memref_slice %arg7[%mul3A_27] : memref<10240xf32, #tpu.memory_space<vmem_shared>> -> memref<640xf32, #tpu.memory_space<vmem_shared>>
      tpu.enqueue_dma source(%dma_start3A_33 : memref<640xf32, #tpu.memory_space<vmem_shared>>) target(%dma_start3A : memref<640xf32, #tpu.memory_space<hbm>>) target_semaphore(%run_scoped3A : memref<!tpu.dma_semaphore, #tpu.memory_space<semaphore_mem>>)
      %dma_wait3A = tpu.memref_slice %arg3[%add3A_32] : memref<20480xf32, #tpu.memory_space<hbm>> -> memref<640xf32, #tpu.memory_space<hbm>>
      %dma_wait3A_34 = tpu.memref_slice %arg7[%mul3A_27] : memref<10240xf32, #tpu.memory_space<vmem_shared>> -> memref<640xf32, #tpu.memory_space<vmem_shared>>
      tpu.wait_dma2 semaphore(%run_scoped3A : memref<!tpu.dma_semaphore, #tpu.memory_space<semaphore_mem>>) src(%dma_wait3A_34 : memref<640xf32, #tpu.memory_space<vmem_shared>>) dst(%dma_wait3A : memref<640xf32, #tpu.memory_space<hbm>>)
      tpu.yield
    }) : () -> ()
    return
  }
}

#map = affine_map<(d0, d1) -> (0, 0)>
module attributes {stable_mosaic.version = 14 : i64} {
  func.func @_agg_kernel(%arg0: i32, %arg1: i32, %arg2: memref<20480x64xf32, #tpu.memory_space<hbm>>, %arg3: memref<5120x128xi32, #tpu.memory_space<hbm>>, %arg4: memref<2560x128xi32, #tpu.memory_space<hbm>>, %arg5: memref<20480x64xf32, #tpu.memory_space<hbm>>, %arg6: memref<160x128xi32, #tpu.memory_space<vmem>>, %arg7: memref<160x128xi32, #tpu.memory_space<vmem>>, %arg8: memref<128x64xf32, #tpu.memory_space<vmem>>, %arg9: memref<128x64xf32, #tpu.memory_space<vmem>>, %arg10: memref<128x64xf32, #tpu.memory_space<vmem>>, %arg11: memref<128x64xf32, #tpu.memory_space<vmem>>, %arg12: memref<128x64xf32, #tpu.memory_space<vmem>>, %arg13: memref<64x64xf32, #tpu.memory_space<vmem>>, %arg14: memref<!tpu.dma_semaphore, #tpu.memory_space<semaphore_mem>>, %arg15: memref<!tpu.dma_semaphore, #tpu.memory_space<semaphore_mem>>, %arg16: memref<!tpu.dma_semaphore, #tpu.memory_space<semaphore_mem>>, %arg17: memref<!tpu.dma_semaphore, #tpu.memory_space<semaphore_mem>>, %arg18: memref<!tpu.dma_semaphore, #tpu.memory_space<semaphore_mem>>, %arg19: memref<!tpu.dma_semaphore, #tpu.memory_space<semaphore_mem>>, %arg20: memref<!tpu.dma_semaphore, #tpu.memory_space<semaphore_mem>>, %arg21: memref<!tpu.dma_semaphore, #tpu.memory_space<semaphore_mem>>, %arg22: memref<!tpu.dma_semaphore, #tpu.memory_space<semaphore_mem>>, %arg23: memref<!tpu.dma_semaphore, #tpu.memory_space<semaphore_mem>>, %arg24: memref<!tpu.dma_semaphore, #tpu.memory_space<semaphore_mem>>, %arg25: memref<!tpu.dma_semaphore, #tpu.memory_space<semaphore_mem>>, %arg26: memref<10240x64xf32, #tpu.memory_space<vmem_shared>>) attributes {dimension_semantics = [#tpu.dimension_semantics<core_parallel>, #tpu.dimension_semantics<subcore_parallel>], iteration_bounds = array<i64: 2, 16>, scalar_prefetch = 0 : i64, scratch_operands = 21 : i64, tpu.core_type = #tpu.core_type<sc_vector_subcore>, window_params = [{transform_indices = #map}, {transform_indices = #map}, {transform_indices = #map}, {transform_indices = #map}]} {
    %mul3A = arith.constant 16 : i32
    %mul3A_0 = arith.muli %arg0, %mul3A : i32
    %add3A = arith.addi %mul3A_0, %arg1 : i32
    %mul3A_1 = arith.constant 160 : i32
    %mul3A_2 = arith.muli %add3A, %mul3A_1 : i32
    %dma_start3A = arith.constant 0 : i32
    %dma_start3A_3 = tpu.memref_slice %arg3[%mul3A_2, %dma_start3A] : memref<5120x128xi32, #tpu.memory_space<hbm>> -> memref<160x128xi32, #tpu.memory_space<hbm>>
    %dma_start3A_4 = arith.constant 0 : i32
    %dma_start3A_5 = tpu.memref_slice %arg3[%mul3A_2, %dma_start3A_4] : memref<5120x128xi32, #tpu.memory_space<hbm>> -> memref<160x128xi32, #tpu.memory_space<hbm>>
    tpu.enqueue_dma source(%dma_start3A_5 : memref<160x128xi32, #tpu.memory_space<hbm>>) target(%arg6 : memref<160x128xi32, #tpu.memory_space<vmem>>) target_semaphore(%arg14 : memref<!tpu.dma_semaphore, #tpu.memory_space<semaphore_mem>>)
    %mul3A_6 = arith.constant 160 : i32
    %mul3A_7 = arith.muli %arg1, %mul3A_6 : i32
    %dma_start3A_8 = arith.constant 0 : i32
    %dma_start3A_9 = tpu.memref_slice %arg4[%mul3A_7, %dma_start3A_8] : memref<2560x128xi32, #tpu.memory_space<hbm>> -> memref<160x128xi32, #tpu.memory_space<hbm>>
    %dma_start3A_10 = arith.constant 0 : i32
    %dma_start3A_11 = tpu.memref_slice %arg4[%mul3A_7, %dma_start3A_10] : memref<2560x128xi32, #tpu.memory_space<hbm>> -> memref<160x128xi32, #tpu.memory_space<hbm>>
    tpu.enqueue_dma source(%dma_start3A_11 : memref<160x128xi32, #tpu.memory_space<hbm>>) target(%arg7 : memref<160x128xi32, #tpu.memory_space<vmem>>) target_semaphore(%arg15 : memref<!tpu.dma_semaphore, #tpu.memory_space<semaphore_mem>>)
    %scan3A = arith.constant 0 : i32
    %scan3A_12 = arith.constant 0 : i32
    %scan3A_13 = arith.constant 256 : i32
    %scan3A_14 = arith.addi %scan3A_12, %scan3A_13 : i32
    %scan3A_15 = arith.constant 1 : i32
    %scan3A_16 = scf.for %scan3A_82 = %scan3A_12 to %scan3A_14 step %scan3A_15 iter_args(%scan3A_83 = %scan3A) -> (i32)  : i32 {
      %jit3A = arith.constant 4 : i32
      %div3A = arith.divsi %scan3A_82, %jit3A : i32
      %sign3A = arith.constant 0 : i32
      %sign3A_84 = arith.cmpi sgt, %scan3A_82, %sign3A : i32
      %sign3A_85 = arith.extui %sign3A_84 : i1 to i32
      %sign3A_86 = arith.constant 0 : i32
      %sign3A_87 = arith.cmpi slt, %scan3A_82, %sign3A_86 : i32
      %sign3A_88 = arith.extui %sign3A_87 : i1 to i32
      %sign3A_89 = arith.subi %sign3A_85, %sign3A_88 : i32
      %sign3A_90 = arith.constant 0 : i32
      %sign3A_91 = arith.cmpi sgt, %jit3A, %sign3A_90 : i32
      %sign3A_92 = arith.extui %sign3A_91 : i1 to i32
      %sign3A_93 = arith.constant 0 : i32
      %sign3A_94 = arith.cmpi slt, %jit3A, %sign3A_93 : i32
      %sign3A_95 = arith.extui %sign3A_94 : i1 to i32
      %sign3A_96 = arith.subi %sign3A_92, %sign3A_95 : i32
      %ne3A = arith.cmpi ne, %sign3A_89, %sign3A_96 : i32
      %rem3A = arith.remsi %scan3A_82, %jit3A : i32
      %ne3A_97 = arith.constant 0 : i32
      %ne3A_98 = arith.cmpi ne, %rem3A, %ne3A_97 : i32
      %and3A = arith.andi %ne3A, %ne3A_98 : i1
      %sub3A = arith.constant 1 : i32
      %sub3A_99 = arith.subi %div3A, %sub3A : i32
      %select_n3A = arith.select %and3A, %sub3A_99, %div3A : i32
      %jit3A_100 = arith.constant 4 : i32
      %eq3A = arith.constant 0 : i32
      %eq3A_101 = arith.cmpi eq, %jit3A_100, %eq3A : i32
      %jit3A_102 = arith.constant 1 : i32
      %select_n3A_103 = arith.select %eq3A_101, %jit3A_102, %jit3A_100 : i32
      %rem3A_104 = arith.remsi %scan3A_82, %select_n3A_103 : i32
      %ne3A_105 = arith.constant 0 : i32
      %ne3A_106 = arith.cmpi ne, %rem3A_104, %ne3A_105 : i32
      %lt3A = arith.constant 0 : i32
      %lt3A_107 = arith.cmpi slt, %rem3A_104, %lt3A : i32
      %lt3A_108 = arith.constant 0 : i32
      %lt3A_109 = arith.cmpi slt, %select_n3A_103, %lt3A_108 : i32
      %ne3A_110 = arith.xori %lt3A_107, %lt3A_109 : i1
      %and3A_111 = arith.andi %ne3A_110, %ne3A_106 : i1
      %add3A_112 = arith.addi %rem3A_104, %select_n3A_103 : i32
      %select_n3A_113 = arith.select %and3A_111, %add3A_112, %rem3A_104 : i32
      %mul3A_114 = arith.constant 16 : i32
      %mul3A_115 = arith.muli %select_n3A_113, %mul3A_114 : i32
      %broadcast_in_dim3A = arith.constant 0.000000e+00 : f32
      %broadcast_in_dim3A_116 = vector.broadcast %broadcast_in_dim3A : f32 to vector<16xf32>
      %swap3A = arith.index_cast %select_n3A : i32 to index
      %swap3A_117 = arith.index_cast %mul3A_115 : i32 to index
      %swap3A_118 = tpu.vector_load %arg13[%swap3A, %swap3A_117] {strides = array<i32>} : memref<64x64xf32, #tpu.memory_space<vmem>>, vector<1x16xf32>,
      %swap3A_119 = vector.shape_cast %swap3A_118 : vector<1x16xf32> to vector<16xf32>
      %swap3A_120 = vector.shape_cast %broadcast_in_dim3A_116 : vector<16xf32> to vector<1x16xf32>
      tpu.vector_store %arg13[%swap3A, %swap3A_117], %swap3A_120 {strides = array<i32>} : memref<64x64xf32, #tpu.memory_space<vmem>>, vector<1x16xf32>,
      %scan3A_121 = arith.constant 0 : i32
      scf.yield %scan3A_121 : i32
    }
    %scan3A_17 = arith.constant 256 : i32
    %dma_wait3A = arith.constant 0 : i32
    %dma_wait3A_18 = tpu.memref_slice %arg3[%mul3A_2, %dma_wait3A] : memref<5120x128xi32, #tpu.memory_space<hbm>> -> memref<160x128xi32, #tpu.memory_space<hbm>>
    %dma_wait3A_19 = arith.constant 0 : i32
    %dma_wait3A_20 = tpu.memref_slice %arg3[%mul3A_2, %dma_wait3A_19] : memref<5120x128xi32, #tpu.memory_space<hbm>> -> memref<160x128xi32, #tpu.memory_space<hbm>>
    tpu.wait_dma2 semaphore(%arg14 : memref<!tpu.dma_semaphore, #tpu.memory_space<semaphore_mem>>) src(%dma_wait3A_20 : memref<160x128xi32, #tpu.memory_space<hbm>>) dst(%arg6 : memref<160x128xi32, #tpu.memory_space<vmem>>)
    %dma_wait3A_21 = arith.constant 0 : i32
    %dma_wait3A_22 = tpu.memref_slice %arg4[%mul3A_7, %dma_wait3A_21] : memref<2560x128xi32, #tpu.memory_space<hbm>> -> memref<160x128xi32, #tpu.memory_space<hbm>>
    %dma_wait3A_23 = arith.constant 0 : i32
    %dma_wait3A_24 = tpu.memref_slice %arg4[%mul3A_7, %dma_wait3A_23] : memref<2560x128xi32, #tpu.memory_space<hbm>> -> memref<160x128xi32, #tpu.memory_space<hbm>>
    tpu.wait_dma2 semaphore(%arg15 : memref<!tpu.dma_semaphore, #tpu.memory_space<semaphore_mem>>) src(%dma_wait3A_24 : memref<160x128xi32, #tpu.memory_space<hbm>>) dst(%arg7 : memref<160x128xi32, #tpu.memory_space<vmem>>)
    %dma_start3A_25 = arith.constant 0 : i32
    %dma_start3A_26 = arith.constant 0 : i32
    %dma_start3A_27 = tpu.memref_slice %arg6[%dma_start3A_25, %dma_start3A_26] : memref<160x128xi32, #tpu.memory_space<vmem>> -> memref<1x128xi32, #tpu.memory_space<vmem>>
    %dma_start3A_28 = tpu.memref_squeeze %dma_start3A_27 : memref<1x128xi32, #tpu.memory_space<vmem>> -> memref<128xi32, #tpu.memory_space<vmem>>
    %dma_start3A_29 = arith.constant 0 : i32
    %dma_start3A_30 = arith.constant 0 : i32
    %dma_start3A_31 = tpu.memref_slice %arg2[%dma_start3A_29, %dma_start3A_30] : memref<20480x64xf32, #tpu.memory_space<hbm>> -> memref<20480x64xf32, #tpu.memory_space<hbm>>
    tpu.enqueue_indirect_dma source(%dma_start3A_31 : memref<20480x64xf32, #tpu.memory_space<hbm>>) target(%arg8 : memref<128x64xf32, #tpu.memory_space<vmem>>) offsets(%dma_start3A_28 : memref<128xi32, #tpu.memory_space<vmem>>) semaphore(%arg16 : memref<!tpu.dma_semaphore, #tpu.memory_space<semaphore_mem>>)
    %dma_start3A_32 = arith.constant 1 : i32
    %dma_start3A_33 = arith.constant 0 : i32
    %dma_start3A_34 = tpu.memref_slice %arg6[%dma_start3A_32, %dma_start3A_33] : memref<160x128xi32, #tpu.memory_space<vmem>> -> memref<1x128xi32, #tpu.memory_space<vmem>>
    %dma_start3A_35 = tpu.memref_squeeze %dma_start3A_34 : memref<1x128xi32, #tpu.memory_space<vmem>> -> memref<128xi32, #tpu.memory_space<vmem>>
    %dma_start3A_36 = arith.constant 0 : i32
    %dma_start3A_37 = arith.constant 0 : i32
    %dma_start3A_38 = tpu.memref_slice %arg2[%dma_start3A_36, %dma_start3A_37] : memref<20480x64xf32, #tpu.memory_space<hbm>> -> memref<20480x64xf32, #tpu.memory_space<hbm>>
    tpu.enqueue_indirect_dma source(%dma_start3A_38 : memref<20480x64xf32, #tpu.memory_space<hbm>>) target(%arg9 : memref<128x64xf32, #tpu.memory_space<vmem>>) offsets(%dma_start3A_35 : memref<128xi32, #tpu.memory_space<vmem>>) semaphore(%arg17 : memref<!tpu.dma_semaphore, #tpu.memory_space<semaphore_mem>>)
    %dma_start3A_39 = arith.constant 2 : i32
    %dma_start3A_40 = arith.constant 0 : i32
    %dma_start3A_41 = tpu.memref_slice %arg6[%dma_start3A_39, %dma_start3A_40] : memref<160x128xi32, #tpu.memory_space<vmem>> -> memref<1x128xi32, #tpu.memory_space<vmem>>
    %dma_start3A_42 = tpu.memref_squeeze %dma_start3A_41 : memref<1x128xi32, #tpu.memory_space<vmem>> -> memref<128xi32, #tpu.memory_space<vmem>>
    %dma_start3A_43 = arith.constant 0 : i32
    %dma_start3A_44 = arith.constant 0 : i32
    %dma_start3A_45 = tpu.memref_slice %arg2[%dma_start3A_43, %dma_start3A_44] : memref<20480x64xf32, #tpu.memory_space<hbm>> -> memref<20480x64xf32, #tpu.memory_space<hbm>>
    tpu.enqueue_indirect_dma source(%dma_start3A_45 : memref<20480x64xf32, #tpu.memory_space<hbm>>) target(%arg10 : memref<128x64xf32, #tpu.memory_space<vmem>>) offsets(%dma_start3A_42 : memref<128xi32, #tpu.memory_space<vmem>>) semaphore(%arg18 : memref<!tpu.dma_semaphore, #tpu.memory_space<semaphore_mem>>)
    %scan3A_46 = arith.constant 0 : i32
    %scan3A_47 = arith.constant 0 : i32
    %scan3A_48 = arith.constant 10 : i32
    %scan3A_49 = arith.addi %scan3A_47, %scan3A_48 : i32
    %scan3A_50 = arith.constant 1 : i32
    %scan3A_51 = scf.for %scan3A_82 = %scan3A_47 to %scan3A_49 step %scan3A_50 iter_args(%scan3A_83 = %scan3A_46) -> (i32)  : i32 {
      %mul3A_84 = arith.constant 640 : i32
      %mul3A_85 = arith.muli %arg1, %mul3A_84 : i32
      %mul3A_86 = arith.constant 64 : i32
      %mul3A_87 = arith.muli %scan3A_82, %mul3A_86 : i32
      %add3A_88 = arith.addi %mul3A_85, %mul3A_87 : i32
      "tpu.region"() ({
        %run_scoped3A = tpu.sem_alloc : memref<!tpu.dma_semaphore, #tpu.memory_space<semaphore_mem>>
        %dma_start3A_90 = arith.constant 0 : i32
        %dma_start3A_91 = tpu.memref_slice %arg26[%add3A_88, %dma_start3A_90] : memref<10240x64xf32, #tpu.memory_space<vmem_shared>> -> memref<64x64xf32, #tpu.memory_space<vmem_shared>>
        %dma_start3A_92 = arith.constant 0 : i32
        %dma_start3A_93 = tpu.memref_slice %arg26[%add3A_88, %dma_start3A_92] : memref<10240x64xf32, #tpu.memory_space<vmem_shared>> -> memref<64x64xf32, #tpu.memory_space<vmem_shared>>
        tpu.enqueue_dma source(%arg13 : memref<64x64xf32, #tpu.memory_space<vmem>>) target(%dma_start3A_93 : memref<64x64xf32, #tpu.memory_space<vmem_shared>>) target_semaphore(%run_scoped3A : memref<!tpu.dma_semaphore, #tpu.memory_space<semaphore_mem>>)
        %dma_wait3A_94 = arith.constant 0 : i32
        %dma_wait3A_95 = tpu.memref_slice %arg26[%add3A_88, %dma_wait3A_94] : memref<10240x64xf32, #tpu.memory_space<vmem_shared>> -> memref<64x64xf32, #tpu.memory_space<vmem_shared>>
        %dma_wait3A_96 = arith.constant 0 : i32
        %dma_wait3A_97 = tpu.memref_slice %arg26[%add3A_88, %dma_wait3A_96] : memref<10240x64xf32, #tpu.memory_space<vmem_shared>> -> memref<64x64xf32, #tpu.memory_space<vmem_shared>>
        tpu.wait_dma2 semaphore(%run_scoped3A : memref<!tpu.dma_semaphore, #tpu.memory_space<semaphore_mem>>) src(%arg13 : memref<64x64xf32, #tpu.memory_space<vmem>>) dst(%dma_wait3A_97 : memref<64x64xf32, #tpu.memory_space<vmem_shared>>)
        tpu.yield
      }) : () -> ()
      %scan3A_89 = arith.constant 0 : i32
      scf.yield %scan3A_89 : i32
    }
    %scan3A_52 = arith.constant 10 : i32
    %barrier3A = arith.constant 0 : index
    tpu.barrier barrier_id(%barrier3A)
    %scan3A_53 = arith.constant 0 : i32
    %scan3A_54 = arith.constant 0 : i32
    %scan3A_55 = arith.constant 32 : i32
    %scan3A_56 = arith.addi %scan3A_54, %scan3A_55 : i32
    %scan3A_57 = arith.constant 1 : i32
    %scan3A_58 = scf.for %scan3A_82 = %scan3A_54 to %scan3A_56 step %scan3A_57 iter_args(%scan3A_83 = %scan3A_53) -> (i32)  : i32 {
      %mul3A_84 = arith.constant 5 : i32
      %mul3A_85 = arith.muli %mul3A_84, %scan3A_82 : i32
      %add3A_86 = arith.constant 0 : i32
      %add3A_87 = arith.addi %mul3A_85, %add3A_86 : i32
      %ge3A = arith.constant 2 : i32
      %ge3A_88 = arith.cmpi sge, %add3A_87, %ge3A : i32
      %convert_element_type3A = arith.extui %ge3A_88 : i1 to i32
      %cond3A = arith.constant 0 : i32
      %cond3A_89 = arith.cmpi ne, %convert_element_type3A, %cond3A : i32
      scf.if %cond3A_89 {
        %sub3A = arith.constant 2 : i32
        %sub3A_221 = arith.subi %add3A_87, %sub3A : i32
        %dma_wait3A_222 = arith.constant 0 : i32
        %dma_wait3A_223 = tpu.memref_slice %arg7[%sub3A_221, %dma_wait3A_222] : memref<160x128xi32, #tpu.memory_space<vmem>> -> memref<1x128xi32, #tpu.memory_space<vmem>>
        %dma_wait3A_224 = tpu.memref_squeeze %dma_wait3A_223 : memref<1x128xi32, #tpu.memory_space<vmem>> -> memref<128xi32, #tpu.memory_space<vmem>>
        %dma_wait3A_225 = arith.constant 0 : i32
        %dma_wait3A_226 = arith.constant 0 : i32
        %dma_wait3A_227 = tpu.memref_slice %arg26[%dma_wait3A_225, %dma_wait3A_226] : memref<10240x64xf32, #tpu.memory_space<vmem_shared>> -> memref<10240x64xf32, #tpu.memory_space<vmem_shared>>
        tpu.wait_indirect_dma semaphore(%arg24 : memref<!tpu.dma_semaphore, #tpu.memory_space<semaphore_mem>>) src(%arg11 : memref<128x64xf32, #tpu.memory_space<vmem>>) dst(%dma_wait3A_227 : memref<10240x64xf32, #tpu.memory_space<vmem_shared>>)
      } else {
      }
      %add3A_90 = arith.constant 3 : i32
      %add3A_91 = arith.addi %add3A_87, %add3A_90 : i32
      %lt3A = arith.constant 160 : i32
      %lt3A_92 = arith.cmpi slt, %add3A_91, %lt3A : i32
      %convert_element_type3A_93 = arith.extui %lt3A_92 : i1 to i32
      %cond3A_94 = arith.constant 0 : i32
      %cond3A_95 = arith.cmpi ne, %convert_element_type3A_93, %cond3A_94 : i32
      scf.if %cond3A_95 {
        %add3A_221 = arith.constant 3 : i32
        %add3A_222 = arith.addi %add3A_87, %add3A_221 : i32
        %dma_start3A_223 = arith.constant 0 : i32
        %dma_start3A_224 = tpu.memref_slice %arg6[%add3A_222, %dma_start3A_223] : memref<160x128xi32, #tpu.memory_space<vmem>> -> memref<1x128xi32, #tpu.memory_space<vmem>>
        %dma_start3A_225 = tpu.memref_squeeze %dma_start3A_224 : memref<1x128xi32, #tpu.memory_space<vmem>> -> memref<128xi32, #tpu.memory_space<vmem>>
        %dma_start3A_226 = arith.constant 0 : i32
        %dma_start3A_227 = arith.constant 0 : i32
        %dma_start3A_228 = tpu.memref_slice %arg2[%dma_start3A_226, %dma_start3A_227] : memref<20480x64xf32, #tpu.memory_space<hbm>> -> memref<20480x64xf32, #tpu.memory_space<hbm>>
        tpu.enqueue_indirect_dma source(%dma_start3A_228 : memref<20480x64xf32, #tpu.memory_space<hbm>>) target(%arg11 : memref<128x64xf32, #tpu.memory_space<vmem>>) offsets(%dma_start3A_225 : memref<128xi32, #tpu.memory_space<vmem>>) semaphore(%arg19 : memref<!tpu.dma_semaphore, #tpu.memory_space<semaphore_mem>>)
      } else {
      }
      %dma_wait3A_96 = arith.constant 0 : i32
      %dma_wait3A_97 = tpu.memref_slice %arg6[%add3A_87, %dma_wait3A_96] : memref<160x128xi32, #tpu.memory_space<vmem>> -> memref<1x128xi32, #tpu.memory_space<vmem>>
      %dma_wait3A_98 = tpu.memref_squeeze %dma_wait3A_97 : memref<1x128xi32, #tpu.memory_space<vmem>> -> memref<128xi32, #tpu.memory_space<vmem>>
      %dma_wait3A_99 = arith.constant 0 : i32
      %dma_wait3A_100 = arith.constant 0 : i32
      %dma_wait3A_101 = tpu.memref_slice %arg2[%dma_wait3A_99, %dma_wait3A_100] : memref<20480x64xf32, #tpu.memory_space<hbm>> -> memref<20480x64xf32, #tpu.memory_space<hbm>>
      tpu.wait_indirect_dma semaphore(%arg16 : memref<!tpu.dma_semaphore, #tpu.memory_space<semaphore_mem>>) src(%dma_wait3A_101 : memref<20480x64xf32, #tpu.memory_space<hbm>>) dst(%arg8 : memref<128x64xf32, #tpu.memory_space<vmem>>)
      %dma_start3A_102 = arith.constant 0 : i32
      %dma_start3A_103 = tpu.memref_slice %arg7[%add3A_87, %dma_start3A_102] : memref<160x128xi32, #tpu.memory_space<vmem>> -> memref<1x128xi32, #tpu.memory_space<vmem>>
      %dma_start3A_104 = tpu.memref_squeeze %dma_start3A_103 : memref<1x128xi32, #tpu.memory_space<vmem>> -> memref<128xi32, #tpu.memory_space<vmem>>
      %dma_start3A_105 = arith.constant 0 : i32
      %dma_start3A_106 = arith.constant 0 : i32
      %dma_start3A_107 = tpu.memref_slice %arg26[%dma_start3A_105, %dma_start3A_106] : memref<10240x64xf32, #tpu.memory_space<vmem_shared>> -> memref<10240x64xf32, #tpu.memory_space<vmem_shared>>
      tpu.enqueue_indirect_dma source(%arg8 : memref<128x64xf32, #tpu.memory_space<vmem>>) target(%dma_start3A_107 : memref<10240x64xf32, #tpu.memory_space<vmem_shared>>) offsets(%dma_start3A_104 : memref<128xi32, #tpu.memory_space<vmem>>) semaphore(%arg21 : memref<!tpu.dma_semaphore, #tpu.memory_space<semaphore_mem>>) {add = true}
      %mul3A_108 = arith.constant 5 : i32
      %mul3A_109 = arith.muli %mul3A_108, %scan3A_82 : i32
      %add3A_110 = arith.constant 1 : i32
      %add3A_111 = arith.addi %mul3A_109, %add3A_110 : i32
      %ge3A_112 = arith.constant 2 : i32
      %ge3A_113 = arith.cmpi sge, %add3A_111, %ge3A_112 : i32
      %convert_element_type3A_114 = arith.extui %ge3A_113 : i1 to i32
      %cond3A_115 = arith.constant 0 : i32
      %cond3A_116 = arith.cmpi ne, %convert_element_type3A_114, %cond3A_115 : i32
      scf.if %cond3A_116 {
        %sub3A = arith.constant 2 : i32
        %sub3A_221 = arith.subi %add3A_111, %sub3A : i32
        %dma_wait3A_222 = arith.constant 0 : i32
        %dma_wait3A_223 = tpu.memref_slice %arg7[%sub3A_221, %dma_wait3A_222] : memref<160x128xi32, #tpu.memory_space<vmem>> -> memref<1x128xi32, #tpu.memory_space<vmem>>
        %dma_wait3A_224 = tpu.memref_squeeze %dma_wait3A_223 : memref<1x128xi32, #tpu.memory_space<vmem>> -> memref<128xi32, #tpu.memory_space<vmem>>
        %dma_wait3A_225 = arith.constant 0 : i32
        %dma_wait3A_226 = arith.constant 0 : i32
        %dma_wait3A_227 = tpu.memref_slice %arg26[%dma_wait3A_225, %dma_wait3A_226] : memref<10240x64xf32, #tpu.memory_space<vmem_shared>> -> memref<10240x64xf32, #tpu.memory_space<vmem_shared>>
        tpu.wait_indirect_dma semaphore(%arg25 : memref<!tpu.dma_semaphore, #tpu.memory_space<semaphore_mem>>) src(%arg12 : memref<128x64xf32, #tpu.memory_space<vmem>>) dst(%dma_wait3A_227 : memref<10240x64xf32, #tpu.memory_space<vmem_shared>>)
      } else {
      }
      %add3A_117 = arith.constant 3 : i32
      %add3A_118 = arith.addi %add3A_111, %add3A_117 : i32
      %lt3A_119 = arith.constant 160 : i32
      %lt3A_120 = arith.cmpi slt, %add3A_118, %lt3A_119 : i32
      %convert_element_type3A_121 = arith.extui %lt3A_120 : i1 to i32
      %cond3A_122 = arith.constant 0 : i32
      %cond3A_123 = arith.cmpi ne, %convert_element_type3A_121, %cond3A_122 : i32
      scf.if %cond3A_123 {
        %add3A_221 = arith.constant 3 : i32
        %add3A_222 = arith.addi %add3A_111, %add3A_221 : i32
        %dma_start3A_223 = arith.constant 0 : i32
        %dma_start3A_224 = tpu.memref_slice %arg6[%add3A_222, %dma_start3A_223] : memref<160x128xi32, #tpu.memory_space<vmem>> -> memref<1x128xi32, #tpu.memory_space<vmem>>
        %dma_start3A_225 = tpu.memref_squeeze %dma_start3A_224 : memref<1x128xi32, #tpu.memory_space<vmem>> -> memref<128xi32, #tpu.memory_space<vmem>>
        %dma_start3A_226 = arith.constant 0 : i32
        %dma_start3A_227 = arith.constant 0 : i32
        %dma_start3A_228 = tpu.memref_slice %arg2[%dma_start3A_226, %dma_start3A_227] : memref<20480x64xf32, #tpu.memory_space<hbm>> -> memref<20480x64xf32, #tpu.memory_space<hbm>>
        tpu.enqueue_indirect_dma source(%dma_start3A_228 : memref<20480x64xf32, #tpu.memory_space<hbm>>) target(%arg12 : memref<128x64xf32, #tpu.memory_space<vmem>>) offsets(%dma_start3A_225 : memref<128xi32, #tpu.memory_space<vmem>>) semaphore(%arg20 : memref<!tpu.dma_semaphore, #tpu.memory_space<semaphore_mem>>)
      } else {
      }
      %dma_wait3A_124 = arith.constant 0 : i32
      %dma_wait3A_125 = tpu.memref_slice %arg6[%add3A_111, %dma_wait3A_124] : memref<160x128xi32, #tpu.memory_space<vmem>> -> memref<1x128xi32, #tpu.memory_space<vmem>>
      %dma_wait3A_126 = tpu.memref_squeeze %dma_wait3A_125 : memref<1x128xi32, #tpu.memory_space<vmem>> -> memref<128xi32, #tpu.memory_space<vmem>>
      %dma_wait3A_127 = arith.constant 0 : i32
      %dma_wait3A_128 = arith.constant 0 : i32
      %dma_wait3A_129 = tpu.memref_slice %arg2[%dma_wait3A_127, %dma_wait3A_128] : memref<20480x64xf32, #tpu.memory_space<hbm>> -> memref<20480x64xf32, #tpu.memory_space<hbm>>
      tpu.wait_indirect_dma semaphore(%arg17 : memref<!tpu.dma_semaphore, #tpu.memory_space<semaphore_mem>>) src(%dma_wait3A_129 : memref<20480x64xf32, #tpu.memory_space<hbm>>) dst(%arg9 : memref<128x64xf32, #tpu.memory_space<vmem>>)
      %dma_start3A_130 = arith.constant 0 : i32
      %dma_start3A_131 = tpu.memref_slice %arg7[%add3A_111, %dma_start3A_130] : memref<160x128xi32, #tpu.memory_space<vmem>> -> memref<1x128xi32, #tpu.memory_space<vmem>>
      %dma_start3A_132 = tpu.memref_squeeze %dma_start3A_131 : memref<1x128xi32, #tpu.memory_space<vmem>> -> memref<128xi32, #tpu.memory_space<vmem>>
      %dma_start3A_133 = arith.constant 0 : i32
      %dma_start3A_134 = arith.constant 0 : i32
      %dma_start3A_135 = tpu.memref_slice %arg26[%dma_start3A_133, %dma_start3A_134] : memref<10240x64xf32, #tpu.memory_space<vmem_shared>> -> memref<10240x64xf32, #tpu.memory_space<vmem_shared>>
      tpu.enqueue_indirect_dma source(%arg9 : memref<128x64xf32, #tpu.memory_space<vmem>>) target(%dma_start3A_135 : memref<10240x64xf32, #tpu.memory_space<vmem_shared>>) offsets(%dma_start3A_132 : memref<128xi32, #tpu.memory_space<vmem>>) semaphore(%arg22 : memref<!tpu.dma_semaphore, #tpu.memory_space<semaphore_mem>>) {add = true}
      %mul3A_136 = arith.constant 5 : i32
      %mul3A_137 = arith.muli %mul3A_136, %scan3A_82 : i32
      %add3A_138 = arith.constant 2 : i32
      %add3A_139 = arith.addi %mul3A_137, %add3A_138 : i32
      %ge3A_140 = arith.constant 2 : i32
      %ge3A_141 = arith.cmpi sge, %add3A_139, %ge3A_140 : i32
      %convert_element_type3A_142 = arith.extui %ge3A_141 : i1 to i32
      %cond3A_143 = arith.constant 0 : i32
      %cond3A_144 = arith.cmpi ne, %convert_element_type3A_142, %cond3A_143 : i32
      scf.if %cond3A_144 {
        %sub3A = arith.constant 2 : i32
        %sub3A_221 = arith.subi %add3A_139, %sub3A : i32
        %dma_wait3A_222 = arith.constant 0 : i32
        %dma_wait3A_223 = tpu.memref_slice %arg7[%sub3A_221, %dma_wait3A_222] : memref<160x128xi32, #tpu.memory_space<vmem>> -> memref<1x128xi32, #tpu.memory_space<vmem>>
        %dma_wait3A_224 = tpu.memref_squeeze %dma_wait3A_223 : memref<1x128xi32, #tpu.memory_space<vmem>> -> memref<128xi32, #tpu.memory_space<vmem>>
        %dma_wait3A_225 = arith.constant 0 : i32
        %dma_wait3A_226 = arith.constant 0 : i32
        %dma_wait3A_227 = tpu.memref_slice %arg26[%dma_wait3A_225, %dma_wait3A_226] : memref<10240x64xf32, #tpu.memory_space<vmem_shared>> -> memref<10240x64xf32, #tpu.memory_space<vmem_shared>>
        tpu.wait_indirect_dma semaphore(%arg21 : memref<!tpu.dma_semaphore, #tpu.memory_space<semaphore_mem>>) src(%arg8 : memref<128x64xf32, #tpu.memory_space<vmem>>) dst(%dma_wait3A_227 : memref<10240x64xf32, #tpu.memory_space<vmem_shared>>)
      } else {
      }
      %add3A_145 = arith.constant 3 : i32
      %add3A_146 = arith.addi %add3A_139, %add3A_145 : i32
      %lt3A_147 = arith.constant 160 : i32
      %lt3A_148 = arith.cmpi slt, %add3A_146, %lt3A_147 : i32
      %convert_element_type3A_149 = arith.extui %lt3A_148 : i1 to i32
      %cond3A_150 = arith.constant 0 : i32
      %cond3A_151 = arith.cmpi ne, %convert_element_type3A_149, %cond3A_150 : i32
      scf.if %cond3A_151 {
        %add3A_221 = arith.constant 3 : i32
        %add3A_222 = arith.addi %add3A_139, %add3A_221 : i32
        %dma_start3A_223 = arith.constant 0 : i32
        %dma_start3A_224 = tpu.memref_slice %arg6[%add3A_222, %dma_start3A_223] : memref<160x128xi32, #tpu.memory_space<vmem>> -> memref<1x128xi32, #tpu.memory_space<vmem>>
        %dma_start3A_225 = tpu.memref_squeeze %dma_start3A_224 : memref<1x128xi32, #tpu.memory_space<vmem>> -> memref<128xi32, #tpu.memory_space<vmem>>
        %dma_start3A_226 = arith.constant 0 : i32
        %dma_start3A_227 = arith.constant 0 : i32
        %dma_start3A_228 = tpu.memref_slice %arg2[%dma_start3A_226, %dma_start3A_227] : memref<20480x64xf32, #tpu.memory_space<hbm>> -> memref<20480x64xf32, #tpu.memory_space<hbm>>
        tpu.enqueue_indirect_dma source(%dma_start3A_228 : memref<20480x64xf32, #tpu.memory_space<hbm>>) target(%arg8 : memref<128x64xf32, #tpu.memory_space<vmem>>) offsets(%dma_start3A_225 : memref<128xi32, #tpu.memory_space<vmem>>) semaphore(%arg16 : memref<!tpu.dma_semaphore, #tpu.memory_space<semaphore_mem>>)
      } else {
      }
      %dma_wait3A_152 = arith.constant 0 : i32
      %dma_wait3A_153 = tpu.memref_slice %arg6[%add3A_139, %dma_wait3A_152] : memref<160x128xi32, #tpu.memory_space<vmem>> -> memref<1x128xi32, #tpu.memory_space<vmem>>
      %dma_wait3A_154 = tpu.memref_squeeze %dma_wait3A_153 : memref<1x128xi32, #tpu.memory_space<vmem>> -> memref<128xi32, #tpu.memory_space<vmem>>
      %dma_wait3A_155 = arith.constant 0 : i32
      %dma_wait3A_156 = arith.constant 0 : i32
      %dma_wait3A_157 = tpu.memref_slice %arg2[%dma_wait3A_155, %dma_wait3A_156] : memref<20480x64xf32, #tpu.memory_space<hbm>> -> memref<20480x64xf32, #tpu.memory_space<hbm>>
      tpu.wait_indirect_dma semaphore(%arg18 : memref<!tpu.dma_semaphore, #tpu.memory_space<semaphore_mem>>) src(%dma_wait3A_157 : memref<20480x64xf32, #tpu.memory_space<hbm>>) dst(%arg10 : memref<128x64xf32, #tpu.memory_space<vmem>>)
      %dma_start3A_158 = arith.constant 0 : i32
      %dma_start3A_159 = tpu.memref_slice %arg7[%add3A_139, %dma_start3A_158] : memref<160x128xi32, #tpu.memory_space<vmem>> -> memref<1x128xi32, #tpu.memory_space<vmem>>
      %dma_start3A_160 = tpu.memref_squeeze %dma_start3A_159 : memref<1x128xi32, #tpu.memory_space<vmem>> -> memref<128xi32, #tpu.memory_space<vmem>>
      %dma_start3A_161 = arith.constant 0 : i32
      %dma_start3A_162 = arith.constant 0 : i32
      %dma_start3A_163 = tpu.memref_slice %arg26[%dma_start3A_161, %dma_start3A_162] : memref<10240x64xf32, #tpu.memory_space<vmem_shared>> -> memref<10240x64xf32, #tpu.memory_space<vmem_shared>>
      tpu.enqueue_indirect_dma source(%arg10 : memref<128x64xf32, #tpu.memory_space<vmem>>) target(%dma_start3A_163 : memref<10240x64xf32, #tpu.memory_space<vmem_shared>>) offsets(%dma_start3A_160 : memref<128xi32, #tpu.memory_space<vmem>>) semaphore(%arg23 : memref<!tpu.dma_semaphore, #tpu.memory_space<semaphore_mem>>) {add = true}
      %mul3A_164 = arith.constant 5 : i32
      %mul3A_165 = arith.muli %mul3A_164, %scan3A_82 : i32
      %add3A_166 = arith.constant 3 : i32
      %add3A_167 = arith.addi %mul3A_165, %add3A_166 : i32
      %ge3A_168 = arith.constant 2 : i32
      %ge3A_169 = arith.cmpi sge, %add3A_167, %ge3A_168 : i32
      %convert_element_type3A_170 = arith.extui %ge3A_169 : i1 to i32
      %cond3A_171 = arith.constant 0 : i32
      %cond3A_172 = arith.cmpi ne, %convert_element_type3A_170, %cond3A_171 : i32
      scf.if %cond3A_172 {
        %sub3A = arith.constant 2 : i32
        %sub3A_221 = arith.subi %add3A_167, %sub3A : i32
        %dma_wait3A_222 = arith.constant 0 : i32
        %dma_wait3A_223 = tpu.memref_slice %arg7[%sub3A_221, %dma_wait3A_222] : memref<160x128xi32, #tpu.memory_space<vmem>> -> memref<1x128xi32, #tpu.memory_space<vmem>>
        %dma_wait3A_224 = tpu.memref_squeeze %dma_wait3A_223 : memref<1x128xi32, #tpu.memory_space<vmem>> -> memref<128xi32, #tpu.memory_space<vmem>>
        %dma_wait3A_225 = arith.constant 0 : i32
        %dma_wait3A_226 = arith.constant 0 : i32
        %dma_wait3A_227 = tpu.memref_slice %arg26[%dma_wait3A_225, %dma_wait3A_226] : memref<10240x64xf32, #tpu.memory_space<vmem_shared>> -> memref<10240x64xf32, #tpu.memory_space<vmem_shared>>
        tpu.wait_indirect_dma semaphore(%arg22 : memref<!tpu.dma_semaphore, #tpu.memory_space<semaphore_mem>>) src(%arg9 : memref<128x64xf32, #tpu.memory_space<vmem>>) dst(%dma_wait3A_227 : memref<10240x64xf32, #tpu.memory_space<vmem_shared>>)
      } else {
      }
      %add3A_173 = arith.constant 3 : i32
      %add3A_174 = arith.addi %add3A_167, %add3A_173 : i32
      %lt3A_175 = arith.constant 160 : i32
      %lt3A_176 = arith.cmpi slt, %add3A_174, %lt3A_175 : i32
      %convert_element_type3A_177 = arith.extui %lt3A_176 : i1 to i32
      %cond3A_178 = arith.constant 0 : i32
      %cond3A_179 = arith.cmpi ne, %convert_element_type3A_177, %cond3A_178 : i32
      scf.if %cond3A_179 {
        %add3A_221 = arith.constant 3 : i32
        %add3A_222 = arith.addi %add3A_167, %add3A_221 : i32
        %dma_start3A_223 = arith.constant 0 : i32
        %dma_start3A_224 = tpu.memref_slice %arg6[%add3A_222, %dma_start3A_223] : memref<160x128xi32, #tpu.memory_space<vmem>> -> memref<1x128xi32, #tpu.memory_space<vmem>>
        %dma_start3A_225 = tpu.memref_squeeze %dma_start3A_224 : memref<1x128xi32, #tpu.memory_space<vmem>> -> memref<128xi32, #tpu.memory_space<vmem>>
        %dma_start3A_226 = arith.constant 0 : i32
        %dma_start3A_227 = arith.constant 0 : i32
        %dma_start3A_228 = tpu.memref_slice %arg2[%dma_start3A_226, %dma_start3A_227] : memref<20480x64xf32, #tpu.memory_space<hbm>> -> memref<20480x64xf32, #tpu.memory_space<hbm>>
        tpu.enqueue_indirect_dma source(%dma_start3A_228 : memref<20480x64xf32, #tpu.memory_space<hbm>>) target(%arg9 : memref<128x64xf32, #tpu.memory_space<vmem>>) offsets(%dma_start3A_225 : memref<128xi32, #tpu.memory_space<vmem>>) semaphore(%arg17 : memref<!tpu.dma_semaphore, #tpu.memory_space<semaphore_mem>>)
      } else {
      }
      %dma_wait3A_180 = arith.constant 0 : i32
      %dma_wait3A_181 = tpu.memref_slice %arg6[%add3A_167, %dma_wait3A_180] : memref<160x128xi32, #tpu.memory_space<vmem>> -> memref<1x128xi32, #tpu.memory_space<vmem>>
      %dma_wait3A_182 = tpu.memref_squeeze %dma_wait3A_181 : memref<1x128xi32, #tpu.memory_space<vmem>> -> memref<128xi32, #tpu.memory_space<vmem>>
      %dma_wait3A_183 = arith.constant 0 : i32
      %dma_wait3A_184 = arith.constant 0 : i32
      %dma_wait3A_185 = tpu.memref_slice %arg2[%dma_wait3A_183, %dma_wait3A_184] : memref<20480x64xf32, #tpu.memory_space<hbm>> -> memref<20480x64xf32, #tpu.memory_space<hbm>>
      tpu.wait_indirect_dma semaphore(%arg19 : memref<!tpu.dma_semaphore, #tpu.memory_space<semaphore_mem>>) src(%dma_wait3A_185 : memref<20480x64xf32, #tpu.memory_space<hbm>>) dst(%arg11 : memref<128x64xf32, #tpu.memory_space<vmem>>)
      %dma_start3A_186 = arith.constant 0 : i32
      %dma_start3A_187 = tpu.memref_slice %arg7[%add3A_167, %dma_start3A_186] : memref<160x128xi32, #tpu.memory_space<vmem>> -> memref<1x128xi32, #tpu.memory_space<vmem>>
      %dma_start3A_188 = tpu.memref_squeeze %dma_start3A_187 : memref<1x128xi32, #tpu.memory_space<vmem>> -> memref<128xi32, #tpu.memory_space<vmem>>
      %dma_start3A_189 = arith.constant 0 : i32
      %dma_start3A_190 = arith.constant 0 : i32
      %dma_start3A_191 = tpu.memref_slice %arg26[%dma_start3A_189, %dma_start3A_190] : memref<10240x64xf32, #tpu.memory_space<vmem_shared>> -> memref<10240x64xf32, #tpu.memory_space<vmem_shared>>
      tpu.enqueue_indirect_dma source(%arg11 : memref<128x64xf32, #tpu.memory_space<vmem>>) target(%dma_start3A_191 : memref<10240x64xf32, #tpu.memory_space<vmem_shared>>) offsets(%dma_start3A_188 : memref<128xi32, #tpu.memory_space<vmem>>) semaphore(%arg24 : memref<!tpu.dma_semaphore, #tpu.memory_space<semaphore_mem>>) {add = true}
      %mul3A_192 = arith.constant 5 : i32
      %mul3A_193 = arith.muli %mul3A_192, %scan3A_82 : i32
      %add3A_194 = arith.constant 4 : i32
      %add3A_195 = arith.addi %mul3A_193, %add3A_194 : i32
      %ge3A_196 = arith.constant 2 : i32
      %ge3A_197 = arith.cmpi sge, %add3A_195, %ge3A_196 : i32
      %convert_element_type3A_198 = arith.extui %ge3A_197 : i1 to i32
      %cond3A_199 = arith.constant 0 : i32
      %cond3A_200 = arith.cmpi ne, %convert_element_type3A_198, %cond3A_199 : i32
      scf.if %cond3A_200 {
        %sub3A = arith.constant 2 : i32
        %sub3A_221 = arith.subi %add3A_195, %sub3A : i32
        %dma_wait3A_222 = arith.constant 0 : i32
        %dma_wait3A_223 = tpu.memref_slice %arg7[%sub3A_221, %dma_wait3A_222] : memref<160x128xi32, #tpu.memory_space<vmem>> -> memref<1x128xi32, #tpu.memory_space<vmem>>
        %dma_wait3A_224 = tpu.memref_squeeze %dma_wait3A_223 : memref<1x128xi32, #tpu.memory_space<vmem>> -> memref<128xi32, #tpu.memory_space<vmem>>
        %dma_wait3A_225 = arith.constant 0 : i32
        %dma_wait3A_226 = arith.constant 0 : i32
        %dma_wait3A_227 = tpu.memref_slice %arg26[%dma_wait3A_225, %dma_wait3A_226] : memref<10240x64xf32, #tpu.memory_space<vmem_shared>> -> memref<10240x64xf32, #tpu.memory_space<vmem_shared>>
        tpu.wait_indirect_dma semaphore(%arg23 : memref<!tpu.dma_semaphore, #tpu.memory_space<semaphore_mem>>) src(%arg10 : memref<128x64xf32, #tpu.memory_space<vmem>>) dst(%dma_wait3A_227 : memref<10240x64xf32, #tpu.memory_space<vmem_shared>>)
      } else {
      }
      %add3A_201 = arith.constant 3 : i32
      %add3A_202 = arith.addi %add3A_195, %add3A_201 : i32
      %lt3A_203 = arith.constant 160 : i32
      %lt3A_204 = arith.cmpi slt, %add3A_202, %lt3A_203 : i32
      %convert_element_type3A_205 = arith.extui %lt3A_204 : i1 to i32
      %cond3A_206 = arith.constant 0 : i32
      %cond3A_207 = arith.cmpi ne, %convert_element_type3A_205, %cond3A_206 : i32
      scf.if %cond3A_207 {
        %add3A_221 = arith.constant 3 : i32
        %add3A_222 = arith.addi %add3A_195, %add3A_221 : i32
        %dma_start3A_223 = arith.constant 0 : i32
        %dma_start3A_224 = tpu.memref_slice %arg6[%add3A_222, %dma_start3A_223] : memref<160x128xi32, #tpu.memory_space<vmem>> -> memref<1x128xi32, #tpu.memory_space<vmem>>
        %dma_start3A_225 = tpu.memref_squeeze %dma_start3A_224 : memref<1x128xi32, #tpu.memory_space<vmem>> -> memref<128xi32, #tpu.memory_space<vmem>>
        %dma_start3A_226 = arith.constant 0 : i32
        %dma_start3A_227 = arith.constant 0 : i32
        %dma_start3A_228 = tpu.memref_slice %arg2[%dma_start3A_226, %dma_start3A_227] : memref<20480x64xf32, #tpu.memory_space<hbm>> -> memref<20480x64xf32, #tpu.memory_space<hbm>>
        tpu.enqueue_indirect_dma source(%dma_start3A_228 : memref<20480x64xf32, #tpu.memory_space<hbm>>) target(%arg10 : memref<128x64xf32, #tpu.memory_space<vmem>>) offsets(%dma_start3A_225 : memref<128xi32, #tpu.memory_space<vmem>>) semaphore(%arg18 : memref<!tpu.dma_semaphore, #tpu.memory_space<semaphore_mem>>)
      } else {
      }
      %dma_wait3A_208 = arith.constant 0 : i32
      %dma_wait3A_209 = tpu.memref_slice %arg6[%add3A_195, %dma_wait3A_208] : memref<160x128xi32, #tpu.memory_space<vmem>> -> memref<1x128xi32, #tpu.memory_space<vmem>>
      %dma_wait3A_210 = tpu.memref_squeeze %dma_wait3A_209 : memref<1x128xi32, #tpu.memory_space<vmem>> -> memref<128xi32, #tpu.memory_space<vmem>>
      %dma_wait3A_211 = arith.constant 0 : i32
      %dma_wait3A_212 = arith.constant 0 : i32
      %dma_wait3A_213 = tpu.memref_slice %arg2[%dma_wait3A_211, %dma_wait3A_212] : memref<20480x64xf32, #tpu.memory_space<hbm>> -> memref<20480x64xf32, #tpu.memory_space<hbm>>
      tpu.wait_indirect_dma semaphore(%arg20 : memref<!tpu.dma_semaphore, #tpu.memory_space<semaphore_mem>>) src(%dma_wait3A_213 : memref<20480x64xf32, #tpu.memory_space<hbm>>) dst(%arg12 : memref<128x64xf32, #tpu.memory_space<vmem>>)
      %dma_start3A_214 = arith.constant 0 : i32
      %dma_start3A_215 = tpu.memref_slice %arg7[%add3A_195, %dma_start3A_214] : memref<160x128xi32, #tpu.memory_space<vmem>> -> memref<1x128xi32, #tpu.memory_space<vmem>>
      %dma_start3A_216 = tpu.memref_squeeze %dma_start3A_215 : memref<1x128xi32, #tpu.memory_space<vmem>> -> memref<128xi32, #tpu.memory_space<vmem>>
      %dma_start3A_217 = arith.constant 0 : i32
      %dma_start3A_218 = arith.constant 0 : i32
      %dma_start3A_219 = tpu.memref_slice %arg26[%dma_start3A_217, %dma_start3A_218] : memref<10240x64xf32, #tpu.memory_space<vmem_shared>> -> memref<10240x64xf32, #tpu.memory_space<vmem_shared>>
      tpu.enqueue_indirect_dma source(%arg12 : memref<128x64xf32, #tpu.memory_space<vmem>>) target(%dma_start3A_219 : memref<10240x64xf32, #tpu.memory_space<vmem_shared>>) offsets(%dma_start3A_216 : memref<128xi32, #tpu.memory_space<vmem>>) semaphore(%arg25 : memref<!tpu.dma_semaphore, #tpu.memory_space<semaphore_mem>>) {add = true}
      %scan3A_220 = arith.constant 0 : i32
      scf.yield %scan3A_220 : i32
    }
    %scan3A_59 = arith.constant 32 : i32
    %dma_wait3A_60 = arith.constant 158 : i32
    %dma_wait3A_61 = arith.constant 0 : i32
    %dma_wait3A_62 = tpu.memref_slice %arg7[%dma_wait3A_60, %dma_wait3A_61] : memref<160x128xi32, #tpu.memory_space<vmem>> -> memref<1x128xi32, #tpu.memory_space<vmem>>
    %dma_wait3A_63 = tpu.memref_squeeze %dma_wait3A_62 : memref<1x128xi32, #tpu.memory_space<vmem>> -> memref<128xi32, #tpu.memory_space<vmem>>
    %dma_wait3A_64 = arith.constant 0 : i32
    %dma_wait3A_65 = arith.constant 0 : i32
    %dma_wait3A_66 = tpu.memref_slice %arg26[%dma_wait3A_64, %dma_wait3A_65] : memref<10240x64xf32, #tpu.memory_space<vmem_shared>> -> memref<10240x64xf32, #tpu.memory_space<vmem_shared>>
    tpu.wait_indirect_dma semaphore(%arg24 : memref<!tpu.dma_semaphore, #tpu.memory_space<semaphore_mem>>) src(%arg11 : memref<128x64xf32, #tpu.memory_space<vmem>>) dst(%dma_wait3A_66 : memref<10240x64xf32, #tpu.memory_space<vmem_shared>>)
    %dma_wait3A_67 = arith.constant 159 : i32
    %dma_wait3A_68 = arith.constant 0 : i32
    %dma_wait3A_69 = tpu.memref_slice %arg7[%dma_wait3A_67, %dma_wait3A_68] : memref<160x128xi32, #tpu.memory_space<vmem>> -> memref<1x128xi32, #tpu.memory_space<vmem>>
    %dma_wait3A_70 = tpu.memref_squeeze %dma_wait3A_69 : memref<1x128xi32, #tpu.memory_space<vmem>> -> memref<128xi32, #tpu.memory_space<vmem>>
    %dma_wait3A_71 = arith.constant 0 : i32
    %dma_wait3A_72 = arith.constant 0 : i32
    %dma_wait3A_73 = tpu.memref_slice %arg26[%dma_wait3A_71, %dma_wait3A_72] : memref<10240x64xf32, #tpu.memory_space<vmem_shared>> -> memref<10240x64xf32, #tpu.memory_space<vmem_shared>>
    tpu.wait_indirect_dma semaphore(%arg25 : memref<!tpu.dma_semaphore, #tpu.memory_space<semaphore_mem>>) src(%arg12 : memref<128x64xf32, #tpu.memory_space<vmem>>) dst(%dma_wait3A_73 : memref<10240x64xf32, #tpu.memory_space<vmem_shared>>)
    %barrier3A_74 = arith.constant 0 : index
    tpu.barrier barrier_id(%barrier3A_74)
    %scan3A_75 = arith.constant 0 : i32
    %scan3A_76 = arith.constant 0 : i32
    %scan3A_77 = arith.constant 5 : i32
    %scan3A_78 = arith.addi %scan3A_76, %scan3A_77 : i32
    %scan3A_79 = arith.constant 1 : i32
    %scan3A_80 = scf.for %scan3A_82 = %scan3A_76 to %scan3A_78 step %scan3A_79 iter_args(%scan3A_83 = %scan3A_75) -> (i32)  : i32 {
      %mul3A_84 = arith.constant 640 : i32
      %mul3A_85 = arith.muli %arg1, %mul3A_84 : i32
      %mul3A_86 = arith.constant 128 : i32
      %mul3A_87 = arith.muli %scan3A_82, %mul3A_86 : i32
      %add3A_88 = arith.addi %mul3A_85, %mul3A_87 : i32
      %mul3A_89 = arith.constant 10240 : i32
      %mul3A_90 = arith.muli %arg0, %mul3A_89 : i32
      %mul3A_91 = arith.constant 640 : i32
      %mul3A_92 = arith.muli %arg1, %mul3A_91 : i32
      %add3A_93 = arith.addi %mul3A_90, %mul3A_92 : i32
      %mul3A_94 = arith.constant 128 : i32
      %mul3A_95 = arith.muli %scan3A_82, %mul3A_94 : i32
      %add3A_96 = arith.addi %add3A_93, %mul3A_95 : i32
      "tpu.region"() ({
        %run_scoped3A = tpu.sem_alloc : memref<!tpu.dma_semaphore, #tpu.memory_space<semaphore_mem>>
        %dma_start3A_98 = arith.constant 0 : i32
        %dma_start3A_99 = tpu.memref_slice %arg5[%add3A_96, %dma_start3A_98] : memref<20480x64xf32, #tpu.memory_space<hbm>> -> memref<128x64xf32, #tpu.memory_space<hbm>>
        %dma_start3A_100 = arith.constant 0 : i32
        %dma_start3A_101 = tpu.memref_slice %arg26[%add3A_88, %dma_start3A_100] : memref<10240x64xf32, #tpu.memory_space<vmem_shared>> -> memref<128x64xf32, #tpu.memory_space<vmem_shared>>
        tpu.enqueue_dma source(%dma_start3A_101 : memref<128x64xf32, #tpu.memory_space<vmem_shared>>) target(%dma_start3A_99 : memref<128x64xf32, #tpu.memory_space<hbm>>) target_semaphore(%run_scoped3A : memref<!tpu.dma_semaphore, #tpu.memory_space<semaphore_mem>>)
        %dma_wait3A_102 = arith.constant 0 : i32
        %dma_wait3A_103 = tpu.memref_slice %arg5[%add3A_96, %dma_wait3A_102] : memref<20480x64xf32, #tpu.memory_space<hbm>> -> memref<128x64xf32, #tpu.memory_space<hbm>>
        %dma_wait3A_104 = arith.constant 0 : i32
        %dma_wait3A_105 = tpu.memref_slice %arg26[%add3A_88, %dma_wait3A_104] : memref<10240x64xf32, #tpu.memory_space<vmem_shared>> -> memref<128x64xf32, #tpu.memory_space<vmem_shared>>
        tpu.wait_dma2 semaphore(%run_scoped3A : memref<!tpu.dma_semaphore, #tpu.memory_space<semaphore_mem>>) src(%dma_wait3A_105 : memref<128x64xf32, #tpu.memory_space<vmem_shared>>) dst(%dma_wait3A_103 : memref<128x64xf32, #tpu.memory_space<hbm>>)
        tpu.yield
      }) : () -> ()
      %scan3A_97 = arith.constant 0 : i32
      scf.yield %scan3A_97 : i32
    }
    %scan3A_81 = arith.constant 5 : i32
    return
  }
}

#map = affine_map<(d0, d1) -> (0, 0)>
module attributes {stable_mosaic.version = 14 : i64} {
  func.func @_agg_kernel(%arg0: i32, %arg1: i32, %arg2: memref<20480x64xf32, #tpu.memory_space<hbm>>, %arg3: memref<5120x128xi32, #tpu.memory_space<hbm>>, %arg4: memref<2560x128xi32, #tpu.memory_space<hbm>>, %arg5: memref<20480x64xf32, #tpu.memory_space<hbm>>, %arg6: memref<160x128xi32, #tpu.memory_space<vmem>>, %arg7: memref<160x128xi32, #tpu.memory_space<vmem>>, %arg8: memref<128x64xf32, #tpu.memory_space<vmem>>, %arg9: memref<128x64xf32, #tpu.memory_space<vmem>>, %arg10: memref<128x64xf32, #tpu.memory_space<vmem>>, %arg11: memref<128x64xf32, #tpu.memory_space<vmem>>, %arg12: memref<128x64xf32, #tpu.memory_space<vmem>>, %arg13: memref<64x64xf32, #tpu.memory_space<vmem>>, %arg14: memref<!tpu.dma_semaphore, #tpu.memory_space<semaphore_mem>>, %arg15: memref<!tpu.dma_semaphore, #tpu.memory_space<semaphore_mem>>, %arg16: memref<!tpu.dma_semaphore, #tpu.memory_space<semaphore_mem>>, %arg17: memref<!tpu.dma_semaphore, #tpu.memory_space<semaphore_mem>>, %arg18: memref<!tpu.dma_semaphore, #tpu.memory_space<semaphore_mem>>, %arg19: memref<!tpu.dma_semaphore, #tpu.memory_space<semaphore_mem>>, %arg20: memref<!tpu.dma_semaphore, #tpu.memory_space<semaphore_mem>>, %arg21: memref<!tpu.dma_semaphore, #tpu.memory_space<semaphore_mem>>, %arg22: memref<!tpu.dma_semaphore, #tpu.memory_space<semaphore_mem>>, %arg23: memref<!tpu.dma_semaphore, #tpu.memory_space<semaphore_mem>>, %arg24: memref<!tpu.dma_semaphore, #tpu.memory_space<semaphore_mem>>, %arg25: memref<!tpu.dma_semaphore, #tpu.memory_space<semaphore_mem>>, %arg26: memref<10240x64xf32, #tpu.memory_space<vmem_shared>>) attributes {dimension_semantics = [#tpu.dimension_semantics<core_parallel>, #tpu.dimension_semantics<subcore_parallel>], iteration_bounds = array<i64: 2, 16>, scalar_prefetch = 0 : i64, scratch_operands = 21 : i64, tpu.core_type = #tpu.core_type<sc_vector_subcore>, window_params = [{transform_indices = #map}, {transform_indices = #map}, {transform_indices = #map}, {transform_indices = #map}]} {
    %mul3A = arith.constant 16 : i32
    %mul3A_0 = arith.muli %arg0, %mul3A : i32
    %add3A = arith.addi %mul3A_0, %arg1 : i32
    %mul3A_1 = arith.constant 160 : i32
    %mul3A_2 = arith.muli %add3A, %mul3A_1 : i32
    %dma_start3A = arith.constant 0 : i32
    %dma_start3A_3 = tpu.memref_slice %arg3[%mul3A_2, %dma_start3A] : memref<5120x128xi32, #tpu.memory_space<hbm>> -> memref<160x128xi32, #tpu.memory_space<hbm>>
    %dma_start3A_4 = arith.constant 0 : i32
    %dma_start3A_5 = tpu.memref_slice %arg3[%mul3A_2, %dma_start3A_4] : memref<5120x128xi32, #tpu.memory_space<hbm>> -> memref<160x128xi32, #tpu.memory_space<hbm>>
    tpu.enqueue_dma source(%dma_start3A_5 : memref<160x128xi32, #tpu.memory_space<hbm>>) target(%arg6 : memref<160x128xi32, #tpu.memory_space<vmem>>) target_semaphore(%arg14 : memref<!tpu.dma_semaphore, #tpu.memory_space<semaphore_mem>>)
    %mul3A_6 = arith.constant 160 : i32
    %mul3A_7 = arith.muli %arg1, %mul3A_6 : i32
    %dma_start3A_8 = arith.constant 0 : i32
    %dma_start3A_9 = tpu.memref_slice %arg4[%mul3A_7, %dma_start3A_8] : memref<2560x128xi32, #tpu.memory_space<hbm>> -> memref<160x128xi32, #tpu.memory_space<hbm>>
    %dma_start3A_10 = arith.constant 0 : i32
    %dma_start3A_11 = tpu.memref_slice %arg4[%mul3A_7, %dma_start3A_10] : memref<2560x128xi32, #tpu.memory_space<hbm>> -> memref<160x128xi32, #tpu.memory_space<hbm>>
    tpu.enqueue_dma source(%dma_start3A_11 : memref<160x128xi32, #tpu.memory_space<hbm>>) target(%arg7 : memref<160x128xi32, #tpu.memory_space<vmem>>) target_semaphore(%arg15 : memref<!tpu.dma_semaphore, #tpu.memory_space<semaphore_mem>>)
    %scan3A = arith.constant 0 : i32
    %scan3A_12 = arith.constant 0 : i32
    %scan3A_13 = arith.constant 256 : i32
    %scan3A_14 = arith.addi %scan3A_12, %scan3A_13 : i32
    %scan3A_15 = arith.constant 1 : i32
    %scan3A_16 = scf.for %scan3A_82 = %scan3A_12 to %scan3A_14 step %scan3A_15 iter_args(%scan3A_83 = %scan3A) -> (i32)  : i32 {
      %jit3A = arith.constant 4 : i32
      %div3A = arith.divsi %scan3A_82, %jit3A : i32
      %sign3A = arith.constant 0 : i32
      %sign3A_84 = arith.cmpi sgt, %scan3A_82, %sign3A : i32
      %sign3A_85 = arith.extui %sign3A_84 : i1 to i32
      %sign3A_86 = arith.constant 0 : i32
      %sign3A_87 = arith.cmpi slt, %scan3A_82, %sign3A_86 : i32
      %sign3A_88 = arith.extui %sign3A_87 : i1 to i32
      %sign3A_89 = arith.subi %sign3A_85, %sign3A_88 : i32
      %sign3A_90 = arith.constant 0 : i32
      %sign3A_91 = arith.cmpi sgt, %jit3A, %sign3A_90 : i32
      %sign3A_92 = arith.extui %sign3A_91 : i1 to i32
      %sign3A_93 = arith.constant 0 : i32
      %sign3A_94 = arith.cmpi slt, %jit3A, %sign3A_93 : i32
      %sign3A_95 = arith.extui %sign3A_94 : i1 to i32
      %sign3A_96 = arith.subi %sign3A_92, %sign3A_95 : i32
      %ne3A = arith.cmpi ne, %sign3A_89, %sign3A_96 : i32
      %rem3A = arith.remsi %scan3A_82, %jit3A : i32
      %ne3A_97 = arith.constant 0 : i32
      %ne3A_98 = arith.cmpi ne, %rem3A, %ne3A_97 : i32
      %and3A = arith.andi %ne3A, %ne3A_98 : i1
      %sub3A = arith.constant 1 : i32
      %sub3A_99 = arith.subi %div3A, %sub3A : i32
      %select_n3A = arith.select %and3A, %sub3A_99, %div3A : i32
      %jit3A_100 = arith.constant 4 : i32
      %eq3A = arith.constant 0 : i32
      %eq3A_101 = arith.cmpi eq, %jit3A_100, %eq3A : i32
      %jit3A_102 = arith.constant 1 : i32
      %select_n3A_103 = arith.select %eq3A_101, %jit3A_102, %jit3A_100 : i32
      %rem3A_104 = arith.remsi %scan3A_82, %select_n3A_103 : i32
      %ne3A_105 = arith.constant 0 : i32
      %ne3A_106 = arith.cmpi ne, %rem3A_104, %ne3A_105 : i32
      %lt3A = arith.constant 0 : i32
      %lt3A_107 = arith.cmpi slt, %rem3A_104, %lt3A : i32
      %lt3A_108 = arith.constant 0 : i32
      %lt3A_109 = arith.cmpi slt, %select_n3A_103, %lt3A_108 : i32
      %ne3A_110 = arith.xori %lt3A_107, %lt3A_109 : i1
      %and3A_111 = arith.andi %ne3A_110, %ne3A_106 : i1
      %add3A_112 = arith.addi %rem3A_104, %select_n3A_103 : i32
      %select_n3A_113 = arith.select %and3A_111, %add3A_112, %rem3A_104 : i32
      %mul3A_114 = arith.constant 16 : i32
      %mul3A_115 = arith.muli %select_n3A_113, %mul3A_114 : i32
      %broadcast_in_dim3A = arith.constant 0.000000e+00 : f32
      %broadcast_in_dim3A_116 = vector.broadcast %broadcast_in_dim3A : f32 to vector<16xf32>
      %swap3A = arith.index_cast %select_n3A : i32 to index
      %swap3A_117 = arith.index_cast %mul3A_115 : i32 to index
      %swap3A_118 = tpu.vector_load %arg13[%swap3A, %swap3A_117] {strides = array<i32>} : memref<64x64xf32, #tpu.memory_space<vmem>>, vector<1x16xf32>,
      %swap3A_119 = vector.shape_cast %swap3A_118 : vector<1x16xf32> to vector<16xf32>
      %swap3A_120 = vector.shape_cast %broadcast_in_dim3A_116 : vector<16xf32> to vector<1x16xf32>
      tpu.vector_store %arg13[%swap3A, %swap3A_117], %swap3A_120 {strides = array<i32>} : memref<64x64xf32, #tpu.memory_space<vmem>>, vector<1x16xf32>,
      %scan3A_121 = arith.constant 0 : i32
      scf.yield %scan3A_121 : i32
    }
    %scan3A_17 = arith.constant 256 : i32
    %dma_wait3A = arith.constant 0 : i32
    %dma_wait3A_18 = tpu.memref_slice %arg3[%mul3A_2, %dma_wait3A] : memref<5120x128xi32, #tpu.memory_space<hbm>> -> memref<160x128xi32, #tpu.memory_space<hbm>>
    %dma_wait3A_19 = arith.constant 0 : i32
    %dma_wait3A_20 = tpu.memref_slice %arg3[%mul3A_2, %dma_wait3A_19] : memref<5120x128xi32, #tpu.memory_space<hbm>> -> memref<160x128xi32, #tpu.memory_space<hbm>>
    tpu.wait_dma2 semaphore(%arg14 : memref<!tpu.dma_semaphore, #tpu.memory_space<semaphore_mem>>) src(%dma_wait3A_20 : memref<160x128xi32, #tpu.memory_space<hbm>>) dst(%arg6 : memref<160x128xi32, #tpu.memory_space<vmem>>)
    %dma_wait3A_21 = arith.constant 0 : i32
    %dma_wait3A_22 = tpu.memref_slice %arg4[%mul3A_7, %dma_wait3A_21] : memref<2560x128xi32, #tpu.memory_space<hbm>> -> memref<160x128xi32, #tpu.memory_space<hbm>>
    %dma_wait3A_23 = arith.constant 0 : i32
    %dma_wait3A_24 = tpu.memref_slice %arg4[%mul3A_7, %dma_wait3A_23] : memref<2560x128xi32, #tpu.memory_space<hbm>> -> memref<160x128xi32, #tpu.memory_space<hbm>>
    tpu.wait_dma2 semaphore(%arg15 : memref<!tpu.dma_semaphore, #tpu.memory_space<semaphore_mem>>) src(%dma_wait3A_24 : memref<160x128xi32, #tpu.memory_space<hbm>>) dst(%arg7 : memref<160x128xi32, #tpu.memory_space<vmem>>)
    %dma_start3A_25 = arith.constant 0 : i32
    %dma_start3A_26 = arith.constant 0 : i32
    %dma_start3A_27 = tpu.memref_slice %arg6[%dma_start3A_25, %dma_start3A_26] : memref<160x128xi32, #tpu.memory_space<vmem>> -> memref<1x128xi32, #tpu.memory_space<vmem>>
    %dma_start3A_28 = tpu.memref_squeeze %dma_start3A_27 : memref<1x128xi32, #tpu.memory_space<vmem>> -> memref<128xi32, #tpu.memory_space<vmem>>
    %dma_start3A_29 = arith.constant 0 : i32
    %dma_start3A_30 = arith.constant 0 : i32
    %dma_start3A_31 = tpu.memref_slice %arg2[%dma_start3A_29, %dma_start3A_30] : memref<20480x64xf32, #tpu.memory_space<hbm>> -> memref<20480x64xf32, #tpu.memory_space<hbm>>
    tpu.enqueue_indirect_dma source(%dma_start3A_31 : memref<20480x64xf32, #tpu.memory_space<hbm>>) target(%arg8 : memref<128x64xf32, #tpu.memory_space<vmem>>) offsets(%dma_start3A_28 : memref<128xi32, #tpu.memory_space<vmem>>) semaphore(%arg16 : memref<!tpu.dma_semaphore, #tpu.memory_space<semaphore_mem>>)
    %dma_start3A_32 = arith.constant 1 : i32
    %dma_start3A_33 = arith.constant 0 : i32
    %dma_start3A_34 = tpu.memref_slice %arg6[%dma_start3A_32, %dma_start3A_33] : memref<160x128xi32, #tpu.memory_space<vmem>> -> memref<1x128xi32, #tpu.memory_space<vmem>>
    %dma_start3A_35 = tpu.memref_squeeze %dma_start3A_34 : memref<1x128xi32, #tpu.memory_space<vmem>> -> memref<128xi32, #tpu.memory_space<vmem>>
    %dma_start3A_36 = arith.constant 0 : i32
    %dma_start3A_37 = arith.constant 0 : i32
    %dma_start3A_38 = tpu.memref_slice %arg2[%dma_start3A_36, %dma_start3A_37] : memref<20480x64xf32, #tpu.memory_space<hbm>> -> memref<20480x64xf32, #tpu.memory_space<hbm>>
    tpu.enqueue_indirect_dma source(%dma_start3A_38 : memref<20480x64xf32, #tpu.memory_space<hbm>>) target(%arg9 : memref<128x64xf32, #tpu.memory_space<vmem>>) offsets(%dma_start3A_35 : memref<128xi32, #tpu.memory_space<vmem>>) semaphore(%arg17 : memref<!tpu.dma_semaphore, #tpu.memory_space<semaphore_mem>>)
    %dma_start3A_39 = arith.constant 2 : i32
    %dma_start3A_40 = arith.constant 0 : i32
    %dma_start3A_41 = tpu.memref_slice %arg6[%dma_start3A_39, %dma_start3A_40] : memref<160x128xi32, #tpu.memory_space<vmem>> -> memref<1x128xi32, #tpu.memory_space<vmem>>
    %dma_start3A_42 = tpu.memref_squeeze %dma_start3A_41 : memref<1x128xi32, #tpu.memory_space<vmem>> -> memref<128xi32, #tpu.memory_space<vmem>>
    %dma_start3A_43 = arith.constant 0 : i32
    %dma_start3A_44 = arith.constant 0 : i32
    %dma_start3A_45 = tpu.memref_slice %arg2[%dma_start3A_43, %dma_start3A_44] : memref<20480x64xf32, #tpu.memory_space<hbm>> -> memref<20480x64xf32, #tpu.memory_space<hbm>>
    tpu.enqueue_indirect_dma source(%dma_start3A_45 : memref<20480x64xf32, #tpu.memory_space<hbm>>) target(%arg10 : memref<128x64xf32, #tpu.memory_space<vmem>>) offsets(%dma_start3A_42 : memref<128xi32, #tpu.memory_space<vmem>>) semaphore(%arg18 : memref<!tpu.dma_semaphore, #tpu.memory_space<semaphore_mem>>)
    %scan3A_46 = arith.constant 0 : i32
    %scan3A_47 = arith.constant 0 : i32
    %scan3A_48 = arith.constant 10 : i32
    %scan3A_49 = arith.addi %scan3A_47, %scan3A_48 : i32
    %scan3A_50 = arith.constant 1 : i32
    %scan3A_51 = scf.for %scan3A_82 = %scan3A_47 to %scan3A_49 step %scan3A_50 iter_args(%scan3A_83 = %scan3A_46) -> (i32)  : i32 {
      %mul3A_84 = arith.constant 640 : i32
      %mul3A_85 = arith.muli %arg1, %mul3A_84 : i32
      %mul3A_86 = arith.constant 64 : i32
      %mul3A_87 = arith.muli %scan3A_82, %mul3A_86 : i32
      %add3A_88 = arith.addi %mul3A_85, %mul3A_87 : i32
      "tpu.region"() ({
        %run_scoped3A = tpu.sem_alloc : memref<!tpu.dma_semaphore, #tpu.memory_space<semaphore_mem>>
        %dma_start3A_90 = arith.constant 0 : i32
        %dma_start3A_91 = tpu.memref_slice %arg26[%add3A_88, %dma_start3A_90] : memref<10240x64xf32, #tpu.memory_space<vmem_shared>> -> memref<64x64xf32, #tpu.memory_space<vmem_shared>>
        %dma_start3A_92 = arith.constant 0 : i32
        %dma_start3A_93 = tpu.memref_slice %arg26[%add3A_88, %dma_start3A_92] : memref<10240x64xf32, #tpu.memory_space<vmem_shared>> -> memref<64x64xf32, #tpu.memory_space<vmem_shared>>
        tpu.enqueue_dma source(%arg13 : memref<64x64xf32, #tpu.memory_space<vmem>>) target(%dma_start3A_93 : memref<64x64xf32, #tpu.memory_space<vmem_shared>>) target_semaphore(%run_scoped3A : memref<!tpu.dma_semaphore, #tpu.memory_space<semaphore_mem>>)
        %dma_wait3A_94 = arith.constant 0 : i32
        %dma_wait3A_95 = tpu.memref_slice %arg26[%add3A_88, %dma_wait3A_94] : memref<10240x64xf32, #tpu.memory_space<vmem_shared>> -> memref<64x64xf32, #tpu.memory_space<vmem_shared>>
        %dma_wait3A_96 = arith.constant 0 : i32
        %dma_wait3A_97 = tpu.memref_slice %arg26[%add3A_88, %dma_wait3A_96] : memref<10240x64xf32, #tpu.memory_space<vmem_shared>> -> memref<64x64xf32, #tpu.memory_space<vmem_shared>>
        tpu.wait_dma2 semaphore(%run_scoped3A : memref<!tpu.dma_semaphore, #tpu.memory_space<semaphore_mem>>) src(%arg13 : memref<64x64xf32, #tpu.memory_space<vmem>>) dst(%dma_wait3A_97 : memref<64x64xf32, #tpu.memory_space<vmem_shared>>)
        tpu.yield
      }) : () -> ()
      %scan3A_89 = arith.constant 0 : i32
      scf.yield %scan3A_89 : i32
    }
    %scan3A_52 = arith.constant 10 : i32
    %barrier3A = arith.constant 0 : index
    tpu.barrier barrier_id(%barrier3A)
    %scan3A_53 = arith.constant 0 : i32
    %scan3A_54 = arith.constant 0 : i32
    %scan3A_55 = arith.constant 32 : i32
    %scan3A_56 = arith.addi %scan3A_54, %scan3A_55 : i32
    %scan3A_57 = arith.constant 1 : i32
    %scan3A_58 = scf.for %scan3A_82 = %scan3A_54 to %scan3A_56 step %scan3A_57 iter_args(%scan3A_83 = %scan3A_53) -> (i32)  : i32 {
      %mul3A_84 = arith.constant 5 : i32
      %mul3A_85 = arith.muli %mul3A_84, %scan3A_82 : i32
      %add3A_86 = arith.constant 0 : i32
      %add3A_87 = arith.addi %mul3A_85, %add3A_86 : i32
      %ge3A = arith.constant 2 : i32
      %ge3A_88 = arith.cmpi sge, %add3A_87, %ge3A : i32
      %convert_element_type3A = arith.extui %ge3A_88 : i1 to i32
      %cond3A = arith.constant 0 : i32
      %cond3A_89 = arith.cmpi ne, %convert_element_type3A, %cond3A : i32
      scf.if %cond3A_89 {
        %sub3A = arith.constant 2 : i32
        %sub3A_221 = arith.subi %add3A_87, %sub3A : i32
        %dma_wait3A_222 = arith.constant 0 : i32
        %dma_wait3A_223 = tpu.memref_slice %arg7[%sub3A_221, %dma_wait3A_222] : memref<160x128xi32, #tpu.memory_space<vmem>> -> memref<1x128xi32, #tpu.memory_space<vmem>>
        %dma_wait3A_224 = tpu.memref_squeeze %dma_wait3A_223 : memref<1x128xi32, #tpu.memory_space<vmem>> -> memref<128xi32, #tpu.memory_space<vmem>>
        %dma_wait3A_225 = arith.constant 0 : i32
        %dma_wait3A_226 = arith.constant 0 : i32
        %dma_wait3A_227 = tpu.memref_slice %arg26[%dma_wait3A_225, %dma_wait3A_226] : memref<10240x64xf32, #tpu.memory_space<vmem_shared>> -> memref<10240x64xf32, #tpu.memory_space<vmem_shared>>
        tpu.wait_indirect_dma semaphore(%arg24 : memref<!tpu.dma_semaphore, #tpu.memory_space<semaphore_mem>>) src(%arg11 : memref<128x64xf32, #tpu.memory_space<vmem>>) dst(%dma_wait3A_227 : memref<10240x64xf32, #tpu.memory_space<vmem_shared>>)
      } else {
      }
      %add3A_90 = arith.constant 3 : i32
      %add3A_91 = arith.addi %add3A_87, %add3A_90 : i32
      %lt3A = arith.constant 160 : i32
      %lt3A_92 = arith.cmpi slt, %add3A_91, %lt3A : i32
      %convert_element_type3A_93 = arith.extui %lt3A_92 : i1 to i32
      %cond3A_94 = arith.constant 0 : i32
      %cond3A_95 = arith.cmpi ne, %convert_element_type3A_93, %cond3A_94 : i32
      scf.if %cond3A_95 {
        %add3A_221 = arith.constant 3 : i32
        %add3A_222 = arith.addi %add3A_87, %add3A_221 : i32
        %dma_start3A_223 = arith.constant 0 : i32
        %dma_start3A_224 = tpu.memref_slice %arg6[%add3A_222, %dma_start3A_223] : memref<160x128xi32, #tpu.memory_space<vmem>> -> memref<1x128xi32, #tpu.memory_space<vmem>>
        %dma_start3A_225 = tpu.memref_squeeze %dma_start3A_224 : memref<1x128xi32, #tpu.memory_space<vmem>> -> memref<128xi32, #tpu.memory_space<vmem>>
        %dma_start3A_226 = arith.constant 0 : i32
        %dma_start3A_227 = arith.constant 0 : i32
        %dma_start3A_228 = tpu.memref_slice %arg2[%dma_start3A_226, %dma_start3A_227] : memref<20480x64xf32, #tpu.memory_space<hbm>> -> memref<20480x64xf32, #tpu.memory_space<hbm>>
        tpu.enqueue_indirect_dma source(%dma_start3A_228 : memref<20480x64xf32, #tpu.memory_space<hbm>>) target(%arg11 : memref<128x64xf32, #tpu.memory_space<vmem>>) offsets(%dma_start3A_225 : memref<128xi32, #tpu.memory_space<vmem>>) semaphore(%arg19 : memref<!tpu.dma_semaphore, #tpu.memory_space<semaphore_mem>>)
      } else {
      }
      %dma_wait3A_96 = arith.constant 0 : i32
      %dma_wait3A_97 = tpu.memref_slice %arg6[%add3A_87, %dma_wait3A_96] : memref<160x128xi32, #tpu.memory_space<vmem>> -> memref<1x128xi32, #tpu.memory_space<vmem>>
      %dma_wait3A_98 = tpu.memref_squeeze %dma_wait3A_97 : memref<1x128xi32, #tpu.memory_space<vmem>> -> memref<128xi32, #tpu.memory_space<vmem>>
      %dma_wait3A_99 = arith.constant 0 : i32
      %dma_wait3A_100 = arith.constant 0 : i32
      %dma_wait3A_101 = tpu.memref_slice %arg2[%dma_wait3A_99, %dma_wait3A_100] : memref<20480x64xf32, #tpu.memory_space<hbm>> -> memref<20480x64xf32, #tpu.memory_space<hbm>>
      tpu.wait_indirect_dma semaphore(%arg16 : memref<!tpu.dma_semaphore, #tpu.memory_space<semaphore_mem>>) src(%dma_wait3A_101 : memref<20480x64xf32, #tpu.memory_space<hbm>>) dst(%arg8 : memref<128x64xf32, #tpu.memory_space<vmem>>)
      %dma_start3A_102 = arith.constant 0 : i32
      %dma_start3A_103 = tpu.memref_slice %arg7[%add3A_87, %dma_start3A_102] : memref<160x128xi32, #tpu.memory_space<vmem>> -> memref<1x128xi32, #tpu.memory_space<vmem>>
      %dma_start3A_104 = tpu.memref_squeeze %dma_start3A_103 : memref<1x128xi32, #tpu.memory_space<vmem>> -> memref<128xi32, #tpu.memory_space<vmem>>
      %dma_start3A_105 = arith.constant 0 : i32
      %dma_start3A_106 = arith.constant 0 : i32
      %dma_start3A_107 = tpu.memref_slice %arg26[%dma_start3A_105, %dma_start3A_106] : memref<10240x64xf32, #tpu.memory_space<vmem_shared>> -> memref<10240x64xf32, #tpu.memory_space<vmem_shared>>
      tpu.enqueue_indirect_dma source(%arg8 : memref<128x64xf32, #tpu.memory_space<vmem>>) target(%dma_start3A_107 : memref<10240x64xf32, #tpu.memory_space<vmem_shared>>) offsets(%dma_start3A_104 : memref<128xi32, #tpu.memory_space<vmem>>) semaphore(%arg21 : memref<!tpu.dma_semaphore, #tpu.memory_space<semaphore_mem>>) {add = true}
      %mul3A_108 = arith.constant 5 : i32
      %mul3A_109 = arith.muli %mul3A_108, %scan3A_82 : i32
      %add3A_110 = arith.constant 1 : i32
      %add3A_111 = arith.addi %mul3A_109, %add3A_110 : i32
      %ge3A_112 = arith.constant 2 : i32
      %ge3A_113 = arith.cmpi sge, %add3A_111, %ge3A_112 : i32
      %convert_element_type3A_114 = arith.extui %ge3A_113 : i1 to i32
      %cond3A_115 = arith.constant 0 : i32
      %cond3A_116 = arith.cmpi ne, %convert_element_type3A_114, %cond3A_115 : i32
      scf.if %cond3A_116 {
        %sub3A = arith.constant 2 : i32
        %sub3A_221 = arith.subi %add3A_111, %sub3A : i32
        %dma_wait3A_222 = arith.constant 0 : i32
        %dma_wait3A_223 = tpu.memref_slice %arg7[%sub3A_221, %dma_wait3A_222] : memref<160x128xi32, #tpu.memory_space<vmem>> -> memref<1x128xi32, #tpu.memory_space<vmem>>
        %dma_wait3A_224 = tpu.memref_squeeze %dma_wait3A_223 : memref<1x128xi32, #tpu.memory_space<vmem>> -> memref<128xi32, #tpu.memory_space<vmem>>
        %dma_wait3A_225 = arith.constant 0 : i32
        %dma_wait3A_226 = arith.constant 0 : i32
        %dma_wait3A_227 = tpu.memref_slice %arg26[%dma_wait3A_225, %dma_wait3A_226] : memref<10240x64xf32, #tpu.memory_space<vmem_shared>> -> memref<10240x64xf32, #tpu.memory_space<vmem_shared>>
        tpu.wait_indirect_dma semaphore(%arg25 : memref<!tpu.dma_semaphore, #tpu.memory_space<semaphore_mem>>) src(%arg12 : memref<128x64xf32, #tpu.memory_space<vmem>>) dst(%dma_wait3A_227 : memref<10240x64xf32, #tpu.memory_space<vmem_shared>>)
      } else {
      }
      %add3A_117 = arith.constant 3 : i32
      %add3A_118 = arith.addi %add3A_111, %add3A_117 : i32
      %lt3A_119 = arith.constant 160 : i32
      %lt3A_120 = arith.cmpi slt, %add3A_118, %lt3A_119 : i32
      %convert_element_type3A_121 = arith.extui %lt3A_120 : i1 to i32
      %cond3A_122 = arith.constant 0 : i32
      %cond3A_123 = arith.cmpi ne, %convert_element_type3A_121, %cond3A_122 : i32
      scf.if %cond3A_123 {
        %add3A_221 = arith.constant 3 : i32
        %add3A_222 = arith.addi %add3A_111, %add3A_221 : i32
        %dma_start3A_223 = arith.constant 0 : i32
        %dma_start3A_224 = tpu.memref_slice %arg6[%add3A_222, %dma_start3A_223] : memref<160x128xi32, #tpu.memory_space<vmem>> -> memref<1x128xi32, #tpu.memory_space<vmem>>
        %dma_start3A_225 = tpu.memref_squeeze %dma_start3A_224 : memref<1x128xi32, #tpu.memory_space<vmem>> -> memref<128xi32, #tpu.memory_space<vmem>>
        %dma_start3A_226 = arith.constant 0 : i32
        %dma_start3A_227 = arith.constant 0 : i32
        %dma_start3A_228 = tpu.memref_slice %arg2[%dma_start3A_226, %dma_start3A_227] : memref<20480x64xf32, #tpu.memory_space<hbm>> -> memref<20480x64xf32, #tpu.memory_space<hbm>>
        tpu.enqueue_indirect_dma source(%dma_start3A_228 : memref<20480x64xf32, #tpu.memory_space<hbm>>) target(%arg12 : memref<128x64xf32, #tpu.memory_space<vmem>>) offsets(%dma_start3A_225 : memref<128xi32, #tpu.memory_space<vmem>>) semaphore(%arg20 : memref<!tpu.dma_semaphore, #tpu.memory_space<semaphore_mem>>)
      } else {
      }
      %dma_wait3A_124 = arith.constant 0 : i32
      %dma_wait3A_125 = tpu.memref_slice %arg6[%add3A_111, %dma_wait3A_124] : memref<160x128xi32, #tpu.memory_space<vmem>> -> memref<1x128xi32, #tpu.memory_space<vmem>>
      %dma_wait3A_126 = tpu.memref_squeeze %dma_wait3A_125 : memref<1x128xi32, #tpu.memory_space<vmem>> -> memref<128xi32, #tpu.memory_space<vmem>>
      %dma_wait3A_127 = arith.constant 0 : i32
      %dma_wait3A_128 = arith.constant 0 : i32
      %dma_wait3A_129 = tpu.memref_slice %arg2[%dma_wait3A_127, %dma_wait3A_128] : memref<20480x64xf32, #tpu.memory_space<hbm>> -> memref<20480x64xf32, #tpu.memory_space<hbm>>
      tpu.wait_indirect_dma semaphore(%arg17 : memref<!tpu.dma_semaphore, #tpu.memory_space<semaphore_mem>>) src(%dma_wait3A_129 : memref<20480x64xf32, #tpu.memory_space<hbm>>) dst(%arg9 : memref<128x64xf32, #tpu.memory_space<vmem>>)
      %dma_start3A_130 = arith.constant 0 : i32
      %dma_start3A_131 = tpu.memref_slice %arg7[%add3A_111, %dma_start3A_130] : memref<160x128xi32, #tpu.memory_space<vmem>> -> memref<1x128xi32, #tpu.memory_space<vmem>>
      %dma_start3A_132 = tpu.memref_squeeze %dma_start3A_131 : memref<1x128xi32, #tpu.memory_space<vmem>> -> memref<128xi32, #tpu.memory_space<vmem>>
      %dma_start3A_133 = arith.constant 0 : i32
      %dma_start3A_134 = arith.constant 0 : i32
      %dma_start3A_135 = tpu.memref_slice %arg26[%dma_start3A_133, %dma_start3A_134] : memref<10240x64xf32, #tpu.memory_space<vmem_shared>> -> memref<10240x64xf32, #tpu.memory_space<vmem_shared>>
      tpu.enqueue_indirect_dma source(%arg9 : memref<128x64xf32, #tpu.memory_space<vmem>>) target(%dma_start3A_135 : memref<10240x64xf32, #tpu.memory_space<vmem_shared>>) offsets(%dma_start3A_132 : memref<128xi32, #tpu.memory_space<vmem>>) semaphore(%arg22 : memref<!tpu.dma_semaphore, #tpu.memory_space<semaphore_mem>>) {add = true}
      %mul3A_136 = arith.constant 5 : i32
      %mul3A_137 = arith.muli %mul3A_136, %scan3A_82 : i32
      %add3A_138 = arith.constant 2 : i32
      %add3A_139 = arith.addi %mul3A_137, %add3A_138 : i32
      %ge3A_140 = arith.constant 2 : i32
      %ge3A_141 = arith.cmpi sge, %add3A_139, %ge3A_140 : i32
      %convert_element_type3A_142 = arith.extui %ge3A_141 : i1 to i32
      %cond3A_143 = arith.constant 0 : i32
      %cond3A_144 = arith.cmpi ne, %convert_element_type3A_142, %cond3A_143 : i32
      scf.if %cond3A_144 {
        %sub3A = arith.constant 2 : i32
        %sub3A_221 = arith.subi %add3A_139, %sub3A : i32
        %dma_wait3A_222 = arith.constant 0 : i32
        %dma_wait3A_223 = tpu.memref_slice %arg7[%sub3A_221, %dma_wait3A_222] : memref<160x128xi32, #tpu.memory_space<vmem>> -> memref<1x128xi32, #tpu.memory_space<vmem>>
        %dma_wait3A_224 = tpu.memref_squeeze %dma_wait3A_223 : memref<1x128xi32, #tpu.memory_space<vmem>> -> memref<128xi32, #tpu.memory_space<vmem>>
        %dma_wait3A_225 = arith.constant 0 : i32
        %dma_wait3A_226 = arith.constant 0 : i32
        %dma_wait3A_227 = tpu.memref_slice %arg26[%dma_wait3A_225, %dma_wait3A_226] : memref<10240x64xf32, #tpu.memory_space<vmem_shared>> -> memref<10240x64xf32, #tpu.memory_space<vmem_shared>>
        tpu.wait_indirect_dma semaphore(%arg21 : memref<!tpu.dma_semaphore, #tpu.memory_space<semaphore_mem>>) src(%arg8 : memref<128x64xf32, #tpu.memory_space<vmem>>) dst(%dma_wait3A_227 : memref<10240x64xf32, #tpu.memory_space<vmem_shared>>)
      } else {
      }
      %add3A_145 = arith.constant 3 : i32
      %add3A_146 = arith.addi %add3A_139, %add3A_145 : i32
      %lt3A_147 = arith.constant 160 : i32
      %lt3A_148 = arith.cmpi slt, %add3A_146, %lt3A_147 : i32
      %convert_element_type3A_149 = arith.extui %lt3A_148 : i1 to i32
      %cond3A_150 = arith.constant 0 : i32
      %cond3A_151 = arith.cmpi ne, %convert_element_type3A_149, %cond3A_150 : i32
      scf.if %cond3A_151 {
        %add3A_221 = arith.constant 3 : i32
        %add3A_222 = arith.addi %add3A_139, %add3A_221 : i32
        %dma_start3A_223 = arith.constant 0 : i32
        %dma_start3A_224 = tpu.memref_slice %arg6[%add3A_222, %dma_start3A_223] : memref<160x128xi32, #tpu.memory_space<vmem>> -> memref<1x128xi32, #tpu.memory_space<vmem>>
        %dma_start3A_225 = tpu.memref_squeeze %dma_start3A_224 : memref<1x128xi32, #tpu.memory_space<vmem>> -> memref<128xi32, #tpu.memory_space<vmem>>
        %dma_start3A_226 = arith.constant 0 : i32
        %dma_start3A_227 = arith.constant 0 : i32
        %dma_start3A_228 = tpu.memref_slice %arg2[%dma_start3A_226, %dma_start3A_227] : memref<20480x64xf32, #tpu.memory_space<hbm>> -> memref<20480x64xf32, #tpu.memory_space<hbm>>
        tpu.enqueue_indirect_dma source(%dma_start3A_228 : memref<20480x64xf32, #tpu.memory_space<hbm>>) target(%arg8 : memref<128x64xf32, #tpu.memory_space<vmem>>) offsets(%dma_start3A_225 : memref<128xi32, #tpu.memory_space<vmem>>) semaphore(%arg16 : memref<!tpu.dma_semaphore, #tpu.memory_space<semaphore_mem>>)
      } else {
      }
      %dma_wait3A_152 = arith.constant 0 : i32
      %dma_wait3A_153 = tpu.memref_slice %arg6[%add3A_139, %dma_wait3A_152] : memref<160x128xi32, #tpu.memory_space<vmem>> -> memref<1x128xi32, #tpu.memory_space<vmem>>
      %dma_wait3A_154 = tpu.memref_squeeze %dma_wait3A_153 : memref<1x128xi32, #tpu.memory_space<vmem>> -> memref<128xi32, #tpu.memory_space<vmem>>
      %dma_wait3A_155 = arith.constant 0 : i32
      %dma_wait3A_156 = arith.constant 0 : i32
      %dma_wait3A_157 = tpu.memref_slice %arg2[%dma_wait3A_155, %dma_wait3A_156] : memref<20480x64xf32, #tpu.memory_space<hbm>> -> memref<20480x64xf32, #tpu.memory_space<hbm>>
      tpu.wait_indirect_dma semaphore(%arg18 : memref<!tpu.dma_semaphore, #tpu.memory_space<semaphore_mem>>) src(%dma_wait3A_157 : memref<20480x64xf32, #tpu.memory_space<hbm>>) dst(%arg10 : memref<128x64xf32, #tpu.memory_space<vmem>>)
      %dma_start3A_158 = arith.constant 0 : i32
      %dma_start3A_159 = tpu.memref_slice %arg7[%add3A_139, %dma_start3A_158] : memref<160x128xi32, #tpu.memory_space<vmem>> -> memref<1x128xi32, #tpu.memory_space<vmem>>
      %dma_start3A_160 = tpu.memref_squeeze %dma_start3A_159 : memref<1x128xi32, #tpu.memory_space<vmem>> -> memref<128xi32, #tpu.memory_space<vmem>>
      %dma_start3A_161 = arith.constant 0 : i32
      %dma_start3A_162 = arith.constant 0 : i32
      %dma_start3A_163 = tpu.memref_slice %arg26[%dma_start3A_161, %dma_start3A_162] : memref<10240x64xf32, #tpu.memory_space<vmem_shared>> -> memref<10240x64xf32, #tpu.memory_space<vmem_shared>>
      tpu.enqueue_indirect_dma source(%arg10 : memref<128x64xf32, #tpu.memory_space<vmem>>) target(%dma_start3A_163 : memref<10240x64xf32, #tpu.memory_space<vmem_shared>>) offsets(%dma_start3A_160 : memref<128xi32, #tpu.memory_space<vmem>>) semaphore(%arg23 : memref<!tpu.dma_semaphore, #tpu.memory_space<semaphore_mem>>) {add = true}
      %mul3A_164 = arith.constant 5 : i32
      %mul3A_165 = arith.muli %mul3A_164, %scan3A_82 : i32
      %add3A_166 = arith.constant 3 : i32
      %add3A_167 = arith.addi %mul3A_165, %add3A_166 : i32
      %ge3A_168 = arith.constant 2 : i32
      %ge3A_169 = arith.cmpi sge, %add3A_167, %ge3A_168 : i32
      %convert_element_type3A_170 = arith.extui %ge3A_169 : i1 to i32
      %cond3A_171 = arith.constant 0 : i32
      %cond3A_172 = arith.cmpi ne, %convert_element_type3A_170, %cond3A_171 : i32
      scf.if %cond3A_172 {
        %sub3A = arith.constant 2 : i32
        %sub3A_221 = arith.subi %add3A_167, %sub3A : i32
        %dma_wait3A_222 = arith.constant 0 : i32
        %dma_wait3A_223 = tpu.memref_slice %arg7[%sub3A_221, %dma_wait3A_222] : memref<160x128xi32, #tpu.memory_space<vmem>> -> memref<1x128xi32, #tpu.memory_space<vmem>>
        %dma_wait3A_224 = tpu.memref_squeeze %dma_wait3A_223 : memref<1x128xi32, #tpu.memory_space<vmem>> -> memref<128xi32, #tpu.memory_space<vmem>>
        %dma_wait3A_225 = arith.constant 0 : i32
        %dma_wait3A_226 = arith.constant 0 : i32
        %dma_wait3A_227 = tpu.memref_slice %arg26[%dma_wait3A_225, %dma_wait3A_226] : memref<10240x64xf32, #tpu.memory_space<vmem_shared>> -> memref<10240x64xf32, #tpu.memory_space<vmem_shared>>
        tpu.wait_indirect_dma semaphore(%arg22 : memref<!tpu.dma_semaphore, #tpu.memory_space<semaphore_mem>>) src(%arg9 : memref<128x64xf32, #tpu.memory_space<vmem>>) dst(%dma_wait3A_227 : memref<10240x64xf32, #tpu.memory_space<vmem_shared>>)
      } else {
      }
      %add3A_173 = arith.constant 3 : i32
      %add3A_174 = arith.addi %add3A_167, %add3A_173 : i32
      %lt3A_175 = arith.constant 160 : i32
      %lt3A_176 = arith.cmpi slt, %add3A_174, %lt3A_175 : i32
      %convert_element_type3A_177 = arith.extui %lt3A_176 : i1 to i32
      %cond3A_178 = arith.constant 0 : i32
      %cond3A_179 = arith.cmpi ne, %convert_element_type3A_177, %cond3A_178 : i32
      scf.if %cond3A_179 {
        %add3A_221 = arith.constant 3 : i32
        %add3A_222 = arith.addi %add3A_167, %add3A_221 : i32
        %dma_start3A_223 = arith.constant 0 : i32
        %dma_start3A_224 = tpu.memref_slice %arg6[%add3A_222, %dma_start3A_223] : memref<160x128xi32, #tpu.memory_space<vmem>> -> memref<1x128xi32, #tpu.memory_space<vmem>>
        %dma_start3A_225 = tpu.memref_squeeze %dma_start3A_224 : memref<1x128xi32, #tpu.memory_space<vmem>> -> memref<128xi32, #tpu.memory_space<vmem>>
        %dma_start3A_226 = arith.constant 0 : i32
        %dma_start3A_227 = arith.constant 0 : i32
        %dma_start3A_228 = tpu.memref_slice %arg2[%dma_start3A_226, %dma_start3A_227] : memref<20480x64xf32, #tpu.memory_space<hbm>> -> memref<20480x64xf32, #tpu.memory_space<hbm>>
        tpu.enqueue_indirect_dma source(%dma_start3A_228 : memref<20480x64xf32, #tpu.memory_space<hbm>>) target(%arg9 : memref<128x64xf32, #tpu.memory_space<vmem>>) offsets(%dma_start3A_225 : memref<128xi32, #tpu.memory_space<vmem>>) semaphore(%arg17 : memref<!tpu.dma_semaphore, #tpu.memory_space<semaphore_mem>>)
      } else {
      }
      %dma_wait3A_180 = arith.constant 0 : i32
      %dma_wait3A_181 = tpu.memref_slice %arg6[%add3A_167, %dma_wait3A_180] : memref<160x128xi32, #tpu.memory_space<vmem>> -> memref<1x128xi32, #tpu.memory_space<vmem>>
      %dma_wait3A_182 = tpu.memref_squeeze %dma_wait3A_181 : memref<1x128xi32, #tpu.memory_space<vmem>> -> memref<128xi32, #tpu.memory_space<vmem>>
      %dma_wait3A_183 = arith.constant 0 : i32
      %dma_wait3A_184 = arith.constant 0 : i32
      %dma_wait3A_185 = tpu.memref_slice %arg2[%dma_wait3A_183, %dma_wait3A_184] : memref<20480x64xf32, #tpu.memory_space<hbm>> -> memref<20480x64xf32, #tpu.memory_space<hbm>>
      tpu.wait_indirect_dma semaphore(%arg19 : memref<!tpu.dma_semaphore, #tpu.memory_space<semaphore_mem>>) src(%dma_wait3A_185 : memref<20480x64xf32, #tpu.memory_space<hbm>>) dst(%arg11 : memref<128x64xf32, #tpu.memory_space<vmem>>)
      %dma_start3A_186 = arith.constant 0 : i32
      %dma_start3A_187 = tpu.memref_slice %arg7[%add3A_167, %dma_start3A_186] : memref<160x128xi32, #tpu.memory_space<vmem>> -> memref<1x128xi32, #tpu.memory_space<vmem>>
      %dma_start3A_188 = tpu.memref_squeeze %dma_start3A_187 : memref<1x128xi32, #tpu.memory_space<vmem>> -> memref<128xi32, #tpu.memory_space<vmem>>
      %dma_start3A_189 = arith.constant 0 : i32
      %dma_start3A_190 = arith.constant 0 : i32
      %dma_start3A_191 = tpu.memref_slice %arg26[%dma_start3A_189, %dma_start3A_190] : memref<10240x64xf32, #tpu.memory_space<vmem_shared>> -> memref<10240x64xf32, #tpu.memory_space<vmem_shared>>
      tpu.enqueue_indirect_dma source(%arg11 : memref<128x64xf32, #tpu.memory_space<vmem>>) target(%dma_start3A_191 : memref<10240x64xf32, #tpu.memory_space<vmem_shared>>) offsets(%dma_start3A_188 : memref<128xi32, #tpu.memory_space<vmem>>) semaphore(%arg24 : memref<!tpu.dma_semaphore, #tpu.memory_space<semaphore_mem>>) {add = true}
      %mul3A_192 = arith.constant 5 : i32
      %mul3A_193 = arith.muli %mul3A_192, %scan3A_82 : i32
      %add3A_194 = arith.constant 4 : i32
      %add3A_195 = arith.addi %mul3A_193, %add3A_194 : i32
      %ge3A_196 = arith.constant 2 : i32
      %ge3A_197 = arith.cmpi sge, %add3A_195, %ge3A_196 : i32
      %convert_element_type3A_198 = arith.extui %ge3A_197 : i1 to i32
      %cond3A_199 = arith.constant 0 : i32
      %cond3A_200 = arith.cmpi ne, %convert_element_type3A_198, %cond3A_199 : i32
      scf.if %cond3A_200 {
        %sub3A = arith.constant 2 : i32
        %sub3A_221 = arith.subi %add3A_195, %sub3A : i32
        %dma_wait3A_222 = arith.constant 0 : i32
        %dma_wait3A_223 = tpu.memref_slice %arg7[%sub3A_221, %dma_wait3A_222] : memref<160x128xi32, #tpu.memory_space<vmem>> -> memref<1x128xi32, #tpu.memory_space<vmem>>
        %dma_wait3A_224 = tpu.memref_squeeze %dma_wait3A_223 : memref<1x128xi32, #tpu.memory_space<vmem>> -> memref<128xi32, #tpu.memory_space<vmem>>
        %dma_wait3A_225 = arith.constant 0 : i32
        %dma_wait3A_226 = arith.constant 0 : i32
        %dma_wait3A_227 = tpu.memref_slice %arg26[%dma_wait3A_225, %dma_wait3A_226] : memref<10240x64xf32, #tpu.memory_space<vmem_shared>> -> memref<10240x64xf32, #tpu.memory_space<vmem_shared>>
        tpu.wait_indirect_dma semaphore(%arg23 : memref<!tpu.dma_semaphore, #tpu.memory_space<semaphore_mem>>) src(%arg10 : memref<128x64xf32, #tpu.memory_space<vmem>>) dst(%dma_wait3A_227 : memref<10240x64xf32, #tpu.memory_space<vmem_shared>>)
      } else {
      }
      %add3A_201 = arith.constant 3 : i32
      %add3A_202 = arith.addi %add3A_195, %add3A_201 : i32
      %lt3A_203 = arith.constant 160 : i32
      %lt3A_204 = arith.cmpi slt, %add3A_202, %lt3A_203 : i32
      %convert_element_type3A_205 = arith.extui %lt3A_204 : i1 to i32
      %cond3A_206 = arith.constant 0 : i32
      %cond3A_207 = arith.cmpi ne, %convert_element_type3A_205, %cond3A_206 : i32
      scf.if %cond3A_207 {
        %add3A_221 = arith.constant 3 : i32
        %add3A_222 = arith.addi %add3A_195, %add3A_221 : i32
        %dma_start3A_223 = arith.constant 0 : i32
        %dma_start3A_224 = tpu.memref_slice %arg6[%add3A_222, %dma_start3A_223] : memref<160x128xi32, #tpu.memory_space<vmem>> -> memref<1x128xi32, #tpu.memory_space<vmem>>
        %dma_start3A_225 = tpu.memref_squeeze %dma_start3A_224 : memref<1x128xi32, #tpu.memory_space<vmem>> -> memref<128xi32, #tpu.memory_space<vmem>>
        %dma_start3A_226 = arith.constant 0 : i32
        %dma_start3A_227 = arith.constant 0 : i32
        %dma_start3A_228 = tpu.memref_slice %arg2[%dma_start3A_226, %dma_start3A_227] : memref<20480x64xf32, #tpu.memory_space<hbm>> -> memref<20480x64xf32, #tpu.memory_space<hbm>>
        tpu.enqueue_indirect_dma source(%dma_start3A_228 : memref<20480x64xf32, #tpu.memory_space<hbm>>) target(%arg10 : memref<128x64xf32, #tpu.memory_space<vmem>>) offsets(%dma_start3A_225 : memref<128xi32, #tpu.memory_space<vmem>>) semaphore(%arg18 : memref<!tpu.dma_semaphore, #tpu.memory_space<semaphore_mem>>)
      } else {
      }
      %dma_wait3A_208 = arith.constant 0 : i32
      %dma_wait3A_209 = tpu.memref_slice %arg6[%add3A_195, %dma_wait3A_208] : memref<160x128xi32, #tpu.memory_space<vmem>> -> memref<1x128xi32, #tpu.memory_space<vmem>>
      %dma_wait3A_210 = tpu.memref_squeeze %dma_wait3A_209 : memref<1x128xi32, #tpu.memory_space<vmem>> -> memref<128xi32, #tpu.memory_space<vmem>>
      %dma_wait3A_211 = arith.constant 0 : i32
      %dma_wait3A_212 = arith.constant 0 : i32
      %dma_wait3A_213 = tpu.memref_slice %arg2[%dma_wait3A_211, %dma_wait3A_212] : memref<20480x64xf32, #tpu.memory_space<hbm>> -> memref<20480x64xf32, #tpu.memory_space<hbm>>
      tpu.wait_indirect_dma semaphore(%arg20 : memref<!tpu.dma_semaphore, #tpu.memory_space<semaphore_mem>>) src(%dma_wait3A_213 : memref<20480x64xf32, #tpu.memory_space<hbm>>) dst(%arg12 : memref<128x64xf32, #tpu.memory_space<vmem>>)
      %dma_start3A_214 = arith.constant 0 : i32
      %dma_start3A_215 = tpu.memref_slice %arg7[%add3A_195, %dma_start3A_214] : memref<160x128xi32, #tpu.memory_space<vmem>> -> memref<1x128xi32, #tpu.memory_space<vmem>>
      %dma_start3A_216 = tpu.memref_squeeze %dma_start3A_215 : memref<1x128xi32, #tpu.memory_space<vmem>> -> memref<128xi32, #tpu.memory_space<vmem>>
      %dma_start3A_217 = arith.constant 0 : i32
      %dma_start3A_218 = arith.constant 0 : i32
      %dma_start3A_219 = tpu.memref_slice %arg26[%dma_start3A_217, %dma_start3A_218] : memref<10240x64xf32, #tpu.memory_space<vmem_shared>> -> memref<10240x64xf32, #tpu.memory_space<vmem_shared>>
      tpu.enqueue_indirect_dma source(%arg12 : memref<128x64xf32, #tpu.memory_space<vmem>>) target(%dma_start3A_219 : memref<10240x64xf32, #tpu.memory_space<vmem_shared>>) offsets(%dma_start3A_216 : memref<128xi32, #tpu.memory_space<vmem>>) semaphore(%arg25 : memref<!tpu.dma_semaphore, #tpu.memory_space<semaphore_mem>>) {add = true}
      %scan3A_220 = arith.constant 0 : i32
      scf.yield %scan3A_220 : i32
    }
    %scan3A_59 = arith.constant 32 : i32
    %dma_wait3A_60 = arith.constant 158 : i32
    %dma_wait3A_61 = arith.constant 0 : i32
    %dma_wait3A_62 = tpu.memref_slice %arg7[%dma_wait3A_60, %dma_wait3A_61] : memref<160x128xi32, #tpu.memory_space<vmem>> -> memref<1x128xi32, #tpu.memory_space<vmem>>
    %dma_wait3A_63 = tpu.memref_squeeze %dma_wait3A_62 : memref<1x128xi32, #tpu.memory_space<vmem>> -> memref<128xi32, #tpu.memory_space<vmem>>
    %dma_wait3A_64 = arith.constant 0 : i32
    %dma_wait3A_65 = arith.constant 0 : i32
    %dma_wait3A_66 = tpu.memref_slice %arg26[%dma_wait3A_64, %dma_wait3A_65] : memref<10240x64xf32, #tpu.memory_space<vmem_shared>> -> memref<10240x64xf32, #tpu.memory_space<vmem_shared>>
    tpu.wait_indirect_dma semaphore(%arg24 : memref<!tpu.dma_semaphore, #tpu.memory_space<semaphore_mem>>) src(%arg11 : memref<128x64xf32, #tpu.memory_space<vmem>>) dst(%dma_wait3A_66 : memref<10240x64xf32, #tpu.memory_space<vmem_shared>>)
    %dma_wait3A_67 = arith.constant 159 : i32
    %dma_wait3A_68 = arith.constant 0 : i32
    %dma_wait3A_69 = tpu.memref_slice %arg7[%dma_wait3A_67, %dma_wait3A_68] : memref<160x128xi32, #tpu.memory_space<vmem>> -> memref<1x128xi32, #tpu.memory_space<vmem>>
    %dma_wait3A_70 = tpu.memref_squeeze %dma_wait3A_69 : memref<1x128xi32, #tpu.memory_space<vmem>> -> memref<128xi32, #tpu.memory_space<vmem>>
    %dma_wait3A_71 = arith.constant 0 : i32
    %dma_wait3A_72 = arith.constant 0 : i32
    %dma_wait3A_73 = tpu.memref_slice %arg26[%dma_wait3A_71, %dma_wait3A_72] : memref<10240x64xf32, #tpu.memory_space<vmem_shared>> -> memref<10240x64xf32, #tpu.memory_space<vmem_shared>>
    tpu.wait_indirect_dma semaphore(%arg25 : memref<!tpu.dma_semaphore, #tpu.memory_space<semaphore_mem>>) src(%arg12 : memref<128x64xf32, #tpu.memory_space<vmem>>) dst(%dma_wait3A_73 : memref<10240x64xf32, #tpu.memory_space<vmem_shared>>)
    %barrier3A_74 = arith.constant 0 : index
    tpu.barrier barrier_id(%barrier3A_74)
    %scan3A_75 = arith.constant 0 : i32
    %scan3A_76 = arith.constant 0 : i32
    %scan3A_77 = arith.constant 5 : i32
    %scan3A_78 = arith.addi %scan3A_76, %scan3A_77 : i32
    %scan3A_79 = arith.constant 1 : i32
    %scan3A_80 = scf.for %scan3A_82 = %scan3A_76 to %scan3A_78 step %scan3A_79 iter_args(%scan3A_83 = %scan3A_75) -> (i32)  : i32 {
      %mul3A_84 = arith.constant 640 : i32
      %mul3A_85 = arith.muli %arg1, %mul3A_84 : i32
      %mul3A_86 = arith.constant 128 : i32
      %mul3A_87 = arith.muli %scan3A_82, %mul3A_86 : i32
      %add3A_88 = arith.addi %mul3A_85, %mul3A_87 : i32
      %mul3A_89 = arith.constant 10240 : i32
      %mul3A_90 = arith.muli %arg0, %mul3A_89 : i32
      %mul3A_91 = arith.constant 640 : i32
      %mul3A_92 = arith.muli %arg1, %mul3A_91 : i32
      %add3A_93 = arith.addi %mul3A_90, %mul3A_92 : i32
      %mul3A_94 = arith.constant 128 : i32
      %mul3A_95 = arith.muli %scan3A_82, %mul3A_94 : i32
      %add3A_96 = arith.addi %add3A_93, %mul3A_95 : i32
      "tpu.region"() ({
        %run_scoped3A = tpu.sem_alloc : memref<!tpu.dma_semaphore, #tpu.memory_space<semaphore_mem>>
        %dma_start3A_98 = arith.constant 0 : i32
        %dma_start3A_99 = tpu.memref_slice %arg5[%add3A_96, %dma_start3A_98] : memref<20480x64xf32, #tpu.memory_space<hbm>> -> memref<128x64xf32, #tpu.memory_space<hbm>>
        %dma_start3A_100 = arith.constant 0 : i32
        %dma_start3A_101 = tpu.memref_slice %arg26[%add3A_88, %dma_start3A_100] : memref<10240x64xf32, #tpu.memory_space<vmem_shared>> -> memref<128x64xf32, #tpu.memory_space<vmem_shared>>
        tpu.enqueue_dma source(%dma_start3A_101 : memref<128x64xf32, #tpu.memory_space<vmem_shared>>) target(%dma_start3A_99 : memref<128x64xf32, #tpu.memory_space<hbm>>) target_semaphore(%run_scoped3A : memref<!tpu.dma_semaphore, #tpu.memory_space<semaphore_mem>>)
        %dma_wait3A_102 = arith.constant 0 : i32
        %dma_wait3A_103 = tpu.memref_slice %arg5[%add3A_96, %dma_wait3A_102] : memref<20480x64xf32, #tpu.memory_space<hbm>> -> memref<128x64xf32, #tpu.memory_space<hbm>>
        %dma_wait3A_104 = arith.constant 0 : i32
        %dma_wait3A_105 = tpu.memref_slice %arg26[%add3A_88, %dma_wait3A_104] : memref<10240x64xf32, #tpu.memory_space<vmem_shared>> -> memref<128x64xf32, #tpu.memory_space<vmem_shared>>
        tpu.wait_dma2 semaphore(%run_scoped3A : memref<!tpu.dma_semaphore, #tpu.memory_space<semaphore_mem>>) src(%dma_wait3A_105 : memref<128x64xf32, #tpu.memory_space<vmem_shared>>) dst(%dma_wait3A_103 : memref<128x64xf32, #tpu.memory_space<hbm>>)
        tpu.yield
      }) : () -> ()
      %scan3A_97 = arith.constant 0 : i32
      scf.yield %scan3A_97 : i32
    }
    %scan3A_81 = arith.constant 5 : i32
    return
  }
}

module attributes {stable_mosaic.version = 14 : i64} {
  func.func @_tc1_body(%arg0: i32, %arg1: memref<2048x128xf32, #tpu.memory_space<vmem>>, %arg2: memref<128x128xf32, #tpu.memory_space<vmem>>, %arg3: memref<2x10240xf32, #tpu.memory_space<vmem>>, %arg4: memref<2x2048x64xf32, #tpu.memory_space<vmem>>) attributes {dimension_semantics = [#tpu.dimension_semantics<arbitrary>], iteration_bounds = array<i64: 5>, scalar_prefetch = 0 : i64, scratch_operands = 0 : i64, tpu.core_type = #tpu.core_type<tc>, window_params = [{transform_indices = @transform_0, window_bounds = array<i64: 2048, 128>}, {pipeline_mode = #tpu.pipeline_mode<synchronous>, transform_indices = @transform_1, window_bounds = array<i64: 128, 128>}, {pipeline_mode = #tpu.pipeline_mode<synchronous>, transform_indices = @transform_2, window_bounds = array<i64: 2, 10240>}, {transform_indices = @transform_3, window_bounds = array<i64: 2, 2048, 64>}]} {
    %mul3A = arith.constant 2048 : i32
    %mul3A_0 = arith.muli %arg0, %mul3A : i32
    %get3A = arith.constant 0 : index
    %get3A_1 = arith.index_cast %mul3A_0 : i32 to index
    %get3A_2 = vector.load %arg3[%get3A, %get3A_1] : memref<2x10240xf32, #tpu.memory_space<vmem>>, vector<1x2048xf32>
    %get3A_3 = vector.shape_cast %get3A_2 : vector<1x2048xf32> to vector<2048xf32>
    %mul3A_4 = arith.constant 2048 : i32
    %mul3A_5 = arith.muli %arg0, %mul3A_4 : i32
    %get3A_6 = arith.constant 1 : index
    %get3A_7 = arith.index_cast %mul3A_5 : i32 to index
    %get3A_8 = vector.load %arg3[%get3A_6, %get3A_7] : memref<2x10240xf32, #tpu.memory_space<vmem>>, vector<1x2048xf32>
    %get3A_9 = vector.shape_cast %get3A_8 : vector<1x2048xf32> to vector<2048xf32>
    %add3A = arith.addf %get3A_3, %get3A_9 : vector<2048xf32>
    %add3A_10 = arith.constant 1.000000e+00 : f32
    %add3A_11 = vector.broadcast %add3A_10 : f32 to vector<2048xf32>
    %add3A_12 = arith.addf %add3A, %add3A_11 : vector<2048xf32>
    %rsqrt3A = math.rsqrt %add3A_12 : vector<2048xf32>
    %broadcast_in_dim3A = vector.shape_cast %rsqrt3A : vector<2048xf32> to vector<2048x1xf32>
    %get3A_13 = arith.constant 0 : index
    %get3A_14 = arith.constant 0 : index
    %get3A_15 = vector.load %arg1[%get3A_13, %get3A_14] : memref<2048x128xf32, #tpu.memory_space<vmem>>, vector<2048x128xf32>
    %get3A_16 = arith.constant 0 : index
    %get3A_17 = arith.constant 0 : index
    %get3A_18 = vector.load %arg2[%get3A_16, %get3A_17] : memref<128x128xf32, #tpu.memory_space<vmem>>, vector<128x128xf32>
    %dot_general3A = arith.constant dense<0.000000e+00> : vector<2048x128xf32>
    %dot_general3A_19 = tpu.matmul %get3A_15, %get3A_18, %dot_general3A {dimension_numbers = #tpu.dot_dimension_numbers<[1], [0], [0], [1], [0, 0, 1, 1], [], []>, transpose_lhs_hint = false} : vector<2048x128xf32>, vector<128x128xf32>, vector<2048x128xf32> -> vector<2048x128xf32>
    %mul3A_20 = vector.broadcast %broadcast_in_dim3A : vector<2048x1xf32> to vector<2048x128xf32>
    %mul3A_21 = arith.mulf %dot_general3A_19, %mul3A_20 : vector<2048x128xf32>
    %slice3A = vector.extract_strided_slice %mul3A_21 {offsets = [0, 0], sizes = [2048, 64], strides = [1, 1]} : vector<2048x128xf32> to vector<2048x64xf32>
    %swap3A = arith.constant 0 : index
    %swap3A_22 = arith.constant 0 : index
    %swap3A_23 = arith.constant 0 : index
    %swap3A_24 = vector.load %arg4[%swap3A, %swap3A_22, %swap3A_23] : memref<2x2048x64xf32, #tpu.memory_space<vmem>>, vector<1x2048x64xf32>
    %swap3A_25 = vector.shape_cast %swap3A_24 : vector<1x2048x64xf32> to vector<2048x64xf32>
    %swap3A_26 = vector.shape_cast %slice3A : vector<2048x64xf32> to vector<1x2048x64xf32>
    tpu.vector_store %arg4[%swap3A, %swap3A_22, %swap3A_23], %swap3A_26 {strides = array<i32>} : memref<2x2048x64xf32, #tpu.memory_space<vmem>>, vector<1x2048x64xf32>,
    %slice3A_27 = vector.extract_strided_slice %mul3A_21 {offsets = [0, 64], sizes = [2048, 64], strides = [1, 1]} : vector<2048x128xf32> to vector<2048x64xf32>
    %swap3A_28 = arith.constant 1 : index
    %swap3A_29 = arith.constant 0 : index
    %swap3A_30 = arith.constant 0 : index
    %swap3A_31 = vector.load %arg4[%swap3A_28, %swap3A_29, %swap3A_30] : memref<2x2048x64xf32, #tpu.memory_space<vmem>>, vector<1x2048x64xf32>
    %swap3A_32 = vector.shape_cast %swap3A_31 : vector<1x2048x64xf32> to vector<2048x64xf32>
    %swap3A_33 = vector.shape_cast %slice3A_27 : vector<2048x64xf32> to vector<1x2048x64xf32>
    tpu.vector_store %arg4[%swap3A_28, %swap3A_29, %swap3A_30], %swap3A_33 {strides = array<i32>} : memref<2x2048x64xf32, #tpu.memory_space<vmem>>, vector<1x2048x64xf32>,
    return
  }
  func.func @transform_0(%arg0: i32) -> (i32, i32) {
    %c0_i32 = arith.constant 0 : i32
    %c0_i32_0 = arith.constant 0 : i32
    return %arg0, %c0_i32 : i32, i32
  }
  func.func @transform_1(%arg0: i32) -> (i32, i32) {
    %c0_i32 = arith.constant 0 : i32
    %c0_i32_0 = arith.constant 0 : i32
    %c0_i32_1 = arith.constant 0 : i32
    return %c0_i32, %c0_i32_0 : i32, i32
  }
  func.func @transform_2(%arg0: i32) -> (i32, i32) {
    %c0_i32 = arith.constant 0 : i32
    %c0_i32_0 = arith.constant 0 : i32
    %c0_i32_1 = arith.constant 0 : i32
    return %c0_i32, %c0_i32_0 : i32, i32
  }
  func.func @transform_3(%arg0: i32) -> (i32, i32, i32) {
    %c0_i32 = arith.constant 0 : i32
    %c0_i32_0 = arith.constant 0 : i32
    %c0_i32_1 = arith.constant 0 : i32
    return %c0_i32, %arg0, %c0_i32_0 : i32, i32, i32
  }
}

module attributes {stable_mosaic.version = 14 : i64} {
  func.func @_tc_mid_body(%arg0: i32, %arg1: memref<2x2048x64xf32, #tpu.memory_space<vmem>>, %arg2: memref<2x2048x64xf32, #tpu.memory_space<vmem>>, %arg3: memref<2x10240xf32, #tpu.memory_space<vmem>>, %arg4: memref<128x128xf32, #tpu.memory_space<vmem>>, %arg5: memref<1x128xf32, #tpu.memory_space<vmem>>, %arg6: memref<2x2048x64xf32, #tpu.memory_space<vmem>>) attributes {dimension_semantics = [#tpu.dimension_semantics<arbitrary>], iteration_bounds = array<i64: 5>, scalar_prefetch = 0 : i64, scratch_operands = 0 : i64, tpu.core_type = #tpu.core_type<tc>, window_params = [{transform_indices = @transform_0, window_bounds = array<i64: 2, 2048, 64>}, {transform_indices = @transform_1, window_bounds = array<i64: 2, 2048, 64>}, {pipeline_mode = #tpu.pipeline_mode<synchronous>, transform_indices = @transform_2, window_bounds = array<i64: 2, 10240>}, {pipeline_mode = #tpu.pipeline_mode<synchronous>, transform_indices = @transform_3, window_bounds = array<i64: 128, 128>}, {pipeline_mode = #tpu.pipeline_mode<synchronous>, transform_indices = @transform_4, window_bounds = array<i64: 1, 128>}, {transform_indices = @transform_5, window_bounds = array<i64: 2, 2048, 64>}]} {
    %mul3A = arith.constant 2048 : i32
    %mul3A_0 = arith.muli %arg0, %mul3A : i32
    %get3A = arith.constant 0 : index
    %get3A_1 = arith.index_cast %mul3A_0 : i32 to index
    %get3A_2 = vector.load %arg3[%get3A, %get3A_1] : memref<2x10240xf32, #tpu.memory_space<vmem>>, vector<1x2048xf32>
    %get3A_3 = vector.shape_cast %get3A_2 : vector<1x2048xf32> to vector<2048xf32>
    %mul3A_4 = arith.constant 2048 : i32
    %mul3A_5 = arith.muli %arg0, %mul3A_4 : i32
    %get3A_6 = arith.constant 1 : index
    %get3A_7 = arith.index_cast %mul3A_5 : i32 to index
    %get3A_8 = vector.load %arg3[%get3A_6, %get3A_7] : memref<2x10240xf32, #tpu.memory_space<vmem>>, vector<1x2048xf32>
    %get3A_9 = vector.shape_cast %get3A_8 : vector<1x2048xf32> to vector<2048xf32>
    %add3A = arith.addf %get3A_3, %get3A_9 : vector<2048xf32>
    %add3A_10 = arith.constant 1.000000e+00 : f32
    %add3A_11 = vector.broadcast %add3A_10 : f32 to vector<2048xf32>
    %add3A_12 = arith.addf %add3A, %add3A_11 : vector<2048xf32>
    %rsqrt3A = math.rsqrt %add3A_12 : vector<2048xf32>
    %broadcast_in_dim3A = vector.shape_cast %rsqrt3A : vector<2048xf32> to vector<2048x1xf32>
    %get3A_13 = arith.constant 0 : index
    %get3A_14 = arith.constant 0 : index
    %get3A_15 = arith.constant 0 : index
    %get3A_16 = vector.load %arg1[%get3A_13, %get3A_14, %get3A_15] : memref<2x2048x64xf32, #tpu.memory_space<vmem>>, vector<1x2048x64xf32>
    %get3A_17 = vector.shape_cast %get3A_16 : vector<1x2048x64xf32> to vector<2048x64xf32>
    %get3A_18 = arith.constant 1 : index
    %get3A_19 = arith.constant 0 : index
    %get3A_20 = arith.constant 0 : index
    %get3A_21 = vector.load %arg1[%get3A_18, %get3A_19, %get3A_20] : memref<2x2048x64xf32, #tpu.memory_space<vmem>>, vector<1x2048x64xf32>
    %get3A_22 = vector.shape_cast %get3A_21 : vector<1x2048x64xf32> to vector<2048x64xf32>
    %concatenate3A = tpu.concatenate %get3A_17, %get3A_22 in 1 : vector<2048x64xf32>, vector<2048x64xf32> -> vector<2048x128xf32>
    %get3A_23 = arith.constant 0 : index
    %get3A_24 = arith.constant 0 : index
    %get3A_25 = arith.constant 0 : index
    %get3A_26 = vector.load %arg2[%get3A_23, %get3A_24, %get3A_25] : memref<2x2048x64xf32, #tpu.memory_space<vmem>>, vector<1x2048x64xf32>
    %get3A_27 = vector.shape_cast %get3A_26 : vector<1x2048x64xf32> to vector<2048x64xf32>
    %get3A_28 = arith.constant 1 : index
    %get3A_29 = arith.constant 0 : index
    %get3A_30 = arith.constant 0 : index
    %get3A_31 = vector.load %arg2[%get3A_28, %get3A_29, %get3A_30] : memref<2x2048x64xf32, #tpu.memory_space<vmem>>, vector<1x2048x64xf32>
    %get3A_32 = vector.shape_cast %get3A_31 : vector<1x2048x64xf32> to vector<2048x64xf32>
    %concatenate3A_33 = tpu.concatenate %get3A_27, %get3A_32 in 1 : vector<2048x64xf32>, vector<2048x64xf32> -> vector<2048x128xf32>
    %add3A_34 = arith.addf %concatenate3A, %concatenate3A_33 : vector<2048x128xf32>
    %mul3A_35 = vector.broadcast %broadcast_in_dim3A : vector<2048x1xf32> to vector<2048x128xf32>
    %mul3A_36 = arith.mulf %add3A_34, %mul3A_35 : vector<2048x128xf32>
    %get3A_37 = arith.constant 0 : index
    %get3A_38 = arith.constant 0 : index
    %get3A_39 = vector.load %arg5[%get3A_37, %get3A_38] : memref<1x128xf32, #tpu.memory_space<vmem>>, vector<1x128xf32>
    %add3A_40 = vector.broadcast %get3A_39 : vector<1x128xf32> to vector<2048x128xf32>
    %add3A_41 = arith.addf %mul3A_36, %add3A_40 : vector<2048x128xf32>
    %max3A = arith.constant 0.000000e+00 : f32
    %max3A_42 = vector.broadcast %max3A : f32 to vector<2048x128xf32>
    %max3A_43 = arith.maximumf %add3A_41, %max3A_42 : vector<2048x128xf32>
    %get3A_44 = arith.constant 0 : index
    %get3A_45 = arith.constant 0 : index
    %get3A_46 = vector.load %arg4[%get3A_44, %get3A_45] : memref<128x128xf32, #tpu.memory_space<vmem>>, vector<128x128xf32>
    %dot_general3A = arith.constant dense<0.000000e+00> : vector<2048x128xf32>
    %dot_general3A_47 = tpu.matmul %max3A_43, %get3A_46, %dot_general3A {dimension_numbers = #tpu.dot_dimension_numbers<[1], [0], [0], [1], [0, 0, 1, 1], [], []>, transpose_lhs_hint = false} : vector<2048x128xf32>, vector<128x128xf32>, vector<2048x128xf32> -> vector<2048x128xf32>
    %mul3A_48 = vector.broadcast %broadcast_in_dim3A : vector<2048x1xf32> to vector<2048x128xf32>
    %mul3A_49 = arith.mulf %dot_general3A_47, %mul3A_48 : vector<2048x128xf32>
    %slice3A = vector.extract_strided_slice %mul3A_49 {offsets = [0, 0], sizes = [2048, 64], strides = [1, 1]} : vector<2048x128xf32> to vector<2048x64xf32>
    %swap3A = arith.constant 0 : index
    %swap3A_50 = arith.constant 0 : index
    %swap3A_51 = arith.constant 0 : index
    %swap3A_52 = vector.load %arg6[%swap3A, %swap3A_50, %swap3A_51] : memref<2x2048x64xf32, #tpu.memory_space<vmem>>, vector<1x2048x64xf32>
    %swap3A_53 = vector.shape_cast %swap3A_52 : vector<1x2048x64xf32> to vector<2048x64xf32>
    %swap3A_54 = vector.shape_cast %slice3A : vector<2048x64xf32> to vector<1x2048x64xf32>
    tpu.vector_store %arg6[%swap3A, %swap3A_50, %swap3A_51], %swap3A_54 {strides = array<i32>} : memref<2x2048x64xf32, #tpu.memory_space<vmem>>, vector<1x2048x64xf32>,
    %slice3A_55 = vector.extract_strided_slice %mul3A_49 {offsets = [0, 64], sizes = [2048, 64], strides = [1, 1]} : vector<2048x128xf32> to vector<2048x64xf32>
    %swap3A_56 = arith.constant 1 : index
    %swap3A_57 = arith.constant 0 : index
    %swap3A_58 = arith.constant 0 : index
    %swap3A_59 = vector.load %arg6[%swap3A_56, %swap3A_57, %swap3A_58] : memref<2x2048x64xf32, #tpu.memory_space<vmem>>, vector<1x2048x64xf32>
    %swap3A_60 = vector.shape_cast %swap3A_59 : vector<1x2048x64xf32> to vector<2048x64xf32>
    %swap3A_61 = vector.shape_cast %slice3A_55 : vector<2048x64xf32> to vector<1x2048x64xf32>
    tpu.vector_store %arg6[%swap3A_56, %swap3A_57, %swap3A_58], %swap3A_61 {strides = array<i32>} : memref<2x2048x64xf32, #tpu.memory_space<vmem>>, vector<1x2048x64xf32>,
    return
  }
  func.func @transform_0(%arg0: i32) -> (i32, i32, i32) {
    %c0_i32 = arith.constant 0 : i32
    %c0_i32_0 = arith.constant 0 : i32
    %c0_i32_1 = arith.constant 0 : i32
    return %c0_i32, %arg0, %c0_i32_0 : i32, i32, i32
  }
  func.func @transform_1(%arg0: i32) -> (i32, i32, i32) {
    %c0_i32 = arith.constant 0 : i32
    %c0_i32_0 = arith.constant 0 : i32
    %c0_i32_1 = arith.constant 0 : i32
    return %c0_i32, %arg0, %c0_i32_0 : i32, i32, i32
  }
  func.func @transform_2(%arg0: i32) -> (i32, i32) {
    %c0_i32 = arith.constant 0 : i32
    %c0_i32_0 = arith.constant 0 : i32
    %c0_i32_1 = arith.constant 0 : i32
    return %c0_i32, %c0_i32_0 : i32, i32
  }
  func.func @transform_3(%arg0: i32) -> (i32, i32) {
    %c0_i32 = arith.constant 0 : i32
    %c0_i32_0 = arith.constant 0 : i32
    %c0_i32_1 = arith.constant 0 : i32
    return %c0_i32, %c0_i32_0 : i32, i32
  }
  func.func @transform_4(%arg0: i32) -> (i32, i32) {
    %c0_i32 = arith.constant 0 : i32
    %c0_i32_0 = arith.constant 0 : i32
    %c0_i32_1 = arith.constant 0 : i32
    return %c0_i32, %c0_i32_0 : i32, i32
  }
  func.func @transform_5(%arg0: i32) -> (i32, i32, i32) {
    %c0_i32 = arith.constant 0 : i32
    %c0_i32_0 = arith.constant 0 : i32
    %c0_i32_1 = arith.constant 0 : i32
    return %c0_i32, %arg0, %c0_i32_0 : i32, i32, i32
  }
}

module attributes {stable_mosaic.version = 14 : i64} {
  func.func @_tc_final_body(%arg0: i32, %arg1: memref<2x2048x64xf32, #tpu.memory_space<vmem>>, %arg2: memref<2x2048x64xf32, #tpu.memory_space<vmem>>, %arg3: memref<2x10240xf32, #tpu.memory_space<vmem>>, %arg4: memref<1x128xf32, #tpu.memory_space<vmem>>, %arg5: memref<2048x1xi32, #tpu.memory_space<vmem>>, %arg6: memref<64x128xf32, #tpu.memory_space<vmem>>) attributes {dimension_semantics = [#tpu.dimension_semantics<arbitrary>], iteration_bounds = array<i64: 5>, scalar_prefetch = 0 : i64, scratch_operands = 0 : i64, tpu.core_type = #tpu.core_type<tc>, window_params = [{transform_indices = @transform_0, window_bounds = array<i64: 2, 2048, 64>}, {transform_indices = @transform_1, window_bounds = array<i64: 2, 2048, 64>}, {pipeline_mode = #tpu.pipeline_mode<synchronous>, transform_indices = @transform_2, window_bounds = array<i64: 2, 10240>}, {pipeline_mode = #tpu.pipeline_mode<synchronous>, transform_indices = @transform_3, window_bounds = array<i64: 1, 128>}, {transform_indices = @transform_4, window_bounds = array<i64: 2048, 1>}, {pipeline_mode = #tpu.pipeline_mode<synchronous>, transform_indices = @transform_5, window_bounds = array<i64: 64, 128>}]} {
    %mul3A = arith.constant 2048 : i32
    %mul3A_0 = arith.muli %arg0, %mul3A : i32
    %get3A = arith.constant 0 : index
    %get3A_1 = arith.index_cast %mul3A_0 : i32 to index
    %get3A_2 = vector.load %arg3[%get3A, %get3A_1] : memref<2x10240xf32, #tpu.memory_space<vmem>>, vector<1x2048xf32>
    %get3A_3 = vector.shape_cast %get3A_2 : vector<1x2048xf32> to vector<2048xf32>
    %mul3A_4 = arith.constant 2048 : i32
    %mul3A_5 = arith.muli %arg0, %mul3A_4 : i32
    %get3A_6 = arith.constant 1 : index
    %get3A_7 = arith.index_cast %mul3A_5 : i32 to index
    %get3A_8 = vector.load %arg3[%get3A_6, %get3A_7] : memref<2x10240xf32, #tpu.memory_space<vmem>>, vector<1x2048xf32>
    %get3A_9 = vector.shape_cast %get3A_8 : vector<1x2048xf32> to vector<2048xf32>
    %add3A = arith.addf %get3A_3, %get3A_9 : vector<2048xf32>
    %add3A_10 = arith.constant 1.000000e+00 : f32
    %add3A_11 = vector.broadcast %add3A_10 : f32 to vector<2048xf32>
    %add3A_12 = arith.addf %add3A, %add3A_11 : vector<2048xf32>
    %rsqrt3A = math.rsqrt %add3A_12 : vector<2048xf32>
    %broadcast_in_dim3A = vector.shape_cast %rsqrt3A : vector<2048xf32> to vector<2048x1xf32>
    %get3A_13 = arith.constant 0 : index
    %get3A_14 = arith.constant 0 : index
    %get3A_15 = arith.constant 0 : index
    %get3A_16 = vector.load %arg1[%get3A_13, %get3A_14, %get3A_15] : memref<2x2048x64xf32, #tpu.memory_space<vmem>>, vector<1x2048x64xf32>
    %get3A_17 = vector.shape_cast %get3A_16 : vector<1x2048x64xf32> to vector<2048x64xf32>
    %get3A_18 = arith.constant 1 : index
    %get3A_19 = arith.constant 0 : index
    %get3A_20 = arith.constant 0 : index
    %get3A_21 = vector.load %arg1[%get3A_18, %get3A_19, %get3A_20] : memref<2x2048x64xf32, #tpu.memory_space<vmem>>, vector<1x2048x64xf32>
    %get3A_22 = vector.shape_cast %get3A_21 : vector<1x2048x64xf32> to vector<2048x64xf32>
    %concatenate3A = tpu.concatenate %get3A_17, %get3A_22 in 1 : vector<2048x64xf32>, vector<2048x64xf32> -> vector<2048x128xf32>
    %get3A_23 = arith.constant 0 : index
    %get3A_24 = arith.constant 0 : index
    %get3A_25 = arith.constant 0 : index
    %get3A_26 = vector.load %arg2[%get3A_23, %get3A_24, %get3A_25] : memref<2x2048x64xf32, #tpu.memory_space<vmem>>, vector<1x2048x64xf32>
    %get3A_27 = vector.shape_cast %get3A_26 : vector<1x2048x64xf32> to vector<2048x64xf32>
    %get3A_28 = arith.constant 1 : index
    %get3A_29 = arith.constant 0 : index
    %get3A_30 = arith.constant 0 : index
    %get3A_31 = vector.load %arg2[%get3A_28, %get3A_29, %get3A_30] : memref<2x2048x64xf32, #tpu.memory_space<vmem>>, vector<1x2048x64xf32>
    %get3A_32 = vector.shape_cast %get3A_31 : vector<1x2048x64xf32> to vector<2048x64xf32>
    %concatenate3A_33 = tpu.concatenate %get3A_27, %get3A_32 in 1 : vector<2048x64xf32>, vector<2048x64xf32> -> vector<2048x128xf32>
    %add3A_34 = arith.addf %concatenate3A, %concatenate3A_33 : vector<2048x128xf32>
    %mul3A_35 = vector.broadcast %broadcast_in_dim3A : vector<2048x1xf32> to vector<2048x128xf32>
    %mul3A_36 = arith.mulf %add3A_34, %mul3A_35 : vector<2048x128xf32>
    %get3A_37 = arith.constant 0 : index
    %get3A_38 = arith.constant 0 : index
    %get3A_39 = vector.load %arg4[%get3A_37, %get3A_38] : memref<1x128xf32, #tpu.memory_space<vmem>>, vector<1x128xf32>
    %add3A_40 = vector.broadcast %get3A_39 : vector<1x128xf32> to vector<2048x128xf32>
    %add3A_41 = arith.addf %mul3A_36, %add3A_40 : vector<2048x128xf32>
    %get3A_42 = arith.constant 0 : index
    %get3A_43 = arith.constant 0 : index
    %get3A_44 = vector.load %arg5[%get3A_42, %get3A_43] : memref<2048x1xi32, #tpu.memory_space<vmem>>, vector<2048x1xi32>
    %iota3A = tpu.iota {dimensions = array<i32: 1>} : vector<1x64xi32>
    %eq3A = vector.broadcast %get3A_44 : vector<2048x1xi32> to vector<2048x64xi32>
    %eq3A_45 = vector.broadcast %iota3A : vector<1x64xi32> to vector<2048x64xi32>
    %eq3A_46 = arith.cmpi eq, %eq3A, %eq3A_45 : vector<2048x64xi32>
    %convert_element_type3A = arith.extui %eq3A_46 : vector<2048x64xi1> to vector<2048x64xi32>
    %convert_element_type3A_47 = arith.sitofp %convert_element_type3A : vector<2048x64xi32> to vector<2048x64xf32>
    %dot_general3A = arith.constant dense<0.000000e+00> : vector<64x128xf32>
    %dot_general3A_48 = tpu.matmul %convert_element_type3A_47, %add3A_41, %dot_general3A {dimension_numbers = #tpu.dot_dimension_numbers<[0], [0], [1], [1], [0, 1, 1, 1], [], []>, transpose_lhs_hint = false} : vector<2048x64xf32>, vector<2048x128xf32>, vector<64x128xf32> -> vector<64x128xf32>
    %eq3A_49 = arith.constant 0 : i32
    %eq3A_50 = arith.cmpi eq, %arg0, %eq3A_49 : i32
    %convert_element_type3A_51 = arith.extui %eq3A_50 : i1 to i32
    %cond3A = arith.constant 0 : i32
    %cond3A_52 = arith.cmpi ne, %convert_element_type3A_51, %cond3A : i32
    scf.if %cond3A_52 {
      %broadcast_in_dim3A_59 = arith.constant 0.000000e+00 : f32
      %broadcast_in_dim3A_60 = vector.broadcast %broadcast_in_dim3A_59 : f32 to vector<64x128xf32>
      %swap3A_61 = arith.constant 0 : index
      %swap3A_62 = arith.constant 0 : index
      %swap3A_63 = vector.load %arg6[%swap3A_61, %swap3A_62] : memref<64x128xf32, #tpu.memory_space<vmem>>, vector<64x128xf32>
      tpu.vector_store %arg6[%swap3A_61, %swap3A_62], %broadcast_in_dim3A_60 {strides = array<i32>} : memref<64x128xf32, #tpu.memory_space<vmem>>, vector<64x128xf32>,
    } else {
    }
    %get3A_53 = arith.constant 0 : index
    %get3A_54 = arith.constant 0 : index
    %get3A_55 = vector.load %arg6[%get3A_53, %get3A_54] : memref<64x128xf32, #tpu.memory_space<vmem>>, vector<64x128xf32>
    %add3A_56 = arith.addf %get3A_55, %dot_general3A_48 : vector<64x128xf32>
    %swap3A = arith.constant 0 : index
    %swap3A_57 = arith.constant 0 : index
    %swap3A_58 = vector.load %arg6[%swap3A, %swap3A_57] : memref<64x128xf32, #tpu.memory_space<vmem>>, vector<64x128xf32>
    tpu.vector_store %arg6[%swap3A, %swap3A_57], %add3A_56 {strides = array<i32>} : memref<64x128xf32, #tpu.memory_space<vmem>>, vector<64x128xf32>,
    return
  }
  func.func @transform_0(%arg0: i32) -> (i32, i32, i32) {
    %c0_i32 = arith.constant 0 : i32
    %c0_i32_0 = arith.constant 0 : i32
    %c0_i32_1 = arith.constant 0 : i32
    return %c0_i32, %arg0, %c0_i32_0 : i32, i32, i32
  }
  func.func @transform_1(%arg0: i32) -> (i32, i32, i32) {
    %c0_i32 = arith.constant 0 : i32
    %c0_i32_0 = arith.constant 0 : i32
    %c0_i32_1 = arith.constant 0 : i32
    return %c0_i32, %arg0, %c0_i32_0 : i32, i32, i32
  }
  func.func @transform_2(%arg0: i32) -> (i32, i32) {
    %c0_i32 = arith.constant 0 : i32
    %c0_i32_0 = arith.constant 0 : i32
    %c0_i32_1 = arith.constant 0 : i32
    return %c0_i32, %c0_i32_0 : i32, i32
  }
  func.func @transform_3(%arg0: i32) -> (i32, i32) {
    %c0_i32 = arith.constant 0 : i32
    %c0_i32_0 = arith.constant 0 : i32
    %c0_i32_1 = arith.constant 0 : i32
    return %c0_i32, %c0_i32_0 : i32, i32
  }
  func.func @transform_4(%arg0: i32) -> (i32, i32) {
    %c0_i32 = arith.constant 0 : i32
    %c0_i32_0 = arith.constant 0 : i32
    return %arg0, %c0_i32 : i32, i32
  }
  func.func @transform_5(%arg0: i32) -> (i32, i32) {
    %c0_i32 = arith.constant 0 : i32
    %c0_i32_0 = arith.constant 0 : i32
    %c0_i32_1 = arith.constant 0 : i32
    return %c0_i32, %c0_i32_0 : i32, i32
  }
}

</mosaic_0001>

<sc_bundles>
// kernel: kernel.10.cloned.1.call-start
scs
__scs_entry_jumppad:
0x0: {  	(pc) =	sbr.rel $0x88, $3  }
0x1: {  	(tag) =	ssettag $0x0;
	lr =	simm.s32 $0x1  }
0x2: {  	[smem:$0x3F98] =	sst lr;
	_ =	strace $0xD0000000  }
0x3: {  	_ = 	snop  }
0x4: {  	_ = 	snop  }
0x5: {  	_ = 	snop  }
0x6: {  	_ = 	snop  }
0x7: {  	_ = 	snop  }
__scs_overlays_trampoline_lowered:
0x8: {  	[smem:$0x3FA7] =	sst s0  }
0x9: {  	[smem:$0x3FA8] =	sst s1  }
0xa: {  	[smem:$0x3FA9] =	sst s2  }
0xb: {  	[smem:$0x3FAA] =	sst s3  }
0xc: {  	[smem:$0x3FAB] =	sst s4  }
0xd: {  	[smem:$0x3FAC] =	sst s5  }
0xe: {  	[smem:$0x3FAD] =	sst s6  }
0xf: {  	[smem:$0x3FAE] =	sst s7  }
0x10: {  	[smem:$0x3FAF] =	sst s8  }
0x11: {  	[smem:$0x3FB0] =	sst s9;
	s0 =	simm.s32 @!p0 $0x0  }
0x12: {  	s1 =	sld [smem:$0x3F96];
	s0 =	simm.s32 @p0 $0x1  }
0x13: {  	[smem:$0x3FB1] =	sst s0;
	s0 =	simm.s32 @!p1 $0x0  }
0x14: {  	s2 =	sld [smem:$0x3F95];
	s0 =	simm.s32 @p1 $0x1  }
0x15: {  	[smem:$0x3FB2] =	sst s0;
	s0 =	simm.s32 @!p2 $0x0  }
0x16: {  	s3 =	sld [smem:$0x3FDB];
	s0 =	simm.s32 @p2 $0x1  }
0x17: {  	s4 =	simm.s32 $0x1BF5;
	[smem:$0x3FB4] =	sst s0  }
0x18: {  	s0 =	sld [smem:$0x3F97];
	_ =	swait.ge [sflag:s4], $0x0  }
0x19: {  	s7 =	sld [smem:$0x3F98]  }
0x1a: {  	s8 =	sadd.s32 $0xFFFFE003, lr  }
0x1b: {  	s9 =	sadd.s32 $0xFFFFFEF7, lr;
	s5 =	simm.s32 $0xFFFFFFFF;
	p2 =	slt.u32 s8, $0xFFFFF086  }
0x1c: {  	p1 =	slt.u32 s9, $0xF7A;
	s5 =	simm.s32 @!p2 $0x0  }
0x1d: {  	s5 =	simm.s32 @p1 $0x1;
	p0 =	seq.s32 s7, s2  }
0x1e: {  	s7 =	smul.u32 @!p0 $0xF7A, s2;
	p2 =	seq.s32 @!p0 s5, $0x0  }
0x1f: {  	s9 =	smul.u32 $0xF7A, s1;
	s8 =	simm.s32 @!p0 $0x1BF5;
	p2 =	por !p2, p0  }
0x20: {  	[sflag:s8] =	ssyncset.s32 @!p0 $0xFFFFF086;
	s6 =	sadd.s32 @!p0 s3, s7;
	s7 =	simm.s32 @!p0 $0x108  }
0x21: {  	s3 =	sadd.s32 s3, s9;
	s6 =	sadd.s32 @!p0 $0x88, s6;
	s7 =	simm.s32 @p2 $0x1082  }
0x22: {  	[simem:s7], [sflag:s8] =	dma.local @!p0 [hbm:s6], $0xF7A  }
0x23: {  	s9 =	sor.u32 $0xD0000000, s2;
	s6 =	simm.s32 $0x108;
	_ =	swait.ge @!p0 [sflag:s8], $0x0  }
0x24: {  	s3 =	sadd.s32 $0x88, s3;
	s6 =	simm.s32 @!p1 $0x1082;
	[sflag:s4] =	ssyncset.s32 $0xFFFFF086  }
0x25: {  	[simem:s6], [sflag:s4] =	dma.local [hbm:s3], $0xF7A  }
0x26: {  	[smem:$0x3F98] =	sst s1;
	(tag) =	ssettag s2;
	_ =	strace s9  }
0x27: {  	s1 =	sld [smem:$0x3FA8]  }
0x28: {  	s2 =	sld [smem:$0x3FA9]  }
0x29: {  	s4 =	sld [smem:$0x3FAB]  }
0x2a: {  	p0 =	seq.s32 s5, $0x0;
	s5 =	sld [smem:$0x3FAC]  }
0x2b: {  	s6 =	sld [smem:$0x3FAD]  }
0x2c: {  	s7 =	sld [smem:$0x3FAE]  }
0x2d: {  	s3 =	simm.s32 $0x108;
	s8 =	sld [smem:$0x3FAF]  }
0x2e: {  	s3 =	simm.s32 @!p0 $0x1082;
	s9 =	sld [smem:$0x3FB0]  }
0x2f: {  	lr =	sadd.s32 s0, s3;
	s0 =	sld [smem:$0x3FA7]  }
0x30: {  	s3 =	sld [smem:$0x3FAA]  }
0x31: {  	[smem:$0x3FB3] =	sst s10  }
0x32: {  	s10 =	sld [smem:$0x3FB1];
	_ =	sdelay $0x3  }
0x33: {  	p0 =	seq.s32 s10, $0x1;
	s10 =	sld [smem:$0x3FB3];
	_ =	sdelay $0x3  }
0x34: {  	[smem:$0x3FB3] =	sst s10  }
0x35: {  	s10 =	sld [smem:$0x3FB2];
	_ =	sdelay $0x3  }
0x36: {  	p1 =	seq.s32 s10, $0x1;
	s10 =	sld [smem:$0x3FB3];
	_ =	sdelay $0x3  }
0x37: {  	[smem:$0x3FB3] =	sst s10  }
0x38: {  	s10 =	sld [smem:$0x3FB4]  }
0x39: {  	_ = 	snop;
	(pc) =	sbr.ind lr, $3  }
0x3a: {  	_ = 	snop  }
0x3b: {  	_ = 	snop  }
0x3c: {  	p2 =	seq.s32 s10, $0x1;
	s10 =	sld [smem:$0x3FB3]  }
0x3d: {  	_ =	shalt  }
0x3e: {  	_ =	shalt  }
0x3f: {  	_ =	shalt  }
0x40: {  	_ =	shalt  }
0x41: {  	_ =	shalt  }
0x42: {  	_ =	shalt  }
0x43: {  	_ =	shalt  }
0x44: {  	_ =	shalt  }
0x45: {  	_ =	shalt  }
0x46: {  	_ =	shalt  }
0x47: {  	_ =	shalt  }
0x48: {  	_ =	shalt  }
0x49: {  	_ =	shalt  }
0x4a: {  	_ =	shalt  }
0x4b: {  	_ =	shalt  }
0x4c: {  	_ =	shalt  }
0x4d: {  	_ =	shalt  }
0x4e: {  	_ =	shalt  }
0x4f: {  	_ =	shalt  }
0x50: {  	_ =	shalt  }
0x51: {  	_ =	shalt  }
0x52: {  	_ =	shalt  }
0x53: {  	_ =	shalt  }
0x54: {  	_ =	shalt  }
0x55: {  	_ =	shalt  }
0x56: {  	_ =	shalt  }
0x57: {  	_ =	shalt  }
0x58: {  	_ =	shalt  }
0x59: {  	_ =	shalt  }
0x5a: {  	_ =	shalt  }
0x5b: {  	_ =	shalt  }
0x5c: {  	_ =	shalt  }
0x5d: {  	_ =	shalt  }
0x5e: {  	_ =	shalt  }
0x5f: {  	_ =	shalt  }
0x60: {  	_ =	shalt  }
0x61: {  	_ =	shalt  }
0x62: {  	_ =	shalt  }
0x63: {  	_ =	shalt  }
0x64: {  	_ =	shalt  }
0x65: {  	_ =	shalt  }
0x66: {  	_ =	shalt  }
0x67: {  	_ =	shalt  }
0x68: {  	_ =	shalt  }
0x69: {  	_ =	shalt  }
0x6a: {  	_ =	shalt  }
0x6b: {  	_ =	shalt  }
0x6c: {  	_ =	shalt  }
0x6d: {  	_ =	shalt  }
0x6e: {  	_ =	shalt  }
0x6f: {  	_ =	shalt  }
0x70: {  	_ =	shalt  }
0x71: {  	_ =	shalt  }
0x72: {  	_ =	shalt  }
0x73: {  	_ =	shalt  }
0x74: {  	_ =	shalt  }
0x75: {  	_ =	shalt  }
0x76: {  	_ =	shalt  }
0x77: {  	_ =	shalt  }
0x78: {  	_ =	shalt  }
0x79: {  	_ =	shalt  }
0x7a: {  	_ =	shalt  }
0x7b: {  	_ =	shalt  }
0x7c: {  	_ =	shalt  }
0x7d: {  	_ =	shalt  }
0x7e: {  	_ =	shalt  }
0x7f: {  	_ =	shalt  }
0x80: {  	_ =	shalt  }
0x81: {  	_ =	shalt  }
0x82: {  	_ =	shalt  }
0x83: {  	_ =	shalt  }
0x84: {  	_ =	shalt  }
0x85: {  	_ =	shalt  }
0x86: {  	_ =	shalt  }
0x87: {  	_ =	shalt  }
.Lfunc_end0:
.L_simem_size_0:
called_computation_lowered:
.L_overlay_start_0:
0x88: {  	s2 =	sld [smem:$0x3FD9]  }
0x89: {  	s3 =	sld [smem:$0x3FFE];
	_ =	sdelay $0x1  }
0x8a: {  	s1 =	srdreg.scid  }
0x8b: {  	s0 =	sand.u32 $0x1, s1  }
0x8c: {  	s16 =	sshll.u32 s0, $0xA;
	s2 =	sadd.s32 s3, s2  }
0x8d: {  	s2 =	sadd.s32 s2, s16  }
0x8e: {  	[smem:$0x3FBF] =	sst s2  }
0x8f: {  	_ = 	snop  }
0x90: {  	(tm) =	ssettm $0x1  }
0x91: {  	s17 =	sld [smem:$0x3FFB];
	_ =	sdelay $0x3  }
0x92: {  	_ =	strace s17  }
0x93: {  	s2 =	sld [smem:$0x3FFC];
	_ =	sdelay $0x3  }
0x94: {  	_ =	strace s2  }
0x95: {  	s2 =	sld [smem:$0x3FFD];
	_ =	sdelay $0x3  }
0x96: {  	_ =	strace s2  }
0x97: {  	_ =	strace $0x8FFFFFFF  }
0x98: {  	s18 =	sld [smem:$0x3FDB];
	_ =	sdelay $0x1  }
0x99: {  	s19 =	simm.s32 $_scs_section_size  }
0x9a: {  	s4 =	simm.s32 $_size__tile_overlayer_lowered;
	s5 =	simm.s32 $_tile_overlayer_lowered  }
0x9b: {  	s22 =	simm.s32 $0x1BFF;
	s21 =	sshll.u32 s5, $0x1;
	s2 =	sadd.s32 s19, s18  }
0x9c: {  	s6 =	simm.s32 $0x0;
	s20 =	sshll.u32 s4, $0x1;
	s4 =	sadd.s32 s21, s2  }
0x9d: {  	[timem:s6], [sflag:s22] =	dma.local [hbm:s4], s20  }
0x9e: {  	_ =	swait.ge [sflag:s22], s20  }
0x9f: {  	s3 =	ssub.s32 $0x0, s20;
	[sflag:s22] =	ssyncset.done $0x0  }
0xa0: {  	[sflag:s22] =	ssyncadd.s32 s3;
	_ =	sdelay $0x1  }
0xa1: {  	s23 =	simm.s32 $0x1B8B  }
0xa2: {  	_ =	swait.ge [sflag:s23], $0x1  }
0xa3: {  	[sflag:s23] =	ssyncset.done $0x0  }
0xa4: {  	s25 =	simm.s32 $0x1B8E;
	s24 =	sld [smem:$0x3FFE];
	[sflag:s23] =	ssyncadd.s32 $0xFFFFFFFF  }
0xa5: {  	s26 =	simm.s32 $execute0_lowered;
	[smem:$0x3FD2] =	sst s25  }
0xa6: {  	s4 =	sshll.u32 s26, $0x1;
	_ =	strace $0x80000046;
	[dreg:$0x1] =	wrdreg $0xFFFFFFFF  }
0xa7: {  	s28 =	simm.s32 $_size_execute0_lowered;
	s2 =	sadd.s32 s2, s4;
	[dreg:$0x0] =	wrdreg $0x0  }
0xa8: {  	s4 =	sshll.u32 s28, $0x1;
	[dreg:$0x2] =	wrdreg s2  }
0xa9: {  	[dreg:$0x3] =	wrdreg s4  }
0xaa: {  	[dreg:$0x4] =	wrdreg $0xC0  }
0xab: {  	_ =	task [dreg:s6], $0x5FFFF  }
0xac: {  	[dreg:$0x1] =	wrdreg $0xFFFFFFFF  }
0xad: {  	[dreg:$0x0] =	wrdreg $0x60  }
0xae: {  	[dreg:$0x2] =	wrdreg s24  }
0xaf: {  	[dreg:$0x3] =	wrdreg $0x2B000  }
0xb0: {  	[dreg:$0x4] =	wrdreg $0x9  }
0xb1: {  	_ =	task.clear_ibuf [dreg:s6], $0x5FFFF;
	_ =	strace $0x90000046  }
0xb2: {  	s29 =	simm.s32 $0x9;
	_ =	strace $0x80000048  }
0xb3: {  	_ =	swait.ge [sflag:s29], $0x1  }
0xb4: {  	[sflag:s29] =	ssyncadd.s32 $0xFFFFFFFF  }
0xb5: {  	_ =	strace $0x90000048  }
0xb6: {  	_ =	sfence  }
0xb7: {  	s30 =	sld [smem:$0x0];
	_ =	sdelay $0x2  }
0xb8: {  	s31 =	sshll.u32 s1, $0xD;
	s1 =	sshrl.u32 s1, $0x2  }
0xb9: {  	s3 =	sand.u32 $0x4000, s31;
	s1 =	sadd.s32 s1, s30  }
0xba: {  	s0 =	sor.u32 s3, s0;
	s1 =	sshll.u32 s1, $0x11  }
0xbb: {  	s0 =	sor.u32 s1, s0  }
0xbc: {  	s0 =	sadd.s32 $0x8F2B, s0  }
0xbd: {  	[sflag:s0] =	ssyncadd.remote.s32 $0x1  }
0xbe: {  	_ =	sfence.sel $0xFFFF  }
0xbf: {  	[dreg:$0x0] =	wrdreg $0xFFFFFFFF;
	(pc) =	sbr.abs _section_cstart, $3  }
0xc0: {  	[dreg:$0x1] =	wrdreg $0xFFFFFFFF  }
0xc1: {  	_ =	task.clear_ibuf [dreg:s6], $0x2FFFF;
	_ =	strace $0x9FFFFFFF  }
0xc2: {  	(tm) =	ssettm $0x7FFFFFFF  }
0xc3: {  	_ =	shalt  }
tec
execute0_lowered:
.L_overlay_start_1:
0x0: {  	(tag) =	ssettag $0x1  }
0x1: {  	s4 =	rddreg [dreg:$0x0]  }
0x2: {  	s2 =	rddreg [dreg:$0x1];
	s3 =	srdreg.scid  }
0x3: {  	s1 =	stileid.u32;
	s0 =	rddreg [dreg:$0x2];
	s10 =	simm.s32 $0x80  }
0x4: {  	s11 =	simm.s32 $0x2800;
	s14 =	simm.s32 $0x0;
	s5 =	sand.u32 $0x1, s3  }
0x5: {  	s6 =	smul.u32 $0x280, s1;
	s3 =	simm.s32 $0x0;
	s12 =	sshll.u32 s1, $0x6  }
0x6: {  	s7 =	sshll.u32 s5, $0x4;
	s8 =	smul.u32 $0x2800, s5;
	[smem:$0x7FF] =	sst s3  }
0x7: {  	s5 =	ssub.s32 $0x2, s5;
	s12 =	sor.u32 $0x1C01, s12;
	s7 =	sor.u32 s1, s7  }
0x8: {  	s9 =	sshrl.u32 s5, $0x1;
	s7 =	smul.u32 $0x500, s7;
	s8 =	sadd.s32 s6, s8  }
0x9: {  	_ =	strace $0x80000047;
	s9 =	ssub.s32 s5, s9;
	s8 =	sshrl.u32 s8, $0x3  }
0xa: {  	s7 =	sadd.s32 s7, s4;
	s8 =	sadd.s32 s8, s4;
	s4 =	sadd.s32 s6, s2  }
0xb: {  	s5 =	sadd.s32 $0x2400, s7;
	s6 =	sadd.s32 $0xC400, s8;
	s7 =	smax.u32 s9, $0x1  }
0xc: {  	v0 =	vimm.f32 $0.0e+00;
	v1 =	vimm.f32 $1.000000000e+00;
	s8 =	simm.s32 $0x2880;
	s9 =	simm.s32 $0x1;
	s13 =	sshrl.u32 s4, $0x3  }
.LBB2_1:
0xd: {  	[tilespmem:$0x2880] =	vst v0  }
0xe: {  	[tilespmem:$0x2890] =	vst v0  }
0xf: {  	[tilespmem:$0x28A0] =	vst v0  }
0x10: {  	[tilespmem:$0x28B0] =	vst v0  }
0x11: {  	[tilespmem:$0x28C0] =	vst v0  }
0x12: {  	[tilespmem:$0x28D0] =	vst v0  }
0x13: {  	[tilespmem:$0x28E0] =	vst v0  }
0x14: {  	[tilespmem:$0x28F0] =	vst v0  }
0x15: {  	[tilespmem:$0x2900] =	vst v0  }
0x16: {  	[tilespmem:$0x2910] =	vst v0  }
0x17: {  	[tilespmem:$0x2920] =	vst v0  }
0x18: {  	[tilespmem:$0x2930] =	vst v0  }
0x19: {  	[tilespmem:$0x2940] =	vst v0  }
0x1a: {  	[tilespmem:$0x2950] =	vst v0  }
0x1b: {  	[tilespmem:$0x2960] =	vst v0  }
0x1c: {  	[tilespmem:$0x2970] =	vst v0  }
0x1d: {  	[tilespmem:$0x2980] =	vst v0  }
0x1e: {  	[tilespmem:$0x2990] =	vst v0  }
0x1f: {  	[tilespmem:$0x29A0] =	vst v0  }
0x20: {  	[tilespmem:$0x29B0] =	vst v0  }
0x21: {  	[tilespmem:$0x29C0] =	vst v0  }
0x22: {  	[tilespmem:$0x29D0] =	vst v0  }
0x23: {  	[tilespmem:$0x29E0] =	vst v0  }
0x24: {  	[tilespmem:$0x29F0] =	vst v0  }
0x25: {  	[tilespmem:$0x2A00] =	vst v0  }
0x26: {  	[tilespmem:$0x2A10] =	vst v0  }
0x27: {  	[tilespmem:$0x2A20] =	vst v0  }
0x28: {  	[tilespmem:$0x2A30] =	vst v0  }
0x29: {  	[tilespmem:$0x2A40] =	vst v0  }
0x2a: {  	[tilespmem:$0x2A50] =	vst v0  }
0x2b: {  	[tilespmem:$0x2A60] =	vst v0  }
0x2c: {  	[tilespmem:$0x2A70] =	vst v0  }
0x2d: {  	[tilespmem:$0x2A80] =	vst v0  }
0x2e: {  	[tilespmem:$0x2A90] =	vst v0  }
0x2f: {  	[tilespmem:$0x2AA0] =	vst v0  }
0x30: {  	[tilespmem:$0x2AB0] =	vst v0  }
0x31: {  	[tilespmem:$0x2AC0] =	vst v0  }
0x32: {  	[tilespmem:$0x2AD0] =	vst v0  }
0x33: {  	[tilespmem:$0x2AE0] =	vst v0  }
0x34: {  	[tilespmem:$0x2AF0] =	vst v0  }
0x35: {  	[tilespmem:$0x2800] =	vst v1  }
0x36: {  	[tilespmem:$0x2810] =	vst v1  }
0x37: {  	[tilespmem:$0x2820] =	vst v1  }
0x38: {  	[tilespmem:$0x2830] =	vst v1  }
0x39: {  	[tilespmem:$0x2840] =	vst v1  }
0x3a: {  	[tilespmem:$0x2850] =	vst v1  }
0x3b: {  	[tilespmem:$0x2860] =	vst v1  }
0x3c: {  	[tilespmem:$0x2870] =	vst v1  }
0x3d: {  	[spmem:s4] =	stream.linear.scatter [tilespmem:s8], [sflag:$0x1], $0x280, $0x38;
	[tilespmem:$0x2D80] =	vst v63  }
0x3e: {  	_ =	swait.ge [sflag:s9], $0x280  }
0x3f: {  	[sflag:s9] =	ssyncset.done $0x0  }
0x40: {  	[sflag:s9] =	ssyncadd.s32 $0xFFFFFD80  }
0x41: {  	[bflag:$0x0] =	sbarrier.arrive $0xFFFF  }
0x42: {  	[tilespmem:s3], [sflag:$0x1] =	stream.linear.gather [hbm4b:s5+s3], $0x2800, $0x38;
	[tilespmem:$0x2D80] =	vst v63  }
0x43: {  	_ =	swait.ge [sflag:s9], $0x2800  }
0x44: {  	[sflag:s9] =	ssyncset.done $0x0  }
0x45: {  	s15 =	simm.s32 $0x0;
	[sflag:s9] =	ssyncadd.s32 $0xFFFFD800  }
0x46: {  	[spmem:s2] =	stream.indirect.scatter.add.f32 [tilespmem:s11], [sflag:$0x1], $0x1, s15, s10, $0xb8;
	[tilespmem:$0x2D80] =	vst v63  }
0x47: {  	_ =	swait.ge [sflag:s9], $0x80  }
0x48: {  	s15 =	simm.s32 $0x200;
	[sflag:s9] =	ssyncset.done $0x0  }
.LBB2_2:
0x49: {  	s16 =	sshra.s32 s15, $0x2;
	[sflag:s9] =	ssyncadd.s32 $0xFFFFFF80;
	p0 =	sne.s32 s15, $0x9E00  }
0x4a: {  	[spmem:s2] =	stream.indirect.scatter.add.f32 [tilespmem:s11], [sflag:$0x1], $0x1, s16, s10, $0xb8;
	[tilespmem:$0x2D80] =	vst v63  }
.Ltmp0:
0x4b: {  	_ = 	snop;
	(pc) =	sbr.rel @p0 .LBB2_2-.Ltmp0, $4  }
0x4c: {  	_ = 	snop  }
0x4d: {  	s15 =	sadd.s32 $0x200, s15  }
0x4e: {  	_ =	swait.ge [sflag:s9], $0x80  }
0x4f: {  	[sflag:s9] =	ssyncset.done $0x0  }
0x50: {  	s14 =	sadd.s32 $0x1, s14  }
0x51: {  	[sflag:s9] =	ssyncadd.s32 $0xFFFFFF80;
	p0 =	sne.s32 s14, s7  }
.Ltmp1:
0x52: {  	[bflag:$0x0] =	sbarrier.arrive $0xFFFF;
	(pc) =	sbr.rel @p0 .LBB2_1-.Ltmp1, $4  }
0x53: {  	[hbm:s6], [sflag:s12] =	dma.local [spmem:s13], $0x50  }
0x54: {  	_ =	swait.ge [sflag:s9], $0x50  }
0x55: {  	[sflag:s9] =	ssyncset.done $0x0  }
0x56: {  	[sflag:s9] =	ssyncadd.s32 $0xFFFFFFB0  }
0x57: {  	_ =	sfence.sel $0x180000  }
0x58: {  	[bflag:$0x0] =	sbarrier.arrive $0xFFFF  }
0x59: {  	p0 =	sne.s32 s1, $0x0;
	_ =	strace $0x90000047  }
0x5a: {  	s0 =	sadd.s32 @!p0 $0x100000, s0;
	[bflag:$0x2] =	sbarrier.arrive $0xFFFF  }
0x5b: {  	[sflag:s0] =	ssyncadd.tile.s32 @!p0 $0x1;
	_ =	shalt  }
.Lfunc_end2:
_tile_overlayer_lowered:
.L_overlay_start_2:
0x5c: {  	(tag) =	ssettag $0x2  }
0x5d: {  	s0 =	rddreg [dreg:$0x0];
	s2 =	stileid.u32  }
0x5e: {  	s1 =	rddreg [dreg:$0x1];
	p0 =	sne.s32 s2, $0x0  }
0x5f: {  	s3 =	rddreg [dreg:$0x2];
	[bflag:$0x3] =	sbarrier.arrive $0xFFFF;
	s2 =	simm.s32 @!p0 $0x1C01  }
0x60: {  	[timem:s3], [sflag:s2] =	dma.local @!p0 [hbm:s0], s1  }
0x61: {  	s0 =	simm.s32 @!p0 $0x1  }
0x62: {  	_ =	swait.ge @!p0 [sflag:s0], s1  }
0x63: {  	s1 =	ssub.s32 @!p0 $0x0, s1;
	[sflag:s0] =	ssyncset.done @!p0 $0x0  }
0x64: {  	[sflag:s0] =	ssyncadd.s32 @!p0 s1  }
0x65: {  	[bflag:$0x3] =	sbarrier.arrive $0xFFFF  }
0x66: {  	_ =	shalt  }

// kernel: kernel.13.cloned.1.call-start
scs
__scs_entry_jumppad:
0x0: {  	(pc) =	sbr.rel $0x88, $3  }
0x1: {  	(tag) =	ssettag $0x0;
	lr =	simm.s32 $0x1  }
0x2: {  	[smem:$0x3F98] =	sst lr;
	_ =	strace $0xD0000000  }
0x3: {  	_ = 	snop  }
0x4: {  	_ = 	snop  }
0x5: {  	_ = 	snop  }
0x6: {  	_ = 	snop  }
0x7: {  	_ = 	snop  }
__scs_overlays_trampoline_lowered:
0x8: {  	[smem:$0x3FA7] =	sst s0  }
0x9: {  	[smem:$0x3FA8] =	sst s1  }
0xa: {  	[smem:$0x3FA9] =	sst s2  }
0xb: {  	[smem:$0x3FAA] =	sst s3  }
0xc: {  	[smem:$0x3FAB] =	sst s4  }
0xd: {  	[smem:$0x3FAC] =	sst s5  }
0xe: {  	[smem:$0x3FAD] =	sst s6  }
0xf: {  	[smem:$0x3FAE] =	sst s7  }
0x10: {  	[smem:$0x3FAF] =	sst s8  }
0x11: {  	[smem:$0x3FB0] =	sst s9;
	s0 =	simm.s32 @!p0 $0x0  }
0x12: {  	s1 =	sld [smem:$0x3F96];
	s0 =	simm.s32 @p0 $0x1  }
0x13: {  	[smem:$0x3FB1] =	sst s0;
	s0 =	simm.s32 @!p1 $0x0  }
0x14: {  	s2 =	sld [smem:$0x3F95];
	s0 =	simm.s32 @p1 $0x1  }
0x15: {  	[smem:$0x3FB2] =	sst s0;
	s0 =	simm.s32 @!p2 $0x0  }
0x16: {  	s3 =	sld [smem:$0x3FDB];
	s0 =	simm.s32 @p2 $0x1  }
0x17: {  	s4 =	simm.s32 $0x1BF5;
	[smem:$0x3FB4] =	sst s0  }
0x18: {  	s0 =	sld [smem:$0x3F97];
	_ =	swait.ge [sflag:s4], $0x0  }
0x19: {  	s7 =	sld [smem:$0x3F98]  }
0x1a: {  	s8 =	sadd.s32 $0xFFFFE003, lr  }
0x1b: {  	s9 =	sadd.s32 $0xFFFFFEF7, lr;
	s5 =	simm.s32 $0xFFFFFFFF;
	p2 =	slt.u32 s8, $0xFFFFF086  }
0x1c: {  	p1 =	slt.u32 s9, $0xF7A;
	s5 =	simm.s32 @!p2 $0x0  }
0x1d: {  	s5 =	simm.s32 @p1 $0x1;
	p0 =	seq.s32 s7, s2  }
0x1e: {  	s7 =	smul.u32 @!p0 $0xF7A, s2;
	p2 =	seq.s32 @!p0 s5, $0x0  }
0x1f: {  	s9 =	smul.u32 $0xF7A, s1;
	s8 =	simm.s32 @!p0 $0x1BF5;
	p2 =	por !p2, p0  }
0x20: {  	[sflag:s8] =	ssyncset.s32 @!p0 $0xFFFFF086;
	s6 =	sadd.s32 @!p0 s3, s7;
	s7 =	simm.s32 @!p0 $0x108  }
0x21: {  	s3 =	sadd.s32 s3, s9;
	s6 =	sadd.s32 @!p0 $0x88, s6;
	s7 =	simm.s32 @p2 $0x1082  }
0x22: {  	[simem:s7], [sflag:s8] =	dma.local @!p0 [hbm:s6], $0xF7A  }
0x23: {  	s9 =	sor.u32 $0xD0000000, s2;
	s6 =	simm.s32 $0x108;
	_ =	swait.ge @!p0 [sflag:s8], $0x0  }
0x24: {  	s3 =	sadd.s32 $0x88, s3;
	s6 =	simm.s32 @!p1 $0x1082;
	[sflag:s4] =	ssyncset.s32 $0xFFFFF086  }
0x25: {  	[simem:s6], [sflag:s4] =	dma.local [hbm:s3], $0xF7A  }
0x26: {  	[smem:$0x3F98] =	sst s1;
	(tag) =	ssettag s2;
	_ =	strace s9  }
0x27: {  	s1 =	sld [smem:$0x3FA8]  }
0x28: {  	s2 =	sld [smem:$0x3FA9]  }
0x29: {  	s4 =	sld [smem:$0x3FAB]  }
0x2a: {  	p0 =	seq.s32 s5, $0x0;
	s5 =	sld [smem:$0x3FAC]  }
0x2b: {  	s6 =	sld [smem:$0x3FAD]  }
0x2c: {  	s7 =	sld [smem:$0x3FAE]  }
0x2d: {  	s3 =	simm.s32 $0x108;
	s8 =	sld [smem:$0x3FAF]  }
0x2e: {  	s3 =	simm.s32 @!p0 $0x1082;
	s9 =	sld [smem:$0x3FB0]  }
0x2f: {  	lr =	sadd.s32 s0, s3;
	s0 =	sld [smem:$0x3FA7]  }
0x30: {  	s3 =	sld [smem:$0x3FAA]  }
0x31: {  	[smem:$0x3FB3] =	sst s10  }
0x32: {  	s10 =	sld [smem:$0x3FB1];
	_ =	sdelay $0x3  }
0x33: {  	p0 =	seq.s32 s10, $0x1;
	s10 =	sld [smem:$0x3FB3];
	_ =	sdelay $0x3  }
0x34: {  	[smem:$0x3FB3] =	sst s10  }
0x35: {  	s10 =	sld [smem:$0x3FB2];
	_ =	sdelay $0x3  }
0x36: {  	p1 =	seq.s32 s10, $0x1;
	s10 =	sld [smem:$0x3FB3];
	_ =	sdelay $0x3  }
0x37: {  	[smem:$0x3FB3] =	sst s10  }
0x38: {  	s10 =	sld [smem:$0x3FB4]  }
0x39: {  	_ = 	snop;
	(pc) =	sbr.ind lr, $3  }
0x3a: {  	_ = 	snop  }
0x3b: {  	_ = 	snop  }
0x3c: {  	p2 =	seq.s32 s10, $0x1;
	s10 =	sld [smem:$0x3FB3]  }
0x3d: {  	_ =	shalt  }
0x3e: {  	_ =	shalt  }
0x3f: {  	_ =	shalt  }
0x40: {  	_ =	shalt  }
0x41: {  	_ =	shalt  }
0x42: {  	_ =	shalt  }
0x43: {  	_ =	shalt  }
0x44: {  	_ =	shalt  }
0x45: {  	_ =	shalt  }
0x46: {  	_ =	shalt  }
0x47: {  	_ =	shalt  }
0x48: {  	_ =	shalt  }
0x49: {  	_ =	shalt  }
0x4a: {  	_ =	shalt  }
0x4b: {  	_ =	shalt  }
0x4c: {  	_ =	shalt  }
0x4d: {  	_ =	shalt  }
0x4e: {  	_ =	shalt  }
0x4f: {  	_ =	shalt  }
0x50: {  	_ =	shalt  }
0x51: {  	_ =	shalt  }
0x52: {  	_ =	shalt  }
0x53: {  	_ =	shalt  }
0x54: {  	_ =	shalt  }
0x55: {  	_ =	shalt  }
0x56: {  	_ =	shalt  }
0x57: {  	_ =	shalt  }
0x58: {  	_ =	shalt  }
0x59: {  	_ =	shalt  }
0x5a: {  	_ =	shalt  }
0x5b: {  	_ =	shalt  }
0x5c: {  	_ =	shalt  }
0x5d: {  	_ =	shalt  }
0x5e: {  	_ =	shalt  }
0x5f: {  	_ =	shalt  }
0x60: {  	_ =	shalt  }
0x61: {  	_ =	shalt  }
0x62: {  	_ =	shalt  }
0x63: {  	_ =	shalt  }
0x64: {  	_ =	shalt  }
0x65: {  	_ =	shalt  }
0x66: {  	_ =	shalt  }
0x67: {  	_ =	shalt  }
0x68: {  	_ =	shalt  }
0x69: {  	_ =	shalt  }
0x6a: {  	_ =	shalt  }
0x6b: {  	_ =	shalt  }
0x6c: {  	_ =	shalt  }
0x6d: {  	_ =	shalt  }
0x6e: {  	_ =	shalt  }
0x6f: {  	_ =	shalt  }
0x70: {  	_ =	shalt  }
0x71: {  	_ =	shalt  }
0x72: {  	_ =	shalt  }
0x73: {  	_ =	shalt  }
0x74: {  	_ =	shalt  }
0x75: {  	_ =	shalt  }
0x76: {  	_ =	shalt  }
0x77: {  	_ =	shalt  }
0x78: {  	_ =	shalt  }
0x79: {  	_ =	shalt  }
0x7a: {  	_ =	shalt  }
0x7b: {  	_ =	shalt  }
0x7c: {  	_ =	shalt  }
0x7d: {  	_ =	shalt  }
0x7e: {  	_ =	shalt  }
0x7f: {  	_ =	shalt  }
0x80: {  	_ =	shalt  }
0x81: {  	_ =	shalt  }
0x82: {  	_ =	shalt  }
0x83: {  	_ =	shalt  }
0x84: {  	_ =	shalt  }
0x85: {  	_ =	shalt  }
0x86: {  	_ =	shalt  }
0x87: {  	_ =	shalt  }
.Lfunc_end0:
.L_simem_size_0:
called_computation.1_lowered:
.L_overlay_start_0:
0x88: {  	s2 =	sld [smem:$0x3FD9]  }
0x89: {  	s3 =	sld [smem:$0x3FFE];
	_ =	sdelay $0x1  }
0x8a: {  	s1 =	srdreg.scid  }
0x8b: {  	s0 =	sand.u32 $0x1, s1  }
0x8c: {  	s16 =	sshll.u32 s0, $0xA;
	s2 =	sadd.s32 s3, s2  }
0x8d: {  	s2 =	sadd.s32 s2, s16  }
0x8e: {  	[smem:$0x3FBF] =	sst s2  }
0x8f: {  	_ = 	snop  }
0x90: {  	(tm) =	ssettm $0x1  }
0x91: {  	s17 =	sld [smem:$0x3FFB];
	_ =	sdelay $0x3  }
0x92: {  	_ =	strace s17  }
0x93: {  	s2 =	sld [smem:$0x3FFC];
	_ =	sdelay $0x3  }
0x94: {  	_ =	strace s2  }
0x95: {  	s2 =	sld [smem:$0x3FFD];
	_ =	sdelay $0x3  }
0x96: {  	_ =	strace s2  }
0x97: {  	_ =	strace $0x8FFFFFFF  }
0x98: {  	s18 =	sld [smem:$0x3FDB];
	_ =	sdelay $0x1  }
0x99: {  	s19 =	simm.s32 $_scs_section_size  }
0x9a: {  	s4 =	simm.s32 $_size__tile_overlayer_lowered;
	s5 =	simm.s32 $_tile_overlayer_lowered  }
0x9b: {  	s22 =	simm.s32 $0x1BFF;
	s21 =	sshll.u32 s5, $0x1;
	s2 =	sadd.s32 s19, s18  }
0x9c: {  	s6 =	simm.s32 $0x0;
	s20 =	sshll.u32 s4, $0x1;
	s4 =	sadd.s32 s21, s2  }
0x9d: {  	[timem:s6], [sflag:s22] =	dma.local [hbm:s4], s20  }
0x9e: {  	_ =	swait.ge [sflag:s22], s20  }
0x9f: {  	s3 =	ssub.s32 $0x0, s20;
	[sflag:s22] =	ssyncset.done $0x0  }
0xa0: {  	[sflag:s22] =	ssyncadd.s32 s3;
	_ =	sdelay $0x1  }
0xa1: {  	s23 =	simm.s32 $0x1B8B  }
0xa2: {  	_ =	swait.ge [sflag:s23], $0x1  }
0xa3: {  	[sflag:s23] =	ssyncset.done $0x0  }
0xa4: {  	s25 =	simm.s32 $0x1B8E;
	s24 =	sld [smem:$0x3FFE];
	[sflag:s23] =	ssyncadd.s32 $0xFFFFFFFF  }
0xa5: {  	s26 =	simm.s32 $execute0_lowered;
	[smem:$0x3FD2] =	sst s25  }
0xa6: {  	s4 =	sshll.u32 s26, $0x1;
	_ =	strace $0x80000049;
	[dreg:$0x1] =	wrdreg $0xFFFFFFFF  }
0xa7: {  	s28 =	simm.s32 $_size_execute0_lowered;
	s2 =	sadd.s32 s2, s4;
	[dreg:$0x0] =	wrdreg $0x0  }
0xa8: {  	s4 =	sshll.u32 s28, $0x1;
	[dreg:$0x2] =	wrdreg s2  }
0xa9: {  	[dreg:$0x3] =	wrdreg s4  }
0xaa: {  	[dreg:$0x4] =	wrdreg $0xC0  }
0xab: {  	_ =	task [dreg:s6], $0x5FFFF  }
0xac: {  	[dreg:$0x1] =	wrdreg $0xFFFFFFFF  }
0xad: {  	[dreg:$0x0] =	wrdreg $0x60  }
0xae: {  	[dreg:$0x2] =	wrdreg s24  }
0xaf: {  	[dreg:$0x3] =	wrdreg $0x150000  }
0xb0: {  	[dreg:$0x4] =	wrdreg $0x9  }
0xb1: {  	_ =	task.clear_ibuf [dreg:s6], $0x5FFFF;
	_ =	strace $0x90000049  }
0xb2: {  	s29 =	simm.s32 $0x9;
	_ =	strace $0x8000004B  }
0xb3: {  	_ =	swait.ge [sflag:s29], $0x1  }
0xb4: {  	[sflag:s29] =	ssyncadd.s32 $0xFFFFFFFF  }
0xb5: {  	_ =	strace $0x9000004B  }
0xb6: {  	_ =	sfence  }
0xb7: {  	s30 =	sld [smem:$0x0];
	_ =	sdelay $0x2  }
0xb8: {  	s31 =	sshll.u32 s1, $0xD;
	s1 =	sshrl.u32 s1, $0x2  }
0xb9: {  	s3 =	sand.u32 $0x4000, s31;
	s1 =	sadd.s32 s1, s30  }
0xba: {  	s0 =	sor.u32 s3, s0;
	s1 =	sshll.u32 s1, $0x11  }
0xbb: {  	s0 =	sor.u32 s1, s0  }
0xbc: {  	s0 =	sadd.s32 $0x8F2B, s0  }
0xbd: {  	[sflag:s0] =	ssyncadd.remote.s32 $0x1  }
0xbe: {  	_ =	sfence.sel $0xFFFF  }
0xbf: {  	[dreg:$0x0] =	wrdreg $0xFFFFFFFF;
	(pc) =	sbr.abs _section_cstart, $3  }
0xc0: {  	[dreg:$0x1] =	wrdreg $0xFFFFFFFF  }
0xc1: {  	_ =	task.clear_ibuf [dreg:s6], $0x2FFFF;
	_ =	strace $0x9FFFFFFF  }
0xc2: {  	(tm) =	ssettm $0x7FFFFFFF  }
0xc3: {  	_ =	shalt  }
tec
execute0_lowered:
.L_overlay_start_1:
0x0: {  	(tag) =	ssettag $0x1  }
0x1: {  	s0 =	srdreg.scid;
	s5 =	rddreg [dreg:$0x0]  }
0x2: {  	s9 =	stileid.u32;
	s2 =	rddreg [dreg:$0x1]  }
0x3: {  	s3 =	simm.s32 $0x0;
	s28 =	simm.s32 $0xA000;
	s29 =	simm.s32 $0xC000  }
0x4: {  	s31 =	simm.s32 $0xE000;
	s30 =	simm.s32 $0xD;
	s7 =	smul.u32 $0x280, s9  }
0x5: {  	s10 =	simm.s32 $0x5;
	s12 =	simm.s32 $0x9;
	s8 =	smul.u32 $0xA00, s9  }
0x6: {  	s0 =	sand.u32 $0x1, s0;
	[smem:$0x7FF] =	sst s3;
	s13 =	smul.u32 $0x28000, s9  }
0x7: {  	s4 =	sadd.s32 $0x7AE00, s5;
	s1 =	sshll.u32 s0, $0x4;
	s6 =	smul.u32 $0x2800, s0  }
0x8: {  	_ =	strace $0x8000004A;
	s0 =	ssub.s32 $0x2, s0;
	s1 =	sor.u32 s9, s1  }
0x9: {  	s8 =	sadd.s32 s8, s5;
	s14 =	sshrl.u32 s0, $0x1;
	s15 =	sshrl.u32 s13, $0x2  }
0xa: {  	s9 =	simm.s32 $0x8;
	s1 =	smul.u32 $0xA00, s1;
	s6 =	sadd.s32 s6, s7  }
0xb: {  	s0 =	ssub.s32 s0, s14;
	s16 =	sadd.s32 $0xCE00, s8;
	s7 =	sadd.s32 s15, s2  }
0xc: {  	s8 =	simm.s32 $0x4;
	s14 =	simm.s32 $0x6;
	s6 =	sshll.u32 s6, $0x3  }
0xd: {  	[dreg:$0x4] =	wrdreg s16;
	s0 =	smax.u32 s0, $0x1;
	s18 =	sadd.s32 $0x1000, s7  }
0xe: {  	s11 =	sadd.s32 $0x2000, s7;
	s19 =	sadd.s32 $0x3000, s7;
	[dreg:$0x6] =	wrdreg s0  }
0xf: {  	s13 =	sadd.s32 $0x4000, s7;
	s20 =	sadd.s32 $0x5000, s7;
	[dreg:$0x7] =	wrdreg s18  }
0x10: {  	s15 =	sadd.s32 $0x6000, s7;
	s21 =	sadd.s32 $0x7000, s7;
	[dreg:$0x8] =	wrdreg s19  }
0x11: {  	s22 =	sadd.s32 $0x9000, s7;
	s16 =	simm.s32 $0xA;
	[dreg:$0x9] =	wrdreg s20  }
0x12: {  	s1 =	sadd.s32 s1, s5;
	s5 =	sadd.s32 s6, s5;
	[dreg:$0xa] =	wrdreg s21  }
0x13: {  	[dreg:$0xb] =	wrdreg s22;
	s0 =	simm.s32 $0x10000;
	s1 =	sadd.s32 $0x16E00, s1  }
0x14: {  	s6 =	simm.s32 $0x12000;
	s17 =	sadd.s32 $0xA2E00, s5;
	[dreg:$0x3] =	wrdreg s1  }
0x15: {  	s18 =	simm.s32 $0xB;
	s23 =	sadd.s32 $0xA3200, s5;
	[dreg:$0x5] =	wrdreg s17  }
0x16: {  	s19 =	simm.s32 $0xC;
	s24 =	sadd.s32 $0xA3600, s5;
	[dreg:$0xc] =	wrdreg s23  }
0x17: {  	s20 =	simm.s32 $0x0;
	s25 =	sadd.s32 $0xA3A00, s5;
	[dreg:$0xd] =	wrdreg s24  }
0x18: {  	s26 =	sadd.s32 $0xA3E00, s5;
	s5 =	simm.s32 $0x3;
	[dreg:$0xe] =	wrdreg s25  }
0x19: {  	s17 =	sadd.s32 $0x8000, s7;
	[dreg:$0xf] =	wrdreg s26;
	s25 =	simm.s32 $0x5000  }
0x1a: {  	v0 =	vimm.f32 $0.0e+00;
	s26 =	simm.s32 $0x80;
	s1 =	simm.s32 $0x14000;
	s23 =	simm.s32 $0x7  }
.LBB2_1:
0x1b: {  	s21 =	rddreg [dreg:$0x3]  }
0x1c: {  	[tilespmem:s3], [sflag:$0x1] =	stream.linear.gather [hbm4b:s21+s3], $0x5000, $0x38;
	[tilespmem:$0x1F000] =	vst v63  }
0x1d: {  	s24 =	rddreg [dreg:$0x4]  }
0x1e: {  	[tilespmem:s25], [sflag:$0x2] =	stream.linear.gather [hbm4b:s24+s3], $0x5000, $0x38;
	[tilespmem:$0x1F000] =	vst v63  }
0x1f: {  	s25 =	sand.u32 $0x3F00, s3  }
0x20: {  	s22 =	sand.u32 $0x30, s3;
	s24 =	sshrl.u32 s25, $0x2  }
0x21: {  	s21 =	simm.s32 $0x40;
	s24 =	sor.u32 s22, s24;
	s22 =	simm.s32 $0x0  }
.LBB2_2:
0x22: {  	p0 =	sne.s32 s21, $0x3FC0  }
0x23: {  	[tilespmem:s24+$0x14000] =	vst v0;
	s22 =	sadd.s32 $0x10, s22;
	s24 =	smov.u32 s21;
	s21 =	sadd.s32 $0x40, s21  }
.Ltmp0:
0x24: {  	(pc) =	sbr.rel @p0 .LBB2_2-.Ltmp0, $4  }
0x25: {  	_ = 	snop  }
0x26: {  	s24 =	sand.u32 $0x3F00, s24  }
0x27: {  	s25 =	sand.u32 $0x30, s22;
	s24 =	sshrl.u32 s24, $0x2  }
0x28: {  	s24 =	sor.u32 s25, s24  }
0x29: {  	[tilespmem:s24+$0x14000] =	vst v0;
	s21 =	simm.s32 $0x1  }
0x2a: {  	_ =	swait.ge [sflag:s21], $0x5000  }
0x2b: {  	[sflag:s21] =	ssyncset.done $0x0  }
0x2c: {  	s24 =	simm.s32 $0x2;
	[sflag:s21] =	ssyncadd.s32 $0xFFFFB000  }
0x2d: {  	_ =	swait.ge [sflag:s24], $0x5000  }
0x2e: {  	[sflag:s24] =	ssyncset.done $0x0  }
0x2f: {  	s25 =	simm.s32 $0x0;
	[sflag:s24] =	ssyncadd.s32 $0xFFFFB000  }
0x30: {  	[tilespmem:s28], [sflag:$0x3] =	stream.indirect.gather [hbm4b:s4+s26], $0x40, s25, s26, $0xb8;
	[tilespmem:$0x1F000] =	vst v63  }
0x31: {  	_ = 	snop  }
0x32: {  	[tilespmem:s29], [sflag:$0x4] =	stream.indirect.gather [hbm4b:s4+s26], $0x40, s26, s26, $0xb8;
	[tilespmem:$0x1F000] =	vst v63  }
0x33: {  	s22 =	simm.s32 $0x100  }
0x34: {  	[tilespmem:s31], [sflag:$0x5] =	stream.indirect.gather [hbm4b:s4+s26], $0x40, s22, s26, $0xb8;
	[tilespmem:$0x1F000] =	vst v63  }
0x35: {  	_ = 	snop  }
0x36: {  	[spmem:s7] =	stream.linear.scatter [tilespmem:s1], [sflag:$0xD], $0x1000, $0x38;
	[tilespmem:$0x1F000] =	vst v63  }
0x37: {  	_ =	swait.ge [sflag:s30], $0x1000  }
0x38: {  	[sflag:s30] =	ssyncset.done $0x0  }
0x39: {  	s24 =	rddreg [dreg:$0x7];
	[sflag:s30] =	ssyncadd.s32 $0xFFFFF000  }
0x3a: {  	[spmem:s24] =	stream.linear.scatter [tilespmem:s1], [sflag:$0xD], $0x1000, $0x38;
	[tilespmem:$0x1F000] =	vst v63  }
0x3b: {  	_ =	swait.ge [sflag:s30], $0x1000  }
0x3c: {  	[sflag:s30] =	ssyncset.done $0x0  }
0x3d: {  	[sflag:s30] =	ssyncadd.s32 $0xFFFFF000  }
0x3e: {  	[spmem:s11] =	stream.linear.scatter [tilespmem:s1], [sflag:$0xD], $0x1000, $0x38;
	[tilespmem:$0x1F000] =	vst v63  }
0x3f: {  	_ =	swait.ge [sflag:s30], $0x1000  }
0x40: {  	[sflag:s30] =	ssyncset.done $0x0  }
0x41: {  	s25 =	rddreg [dreg:$0x8];
	[sflag:s30] =	ssyncadd.s32 $0xFFFFF000  }
0x42: {  	[spmem:s25] =	stream.linear.scatter [tilespmem:s1], [sflag:$0xD], $0x1000, $0x38;
	[tilespmem:$0x1F000] =	vst v63  }
0x43: {  	_ =	swait.ge [sflag:s30], $0x1000  }
0x44: {  	[sflag:s30] =	ssyncset.done $0x0  }
0x45: {  	[sflag:s30] =	ssyncadd.s32 $0xFFFFF000  }
0x46: {  	[spmem:s13] =	stream.linear.scatter [tilespmem:s1], [sflag:$0xD], $0x1000, $0x38;
	[tilespmem:$0x1F000] =	vst v63  }
0x47: {  	_ =	swait.ge [sflag:s30], $0x1000  }
0x48: {  	[sflag:s30] =	ssyncset.done $0x0  }
0x49: {  	s22 =	rddreg [dreg:$0x9];
	[sflag:s30] =	ssyncadd.s32 $0xFFFFF000  }
0x4a: {  	[spmem:s22] =	stream.linear.scatter [tilespmem:s1], [sflag:$0xD], $0x1000, $0x38;
	[tilespmem:$0x1F000] =	vst v63  }
0x4b: {  	_ =	swait.ge [sflag:s30], $0x1000  }
0x4c: {  	[sflag:s30] =	ssyncset.done $0x0  }
0x4d: {  	[sflag:s30] =	ssyncadd.s32 $0xFFFFF000  }
0x4e: {  	[spmem:s15] =	stream.linear.scatter [tilespmem:s1], [sflag:$0xD], $0x1000, $0x38;
	[tilespmem:$0x1F000] =	vst v63  }
0x4f: {  	_ =	swait.ge [sflag:s30], $0x1000  }
0x50: {  	[sflag:s30] =	ssyncset.done $0x0  }
0x51: {  	s24 =	rddreg [dreg:$0xa];
	[sflag:s30] =	ssyncadd.s32 $0xFFFFF000  }
0x52: {  	[spmem:s24] =	stream.linear.scatter [tilespmem:s1], [sflag:$0xD], $0x1000, $0x38;
	[tilespmem:$0x1F000] =	vst v63  }
0x53: {  	_ =	swait.ge [sflag:s30], $0x1000  }
0x54: {  	[sflag:s30] =	ssyncset.done $0x0  }
0x55: {  	[sflag:s30] =	ssyncadd.s32 $0xFFFFF000  }
0x56: {  	[spmem:s17] =	stream.linear.scatter [tilespmem:s1], [sflag:$0xD], $0x1000, $0x38;
	[tilespmem:$0x1F000] =	vst v63  }
0x57: {  	_ =	swait.ge [sflag:s30], $0x1000  }
0x58: {  	[sflag:s30] =	ssyncset.done $0x0  }
0x59: {  	s25 =	rddreg [dreg:$0xb];
	[sflag:s30] =	ssyncadd.s32 $0xFFFFF000  }
0x5a: {  	[spmem:s25] =	stream.linear.scatter [tilespmem:s1], [sflag:$0xD], $0x1000, $0x38;
	[tilespmem:$0x1F000] =	vst v63  }
0x5b: {  	_ =	swait.ge [sflag:s30], $0x1000  }
0x5c: {  	[sflag:s30] =	ssyncset.done $0x0  }
0x5d: {  	[sflag:s30] =	ssyncadd.s32 $0xFFFFF000  }
0x5e: {  	s22 =	simm.s32 $0x180;
	[bflag:$0x0] =	sbarrier.arrive $0xFFFF  }
0x5f: {  	[tilespmem:s0], [sflag:$0x6] =	stream.indirect.gather [hbm4b:s4+s26], $0x40, s22, s26, $0xb8;
	[tilespmem:$0x1F000] =	vst v63  }
0x60: {  	_ =	swait.ge [sflag:s5], $0x2000  }
0x61: {  	[sflag:s5] =	ssyncset.done $0x0  }
0x62: {  	s25 =	simm.s32 $0x5000;
	[sflag:s5] =	ssyncadd.s32 $0xFFFFE000  }
0x63: {  	[spmem:s2] =	stream.indirect.scatter.add.f32 [tilespmem:s28], [sflag:$0x8], $0x40, s25, s26, $0xb8;
	[tilespmem:$0x1F000] =	vst v63  }
0x64: {  	s24 =	simm.s32 $0x200  }
0x65: {  	[tilespmem:s6], [sflag:$0x7] =	stream.indirect.gather [hbm4b:s4+s26], $0x40, s24, s26, $0xb8;
	[tilespmem:$0x1F000] =	vst v63  }
0x66: {  	_ =	swait.ge [sflag:s8], $0x2000  }
0x67: {  	[sflag:s8] =	ssyncset.done $0x0  }
0x68: {  	s22 =	simm.s32 $0x5080;
	[sflag:s8] =	ssyncadd.s32 $0xFFFFE000  }
0x69: {  	[spmem:s2] =	stream.indirect.scatter.add.f32 [tilespmem:s29], [sflag:$0x9], $0x40, s22, s26, $0xb8;
	[tilespmem:$0x1F000] =	vst v63  }
0x6a: {  	_ =	swait.ge [sflag:s9], $0x2000  }
0x6b: {  	[sflag:s9] =	ssyncset.done $0x0  }
0x6c: {  	s24 =	simm.s32 $0x280;
	[sflag:s9] =	ssyncadd.s32 $0xFFFFE000  }
0x6d: {  	[tilespmem:s28], [sflag:$0x3] =	stream.indirect.gather [hbm4b:s4+s26], $0x40, s24, s26, $0xb8;
	[tilespmem:$0x1F000] =	vst v63  }
0x6e: {  	_ =	swait.ge [sflag:s10], $0x2000  }
0x6f: {  	[sflag:s10] =	ssyncset.done $0x0  }
0x70: {  	s22 =	simm.s32 $0x5100;
	[sflag:s10] =	ssyncadd.s32 $0xFFFFE000  }
0x71: {  	[spmem:s2] =	stream.indirect.scatter.add.f32 [tilespmem:s31], [sflag:$0xA], $0x40, s22, s26, $0xb8;
	[tilespmem:$0x1F000] =	vst v63  }
0x72: {  	_ =	swait.ge [sflag:s12], $0x2000  }
0x73: {  	[sflag:s12] =	ssyncset.done $0x0  }
0x74: {  	s24 =	simm.s32 $0x300;
	[sflag:s12] =	ssyncadd.s32 $0xFFFFE000  }
0x75: {  	[tilespmem:s29], [sflag:$0x4] =	stream.indirect.gather [hbm4b:s4+s26], $0x40, s24, s26, $0xb8;
	[tilespmem:$0x1F000] =	vst v63  }
0x76: {  	_ =	swait.ge [sflag:s14], $0x2000  }
0x77: {  	[sflag:s14] =	ssyncset.done $0x0  }
0x78: {  	s22 =	simm.s32 $0x5180;
	[sflag:s14] =	ssyncadd.s32 $0xFFFFE000  }
0x79: {  	[spmem:s2] =	stream.indirect.scatter.add.f32 [tilespmem:s0], [sflag:$0xB], $0x40, s22, s26, $0xb8;
	[tilespmem:$0x1F000] =	vst v63  }
0x7a: {  	_ =	swait.ge [sflag:s16], $0x2000  }
0x7b: {  	[sflag:s16] =	ssyncset.done $0x0  }
0x7c: {  	s24 =	simm.s32 $0x380;
	[sflag:s16] =	ssyncadd.s32 $0xFFFFE000  }
0x7d: {  	[tilespmem:s31], [sflag:$0x5] =	stream.indirect.gather [hbm4b:s4+s26], $0x40, s24, s26, $0xb8;
	[tilespmem:$0x1F000] =	vst v63  }
0x7e: {  	_ =	swait.ge [sflag:s23], $0x2000  }
0x7f: {  	[sflag:s23] =	ssyncset.done $0x0  }
0x80: {  	s22 =	simm.s32 $0x5200;
	[sflag:s23] =	ssyncadd.s32 $0xFFFFE000  }
0x81: {  	[spmem:s2] =	stream.indirect.scatter.add.f32 [tilespmem:s6], [sflag:$0xC], $0x40, s22, s26, $0xb8;
	[tilespmem:$0x1F000] =	vst v63  }
0x82: {  	_ =	swait.ge [sflag:s18], $0x2000  }
0x83: {  	[sflag:s18] =	ssyncset.done $0x0  }
0x84: {  	s24 =	simm.s32 $0x400;
	[sflag:s18] =	ssyncadd.s32 $0xFFFFE000  }
0x85: {  	[tilespmem:s0], [sflag:$0x6] =	stream.indirect.gather [hbm4b:s4+s26], $0x40, s24, s26, $0xb8;
	[tilespmem:$0x1F000] =	vst v63  }
0x86: {  	_ =	swait.ge [sflag:s5], $0x2000  }
0x87: {  	[sflag:s5] =	ssyncset.done $0x0  }
0x88: {  	s22 =	simm.s32 $0x5280;
	[sflag:s5] =	ssyncadd.s32 $0xFFFFE000  }
0x89: {  	[spmem:s2] =	stream.indirect.scatter.add.f32 [tilespmem:s28], [sflag:$0x8], $0x40, s22, s26, $0xb8;
	[tilespmem:$0x1F000] =	vst v63  }
0x8a: {  	_ =	swait.ge [sflag:s19], $0x2000  }
0x8b: {  	[sflag:s19] =	ssyncset.done $0x0  }
0x8c: {  	s24 =	simm.s32 $0x480;
	[sflag:s19] =	ssyncadd.s32 $0xFFFFE000  }
0x8d: {  	[tilespmem:s6], [sflag:$0x7] =	stream.indirect.gather [hbm4b:s4+s26], $0x40, s24, s26, $0xb8;
	[tilespmem:$0x1F000] =	vst v63  }
0x8e: {  	_ =	swait.ge [sflag:s8], $0x2000  }
0x8f: {  	[sflag:s8] =	ssyncset.done $0x0  }
0x90: {  	s22 =	simm.s32 $0x5300;
	[sflag:s8] =	ssyncadd.s32 $0xFFFFE000  }
0x91: {  	[spmem:s2] =	stream.indirect.scatter.add.f32 [tilespmem:s29], [sflag:$0x9], $0x40, s22, s26, $0xb8;
	[tilespmem:$0x1F000] =	vst v63  }
0x92: {  	_ =	swait.ge [sflag:s9], $0x2000  }
0x93: {  	[sflag:s9] =	ssyncset.done $0x0  }
0x94: {  	s24 =	simm.s32 $0x500;
	[sflag:s9] =	ssyncadd.s32 $0xFFFFE000  }
0x95: {  	[tilespmem:s28], [sflag:$0x3] =	stream.indirect.gather [hbm4b:s4+s26], $0x40, s24, s26, $0xb8;
	[tilespmem:$0x1F000] =	vst v63  }
0x96: {  	_ =	swait.ge [sflag:s10], $0x2000  }
0x97: {  	[sflag:s10] =	ssyncset.done $0x0  }
0x98: {  	s22 =	simm.s32 $0x5380;
	[sflag:s10] =	ssyncadd.s32 $0xFFFFE000  }
0x99: {  	[spmem:s2] =	stream.indirect.scatter.add.f32 [tilespmem:s31], [sflag:$0xA], $0x40, s22, s26, $0xb8;
	[tilespmem:$0x1F000] =	vst v63  }
0x9a: {  	_ =	swait.ge [sflag:s12], $0x2000  }
0x9b: {  	[sflag:s12] =	ssyncset.done $0x0  }
0x9c: {  	s24 =	simm.s32 $0x580;
	[sflag:s12] =	ssyncadd.s32 $0xFFFFE000  }
0x9d: {  	[tilespmem:s29], [sflag:$0x4] =	stream.indirect.gather [hbm4b:s4+s26], $0x40, s24, s26, $0xb8;
	[tilespmem:$0x1F000] =	vst v63  }
0x9e: {  	_ =	swait.ge [sflag:s14], $0x2000  }
0x9f: {  	[sflag:s14] =	ssyncset.done $0x0  }
0xa0: {  	s22 =	simm.s32 $0x5400;
	[sflag:s14] =	ssyncadd.s32 $0xFFFFE000  }
0xa1: {  	[spmem:s2] =	stream.indirect.scatter.add.f32 [tilespmem:s0], [sflag:$0xB], $0x40, s22, s26, $0xb8;
	[tilespmem:$0x1F000] =	vst v63  }
0xa2: {  	_ =	swait.ge [sflag:s16], $0x2000  }
0xa3: {  	[sflag:s16] =	ssyncset.done $0x0  }
0xa4: {  	s24 =	simm.s32 $0x600;
	[sflag:s16] =	ssyncadd.s32 $0xFFFFE000  }
0xa5: {  	[tilespmem:s31], [sflag:$0x5] =	stream.indirect.gather [hbm4b:s4+s26], $0x40, s24, s26, $0xb8;
	[tilespmem:$0x1F000] =	vst v63  }
0xa6: {  	_ =	swait.ge [sflag:s23], $0x2000  }
0xa7: {  	[sflag:s23] =	ssyncset.done $0x0  }
0xa8: {  	s21 =	simm.s32 $0xA00;
	s22 =	simm.s32 $0x5480;
	[sflag:s23] =	ssyncadd.s32 $0xFFFFE000  }
.LBB2_4:
0xa9: {  	[spmem:s2] =	stream.indirect.scatter.add.f32 [tilespmem:s6], [sflag:$0xC], $0x40, s22, s26, $0xb8;
	[tilespmem:$0x1F000] =	vst v63  }
0xaa: {  	s22 =	smov.u32 s21;
	s21 =	sadd.s32 $0xA00, s21;
	_ =	swait.ge [sflag:s18], $0x2000  }
0xab: {  	s22 =	sshra.s32 s22, $0x2;
	p0 =	sne.s32 s21, $0x12C00;
	[sflag:s18] =	ssyncset.done $0x0  }
0xac: {  	s24 =	sadd.s32 $0x400, s22;
	[sflag:s18] =	ssyncadd.s32 $0xFFFFE000  }
0xad: {  	[tilespmem:s0], [sflag:$0x6] =	stream.indirect.gather [hbm4b:s4+s26], $0x40, s24, s26, $0xb8;
	[tilespmem:$0x1F000] =	vst v63  }
0xae: {  	_ =	swait.ge [sflag:s5], $0x2000  }
0xaf: {  	[sflag:s5] =	ssyncset.done $0x0  }
0xb0: {  	s24 =	sadd.s32 $0x5280, s22;
	[sflag:s5] =	ssyncadd.s32 $0xFFFFE000  }
0xb1: {  	[spmem:s2] =	stream.indirect.scatter.add.f32 [tilespmem:s28], [sflag:$0x8], $0x40, s24, s26, $0xb8;
	[tilespmem:$0x1F000] =	vst v63  }
0xb2: {  	_ =	swait.ge [sflag:s19], $0x2000  }
0xb3: {  	[sflag:s19] =	ssyncset.done $0x0  }
0xb4: {  	s24 =	sadd.s32 $0x480, s22;
	[sflag:s19] =	ssyncadd.s32 $0xFFFFE000  }
0xb5: {  	[tilespmem:s6], [sflag:$0x7] =	stream.indirect.gather [hbm4b:s4+s26], $0x40, s24, s26, $0xb8;
	[tilespmem:$0x1F000] =	vst v63  }
0xb6: {  	_ =	swait.ge [sflag:s8], $0x2000  }
0xb7: {  	[sflag:s8] =	ssyncset.done $0x0  }
0xb8: {  	s24 =	sadd.s32 $0x5300, s22;
	[sflag:s8] =	ssyncadd.s32 $0xFFFFE000  }
0xb9: {  	[spmem:s2] =	stream.indirect.scatter.add.f32 [tilespmem:s29], [sflag:$0x9], $0x40, s24, s26, $0xb8;
	[tilespmem:$0x1F000] =	vst v63  }
0xba: {  	_ =	swait.ge [sflag:s9], $0x2000  }
0xbb: {  	[sflag:s9] =	ssyncset.done $0x0  }
0xbc: {  	s24 =	sadd.s32 $0x500, s22;
	[sflag:s9] =	ssyncadd.s32 $0xFFFFE000  }
0xbd: {  	[tilespmem:s28], [sflag:$0x3] =	stream.indirect.gather [hbm4b:s4+s26], $0x40, s24, s26, $0xb8;
	[tilespmem:$0x1F000] =	vst v63  }
0xbe: {  	_ =	swait.ge [sflag:s10], $0x2000  }
0xbf: {  	[sflag:s10] =	ssyncset.done $0x0  }
0xc0: {  	s24 =	sadd.s32 $0x5380, s22;
	[sflag:s10] =	ssyncadd.s32 $0xFFFFE000  }
0xc1: {  	[spmem:s2] =	stream.indirect.scatter.add.f32 [tilespmem:s31], [sflag:$0xA], $0x40, s24, s26, $0xb8;
	[tilespmem:$0x1F000] =	vst v63  }
0xc2: {  	_ =	swait.ge [sflag:s12], $0x2000  }
0xc3: {  	[sflag:s12] =	ssyncset.done $0x0  }
0xc4: {  	s24 =	sadd.s32 $0x580, s22;
	[sflag:s12] =	ssyncadd.s32 $0xFFFFE000  }
0xc5: {  	[tilespmem:s29], [sflag:$0x4] =	stream.indirect.gather [hbm4b:s4+s26], $0x40, s24, s26, $0xb8;
	[tilespmem:$0x1F000] =	vst v63  }
0xc6: {  	_ =	swait.ge [sflag:s14], $0x2000  }
0xc7: {  	[sflag:s14] =	ssyncset.done $0x0  }
0xc8: {  	s24 =	sadd.s32 $0x5400, s22;
	[sflag:s14] =	ssyncadd.s32 $0xFFFFE000  }
0xc9: {  	[spmem:s2] =	stream.indirect.scatter.add.f32 [tilespmem:s0], [sflag:$0xB], $0x40, s24, s26, $0xb8;
	[tilespmem:$0x1F000] =	vst v63  }
0xca: {  	_ =	swait.ge [sflag:s16], $0x2000  }
0xcb: {  	[sflag:s16] =	ssyncset.done $0x0  }
.Ltmp1:
0xcc: {  	s24 =	sadd.s32 $0x600, s22;
	[sflag:s16] =	ssyncadd.s32 $0xFFFFE000;
	(pc) =	sbr.rel @p0 .LBB2_4-.Ltmp1, $4  }
0xcd: {  	[tilespmem:s31], [sflag:$0x5] =	stream.indirect.gather [hbm4b:s4+s26], $0x40, s24, s26, $0xb8;
	[tilespmem:$0x1F000] =	vst v63  }
0xce: {  	_ =	swait.ge [sflag:s23], $0x2000  }
0xcf: {  	[sflag:s23] =	ssyncset.done $0x0  }
0xd0: {  	s22 =	sadd.s32 $0x5480, s22;
	[sflag:s23] =	ssyncadd.s32 $0xFFFFE000  }
0xd1: {  	[spmem:s2] =	stream.indirect.scatter.add.f32 [tilespmem:s6], [sflag:$0xC], $0x40, s22, s26, $0xb8;
	[tilespmem:$0x1F000] =	vst v63  }
0xd2: {  	_ =	swait.ge [sflag:s18], $0x2000  }
0xd3: {  	s21 =	sshra.s32 s21, $0x2;
	[sflag:s18] =	ssyncset.done $0x0  }
0xd4: {  	s24 =	sadd.s32 $0x400, s21;
	[sflag:s18] =	ssyncadd.s32 $0xFFFFE000  }
0xd5: {  	[tilespmem:s0], [sflag:$0x6] =	stream.indirect.gather [hbm4b:s4+s26], $0x40, s24, s26, $0xb8;
	[tilespmem:$0x1F000] =	vst v63  }
0xd6: {  	_ =	swait.ge [sflag:s5], $0x2000  }
0xd7: {  	[sflag:s5] =	ssyncset.done $0x0  }
0xd8: {  	s24 =	sadd.s32 $0x5280, s21;
	[sflag:s5] =	ssyncadd.s32 $0xFFFFE000  }
0xd9: {  	[spmem:s2] =	stream.indirect.scatter.add.f32 [tilespmem:s28], [sflag:$0x8], $0x40, s24, s26, $0xb8;
	[tilespmem:$0x1F000] =	vst v63  }
0xda: {  	_ =	swait.ge [sflag:s19], $0x2000  }
0xdb: {  	[sflag:s19] =	ssyncset.done $0x0  }
0xdc: {  	s24 =	simm.s32 $0x4F80;
	[sflag:s19] =	ssyncadd.s32 $0xFFFFE000  }
0xdd: {  	[tilespmem:s6], [sflag:$0x7] =	stream.indirect.gather [hbm4b:s4+s26], $0x40, s24, s26, $0xb8;
	[tilespmem:$0x1F000] =	vst v63  }
0xde: {  	_ =	swait.ge [sflag:s8], $0x2000  }
0xdf: {  	[sflag:s8] =	ssyncset.done $0x0  }
0xe0: {  	s24 =	sadd.s32 $0x5300, s21;
	[sflag:s8] =	ssyncadd.s32 $0xFFFFE000  }
0xe1: {  	[spmem:s2] =	stream.indirect.scatter.add.f32 [tilespmem:s29], [sflag:$0x9], $0x40, s24, s26, $0xb8;
	[tilespmem:$0x1F000] =	vst v63  }
0xe2: {  	_ =	swait.ge [sflag:s9], $0x2000  }
0xe3: {  	[sflag:s9] =	ssyncset.done $0x0  }
0xe4: {  	[sflag:s9] =	ssyncadd.s32 $0xFFFFE000  }
0xe5: {  	_ =	swait.ge [sflag:s10], $0x2000  }
0xe6: {  	[sflag:s10] =	ssyncset.done $0x0  }
0xe7: {  	s24 =	sadd.s32 $0x5380, s21;
	[sflag:s10] =	ssyncadd.s32 $0xFFFFE000  }
0xe8: {  	[spmem:s2] =	stream.indirect.scatter.add.f32 [tilespmem:s31], [sflag:$0xA], $0x40, s24, s26, $0xb8;
	[tilespmem:$0x1F000] =	vst v63  }
0xe9: {  	_ =	swait.ge [sflag:s12], $0x2000  }
0xea: {  	[sflag:s12] =	ssyncset.done $0x0  }
0xeb: {  	[sflag:s12] =	ssyncadd.s32 $0xFFFFE000  }
0xec: {  	_ =	swait.ge [sflag:s14], $0x2000  }
0xed: {  	[sflag:s14] =	ssyncset.done $0x0  }
0xee: {  	s21 =	sadd.s32 $0x5400, s21;
	[sflag:s14] =	ssyncadd.s32 $0xFFFFE000  }
0xef: {  	[spmem:s2] =	stream.indirect.scatter.add.f32 [tilespmem:s0], [sflag:$0xB], $0x40, s21, s26, $0xb8;
	[tilespmem:$0x1F000] =	vst v63  }
0xf0: {  	_ =	swait.ge [sflag:s16], $0x2000  }
0xf1: {  	[sflag:s16] =	ssyncset.done $0x0  }
0xf2: {  	[sflag:s16] =	ssyncadd.s32 $0xFFFFE000  }
0xf3: {  	_ =	swait.ge [sflag:s23], $0x2000  }
0xf4: {  	[sflag:s23] =	ssyncset.done $0x0  }
0xf5: {  	s24 =	simm.s32 $0x9F80;
	[sflag:s23] =	ssyncadd.s32 $0xFFFFE000  }
0xf6: {  	[spmem:s2] =	stream.indirect.scatter.add.f32 [tilespmem:s6], [sflag:$0xC], $0x40, s24, s26, $0xb8;
	[tilespmem:$0x1F000] =	vst v63  }
0xf7: {  	_ =	swait.ge [sflag:s18], $0x2000  }
0xf8: {  	[sflag:s18] =	ssyncset.done $0x0  }
0xf9: {  	[sflag:s18] =	ssyncadd.s32 $0xFFFFE000  }
0xfa: {  	_ =	swait.ge [sflag:s19], $0x2000  }
0xfb: {  	[sflag:s19] =	ssyncset.done $0x0  }
0xfc: {  	s22 =	stileid.u32;
	[sflag:s19] =	ssyncadd.s32 $0xFFFFE000  }
0xfd: {  	s21 =	sshll.u32 s22, $0x6;
	[bflag:$0x0] =	sbarrier.arrive $0xFFFF  }
0xfe: {  	s22 =	sshrl.u32 s7, $0x3;
	s21 =	sor.u32 $0x1C0D, s21;
	s24 =	rddreg [dreg:$0x5]  }
0xff: {  	[hbm:s24], [sflag:s21] =	dma.local [spmem:s22], $0x400  }
0x100: {  	_ =	swait.ge [sflag:s30], $0x400  }
0x101: {  	[sflag:s30] =	ssyncset.done $0x0  }
0x102: {  	s22 =	sshrl.u32 s11, $0x3;
	s24 =	rddreg [dreg:$0xc];
	[sflag:s30] =	ssyncadd.s32 $0xFFFFFC00  }
0x103: {  	[hbm:s24], [sflag:s21] =	dma.local [spmem:s22], $0x400  }
0x104: {  	_ =	swait.ge [sflag:s30], $0x400  }
0x105: {  	[sflag:s30] =	ssyncset.done $0x0  }
0x106: {  	s22 =	sshrl.u32 s13, $0x3;
	s24 =	rddreg [dreg:$0xd];
	[sflag:s30] =	ssyncadd.s32 $0xFFFFFC00  }
0x107: {  	[hbm:s24], [sflag:s21] =	dma.local [spmem:s22], $0x400  }
0x108: {  	_ =	swait.ge [sflag:s30], $0x400  }
0x109: {  	[sflag:s30] =	ssyncset.done $0x0  }
0x10a: {  	s22 =	sshrl.u32 s15, $0x3;
	s24 =	rddreg [dreg:$0xe];
	[sflag:s30] =	ssyncadd.s32 $0xFFFFFC00  }
0x10b: {  	[hbm:s24], [sflag:s21] =	dma.local [spmem:s22], $0x400  }
0x10c: {  	_ =	swait.ge [sflag:s30], $0x400  }
0x10d: {  	[sflag:s30] =	ssyncset.done $0x0  }
0x10e: {  	s22 =	sshrl.u32 s17, $0x3;
	s24 =	rddreg [dreg:$0xf];
	[sflag:s30] =	ssyncadd.s32 $0xFFFFFC00  }
0x10f: {  	[hbm:s24], [sflag:s21] =	dma.local [spmem:s22], $0x400  }
0x110: {  	_ =	swait.ge [sflag:s30], $0x400  }
0x111: {  	s20 =	sadd.s32 $0x1, s20;
	s24 =	rddreg [dreg:$0x6]  }
0x112: {  	p0 =	sne.s32 s20, s24  }
.Ltmp2:
0x113: {  	_ = 	snop;
	(pc) =	sbr.rel @p0 .LBB2_1-.Ltmp2, $3  }
0x114: {  	_ =	sdelay $0x1  }
0x115: {  	[sflag:s30] =	ssyncset.done $0x0  }
0x116: {  	[sflag:s30] =	ssyncadd.s32 $0xFFFFFC00  }
0x117: {  	_ =	sfence.sel $0x180000  }
0x118: {  	[bflag:$0x0] =	sbarrier.arrive $0xFFFF  }
0x119: {  	_ =	strace $0x9000004A  }
0x11a: {  	s0 =	stileid.u32;
	[bflag:$0x2] =	sbarrier.arrive $0xFFFF  }
0x11b: {  	p0 =	sne.s32 s0, $0x0;
	s0 =	rddreg [dreg:$0x2]  }
0x11c: {  	s0 =	sadd.s32 @!p0 $0x100000, s0  }
0x11d: {  	[sflag:s0] =	ssyncadd.tile.s32 @!p0 $0x1;
	_ =	shalt  }
.Lfunc_end2:
_tile_overlayer_lowered:
.L_overlay_start_2:
0x11e: {  	(tag) =	ssettag $0x2  }
0x11f: {  	s0 =	rddreg [dreg:$0x0];
	s2 =	stileid.u32  }
0x120: {  	s1 =	rddreg [dreg:$0x1];
	p0 =	sne.s32 s2, $0x0  }
0x121: {  	s3 =	rddreg [dreg:$0x2];
	[bflag:$0x3] =	sbarrier.arrive $0xFFFF;
	s2 =	simm.s32 @!p0 $0x1C0D  }
0x122: {  	[timem:s3], [sflag:s2] =	dma.local @!p0 [hbm:s0], s1  }
0x123: {  	s0 =	simm.s32 @!p0 $0xD  }
0x124: {  	_ =	swait.ge @!p0 [sflag:s0], s1  }
0x125: {  	s1 =	ssub.s32 @!p0 $0x0, s1;
	[sflag:s0] =	ssyncset.done @!p0 $0x0  }
0x126: {  	[sflag:s0] =	ssyncadd.s32 @!p0 s1  }
0x127: {  	[bflag:$0x3] =	sbarrier.arrive $0xFFFF  }
0x128: {  	_ =	shalt  }

// kernel: kernel.16.cloned.1.call-start
scs
__scs_entry_jumppad:
0x0: {  	(pc) =	sbr.rel $0x88, $3  }
0x1: {  	(tag) =	ssettag $0x0;
	lr =	simm.s32 $0x1  }
0x2: {  	[smem:$0x3F98] =	sst lr;
	_ =	strace $0xD0000000  }
0x3: {  	_ = 	snop  }
0x4: {  	_ = 	snop  }
0x5: {  	_ = 	snop  }
0x6: {  	_ = 	snop  }
0x7: {  	_ = 	snop  }
__scs_overlays_trampoline_lowered:
0x8: {  	[smem:$0x3FA7] =	sst s0  }
0x9: {  	[smem:$0x3FA8] =	sst s1  }
0xa: {  	[smem:$0x3FA9] =	sst s2  }
0xb: {  	[smem:$0x3FAA] =	sst s3  }
0xc: {  	[smem:$0x3FAB] =	sst s4  }
0xd: {  	[smem:$0x3FAC] =	sst s5  }
0xe: {  	[smem:$0x3FAD] =	sst s6  }
0xf: {  	[smem:$0x3FAE] =	sst s7  }
0x10: {  	[smem:$0x3FAF] =	sst s8  }
0x11: {  	[smem:$0x3FB0] =	sst s9;
	s0 =	simm.s32 @!p0 $0x0  }
0x12: {  	s1 =	sld [smem:$0x3F96];
	s0 =	simm.s32 @p0 $0x1  }
0x13: {  	[smem:$0x3FB1] =	sst s0;
	s0 =	simm.s32 @!p1 $0x0  }
0x14: {  	s2 =	sld [smem:$0x3F95];
	s0 =	simm.s32 @p1 $0x1  }
0x15: {  	[smem:$0x3FB2] =	sst s0;
	s0 =	simm.s32 @!p2 $0x0  }
0x16: {  	s3 =	sld [smem:$0x3FDB];
	s0 =	simm.s32 @p2 $0x1  }
0x17: {  	s4 =	simm.s32 $0x1BF5;
	[smem:$0x3FB4] =	sst s0  }
0x18: {  	s0 =	sld [smem:$0x3F97];
	_ =	swait.ge [sflag:s4], $0x0  }
0x19: {  	s7 =	sld [smem:$0x3F98]  }
0x1a: {  	s8 =	sadd.s32 $0xFFFFE003, lr  }
0x1b: {  	s9 =	sadd.s32 $0xFFFFFEF7, lr;
	s5 =	simm.s32 $0xFFFFFFFF;
	p2 =	slt.u32 s8, $0xFFFFF086  }
0x1c: {  	p1 =	slt.u32 s9, $0xF7A;
	s5 =	simm.s32 @!p2 $0x0  }
0x1d: {  	s5 =	simm.s32 @p1 $0x1;
	p0 =	seq.s32 s7, s2  }
0x1e: {  	s7 =	smul.u32 @!p0 $0xF7A, s2;
	p2 =	seq.s32 @!p0 s5, $0x0  }
0x1f: {  	s9 =	smul.u32 $0xF7A, s1;
	s8 =	simm.s32 @!p0 $0x1BF5;
	p2 =	por !p2, p0  }
0x20: {  	[sflag:s8] =	ssyncset.s32 @!p0 $0xFFFFF086;
	s6 =	sadd.s32 @!p0 s3, s7;
	s7 =	simm.s32 @!p0 $0x108  }
0x21: {  	s3 =	sadd.s32 s3, s9;
	s6 =	sadd.s32 @!p0 $0x88, s6;
	s7 =	simm.s32 @p2 $0x1082  }
0x22: {  	[simem:s7], [sflag:s8] =	dma.local @!p0 [hbm:s6], $0xF7A  }
0x23: {  	s9 =	sor.u32 $0xD0000000, s2;
	s6 =	simm.s32 $0x108;
	_ =	swait.ge @!p0 [sflag:s8], $0x0  }
0x24: {  	s3 =	sadd.s32 $0x88, s3;
	s6 =	simm.s32 @!p1 $0x1082;
	[sflag:s4] =	ssyncset.s32 $0xFFFFF086  }
0x25: {  	[simem:s6], [sflag:s4] =	dma.local [hbm:s3], $0xF7A  }
0x26: {  	[smem:$0x3F98] =	sst s1;
	(tag) =	ssettag s2;
	_ =	strace s9  }
0x27: {  	s1 =	sld [smem:$0x3FA8]  }
0x28: {  	s2 =	sld [smem:$0x3FA9]  }
0x29: {  	s4 =	sld [smem:$0x3FAB]  }
0x2a: {  	p0 =	seq.s32 s5, $0x0;
	s5 =	sld [smem:$0x3FAC]  }
0x2b: {  	s6 =	sld [smem:$0x3FAD]  }
0x2c: {  	s7 =	sld [smem:$0x3FAE]  }
0x2d: {  	s3 =	simm.s32 $0x108;
	s8 =	sld [smem:$0x3FAF]  }
0x2e: {  	s3 =	simm.s32 @!p0 $0x1082;
	s9 =	sld [smem:$0x3FB0]  }
0x2f: {  	lr =	sadd.s32 s0, s3;
	s0 =	sld [smem:$0x3FA7]  }
0x30: {  	s3 =	sld [smem:$0x3FAA]  }
0x31: {  	[smem:$0x3FB3] =	sst s10  }
0x32: {  	s10 =	sld [smem:$0x3FB1];
	_ =	sdelay $0x3  }
0x33: {  	p0 =	seq.s32 s10, $0x1;
	s10 =	sld [smem:$0x3FB3];
	_ =	sdelay $0x3  }
0x34: {  	[smem:$0x3FB3] =	sst s10  }
0x35: {  	s10 =	sld [smem:$0x3FB2];
	_ =	sdelay $0x3  }
0x36: {  	p1 =	seq.s32 s10, $0x1;
	s10 =	sld [smem:$0x3FB3];
	_ =	sdelay $0x3  }
0x37: {  	[smem:$0x3FB3] =	sst s10  }
0x38: {  	s10 =	sld [smem:$0x3FB4]  }
0x39: {  	_ = 	snop;
	(pc) =	sbr.ind lr, $3  }
0x3a: {  	_ = 	snop  }
0x3b: {  	_ = 	snop  }
0x3c: {  	p2 =	seq.s32 s10, $0x1;
	s10 =	sld [smem:$0x3FB3]  }
0x3d: {  	_ =	shalt  }
0x3e: {  	_ =	shalt  }
0x3f: {  	_ =	shalt  }
0x40: {  	_ =	shalt  }
0x41: {  	_ =	shalt  }
0x42: {  	_ =	shalt  }
0x43: {  	_ =	shalt  }
0x44: {  	_ =	shalt  }
0x45: {  	_ =	shalt  }
0x46: {  	_ =	shalt  }
0x47: {  	_ =	shalt  }
0x48: {  	_ =	shalt  }
0x49: {  	_ =	shalt  }
0x4a: {  	_ =	shalt  }
0x4b: {  	_ =	shalt  }
0x4c: {  	_ =	shalt  }
0x4d: {  	_ =	shalt  }
0x4e: {  	_ =	shalt  }
0x4f: {  	_ =	shalt  }
0x50: {  	_ =	shalt  }
0x51: {  	_ =	shalt  }
0x52: {  	_ =	shalt  }
0x53: {  	_ =	shalt  }
0x54: {  	_ =	shalt  }
0x55: {  	_ =	shalt  }
0x56: {  	_ =	shalt  }
0x57: {  	_ =	shalt  }
0x58: {  	_ =	shalt  }
0x59: {  	_ =	shalt  }
0x5a: {  	_ =	shalt  }
0x5b: {  	_ =	shalt  }
0x5c: {  	_ =	shalt  }
0x5d: {  	_ =	shalt  }
0x5e: {  	_ =	shalt  }
0x5f: {  	_ =	shalt  }
0x60: {  	_ =	shalt  }
0x61: {  	_ =	shalt  }
0x62: {  	_ =	shalt  }
0x63: {  	_ =	shalt  }
0x64: {  	_ =	shalt  }
0x65: {  	_ =	shalt  }
0x66: {  	_ =	shalt  }
0x67: {  	_ =	shalt  }
0x68: {  	_ =	shalt  }
0x69: {  	_ =	shalt  }
0x6a: {  	_ =	shalt  }
0x6b: {  	_ =	shalt  }
0x6c: {  	_ =	shalt  }
0x6d: {  	_ =	shalt  }
0x6e: {  	_ =	shalt  }
0x6f: {  	_ =	shalt  }
0x70: {  	_ =	shalt  }
0x71: {  	_ =	shalt  }
0x72: {  	_ =	shalt  }
0x73: {  	_ =	shalt  }
0x74: {  	_ =	shalt  }
0x75: {  	_ =	shalt  }
0x76: {  	_ =	shalt  }
0x77: {  	_ =	shalt  }
0x78: {  	_ =	shalt  }
0x79: {  	_ =	shalt  }
0x7a: {  	_ =	shalt  }
0x7b: {  	_ =	shalt  }
0x7c: {  	_ =	shalt  }
0x7d: {  	_ =	shalt  }
0x7e: {  	_ =	shalt  }
0x7f: {  	_ =	shalt  }
0x80: {  	_ =	shalt  }
0x81: {  	_ =	shalt  }
0x82: {  	_ =	shalt  }
0x83: {  	_ =	shalt  }
0x84: {  	_ =	shalt  }
0x85: {  	_ =	shalt  }
0x86: {  	_ =	shalt  }
0x87: {  	_ =	shalt  }
.Lfunc_end0:
.L_simem_size_0:
called_computation.2_lowered:
.L_overlay_start_0:
0x88: {  	s2 =	sld [smem:$0x3FD9]  }
0x89: {  	s3 =	sld [smem:$0x3FFE];
	_ =	sdelay $0x1  }
0x8a: {  	s1 =	srdreg.scid  }
0x8b: {  	s0 =	sand.u32 $0x1, s1  }
0x8c: {  	s16 =	sshll.u32 s0, $0xA;
	s2 =	sadd.s32 s3, s2  }
0x8d: {  	s2 =	sadd.s32 s2, s16  }
0x8e: {  	[smem:$0x3FBF] =	sst s2  }
0x8f: {  	_ = 	snop  }
0x90: {  	(tm) =	ssettm $0x1  }
0x91: {  	s17 =	sld [smem:$0x3FFB];
	_ =	sdelay $0x3  }
0x92: {  	_ =	strace s17  }
0x93: {  	s2 =	sld [smem:$0x3FFC];
	_ =	sdelay $0x3  }
0x94: {  	_ =	strace s2  }
0x95: {  	s2 =	sld [smem:$0x3FFD];
	_ =	sdelay $0x3  }
0x96: {  	_ =	strace s2  }
0x97: {  	_ =	strace $0x8FFFFFFF  }
0x98: {  	s18 =	sld [smem:$0x3FDB];
	_ =	sdelay $0x1  }
0x99: {  	s19 =	simm.s32 $_scs_section_size  }
0x9a: {  	s4 =	simm.s32 $_size__tile_overlayer_lowered;
	s5 =	simm.s32 $_tile_overlayer_lowered  }
0x9b: {  	s22 =	simm.s32 $0x1BFF;
	s21 =	sshll.u32 s5, $0x1;
	s2 =	sadd.s32 s19, s18  }
0x9c: {  	s6 =	simm.s32 $0x0;
	s20 =	sshll.u32 s4, $0x1;
	s4 =	sadd.s32 s21, s2  }
0x9d: {  	[timem:s6], [sflag:s22] =	dma.local [hbm:s4], s20  }
0x9e: {  	_ =	swait.ge [sflag:s22], s20  }
0x9f: {  	s3 =	ssub.s32 $0x0, s20;
	[sflag:s22] =	ssyncset.done $0x0  }
0xa0: {  	[sflag:s22] =	ssyncadd.s32 s3;
	_ =	sdelay $0x1  }
0xa1: {  	s23 =	simm.s32 $0x1B8B  }
0xa2: {  	_ =	swait.ge [sflag:s23], $0x1  }
0xa3: {  	[sflag:s23] =	ssyncset.done $0x0  }
0xa4: {  	s25 =	simm.s32 $0x1B8E;
	s24 =	sld [smem:$0x3FFE];
	[sflag:s23] =	ssyncadd.s32 $0xFFFFFFFF  }
0xa5: {  	s26 =	simm.s32 $execute0_lowered;
	[smem:$0x3FD2] =	sst s25  }
0xa6: {  	s4 =	sshll.u32 s26, $0x1;
	_ =	strace $0x8000004C;
	[dreg:$0x1] =	wrdreg $0xFFFFFFFF  }
0xa7: {  	s28 =	simm.s32 $_size_execute0_lowered;
	s2 =	sadd.s32 s2, s4;
	[dreg:$0x0] =	wrdreg $0x0  }
0xa8: {  	s4 =	sshll.u32 s28, $0x1;
	[dreg:$0x2] =	wrdreg s2  }
0xa9: {  	[dreg:$0x3] =	wrdreg s4  }
0xaa: {  	[dreg:$0x4] =	wrdreg $0xC0  }
0xab: {  	_ =	task [dreg:s6], $0x5FFFF  }
0xac: {  	[dreg:$0x1] =	wrdreg $0xFFFFFFFF  }
0xad: {  	[dreg:$0x0] =	wrdreg $0x60  }
0xae: {  	[dreg:$0x2] =	wrdreg s24  }
0xaf: {  	[dreg:$0x3] =	wrdreg $0x150000  }
0xb0: {  	[dreg:$0x4] =	wrdreg $0x9  }
0xb1: {  	_ =	task.clear_ibuf [dreg:s6], $0x5FFFF;
	_ =	strace $0x9000004C  }
0xb2: {  	s29 =	simm.s32 $0x9;
	_ =	strace $0x8000004E  }
0xb3: {  	_ =	swait.ge [sflag:s29], $0x1  }
0xb4: {  	[sflag:s29] =	ssyncadd.s32 $0xFFFFFFFF  }
0xb5: {  	_ =	strace $0x9000004E  }
0xb6: {  	_ =	sfence  }
0xb7: {  	s30 =	sld [smem:$0x0];
	_ =	sdelay $0x2  }
0xb8: {  	s31 =	sshll.u32 s1, $0xD;
	s1 =	sshrl.u32 s1, $0x2  }
0xb9: {  	s3 =	sand.u32 $0x4000, s31;
	s1 =	sadd.s32 s1, s30  }
0xba: {  	s0 =	sor.u32 s3, s0;
	s1 =	sshll.u32 s1, $0x11  }
0xbb: {  	s0 =	sor.u32 s1, s0  }
0xbc: {  	s0 =	sadd.s32 $0x8F2B, s0  }
0xbd: {  	[sflag:s0] =	ssyncadd.remote.s32 $0x1  }
0xbe: {  	_ =	sfence.sel $0xFFFF  }
0xbf: {  	[dreg:$0x0] =	wrdreg $0xFFFFFFFF;
	(pc) =	sbr.abs _section_cstart, $3  }
0xc0: {  	[dreg:$0x1] =	wrdreg $0xFFFFFFFF  }
0xc1: {  	_ =	task.clear_ibuf [dreg:s6], $0x2FFFF;
	_ =	strace $0x9FFFFFFF  }
0xc2: {  	(tm) =	ssettm $0x7FFFFFFF  }
0xc3: {  	_ =	shalt  }
tec
execute0_lowered:
.L_overlay_start_1:
0x0: {  	(tag) =	ssettag $0x1  }
0x1: {  	s0 =	srdreg.scid;
	s5 =	rddreg [dreg:$0x0]  }
0x2: {  	s9 =	stileid.u32;
	s2 =	rddreg [dreg:$0x1]  }
0x3: {  	s3 =	simm.s32 $0x0;
	s28 =	simm.s32 $0xA000;
	s29 =	simm.s32 $0xC000  }
0x4: {  	s31 =	simm.s32 $0xE000;
	s30 =	simm.s32 $0xD;
	s7 =	smul.u32 $0x280, s9  }
0x5: {  	s10 =	simm.s32 $0x5;
	s12 =	simm.s32 $0x9;
	s8 =	smul.u32 $0xA00, s9  }
0x6: {  	s0 =	sand.u32 $0x1, s0;
	[smem:$0x7FF] =	sst s3;
	s13 =	smul.u32 $0x28000, s9  }
0x7: {  	s4 =	sadd.s32 $0x7AE00, s5;
	s1 =	sshll.u32 s0, $0x4;
	s6 =	smul.u32 $0x2800, s0  }
0x8: {  	_ =	strace $0x8000004D;
	s0 =	ssub.s32 $0x2, s0;
	s1 =	sor.u32 s9, s1  }
0x9: {  	s8 =	sadd.s32 s8, s5;
	s14 =	sshrl.u32 s0, $0x1;
	s15 =	sshrl.u32 s13, $0x2  }
0xa: {  	s9 =	simm.s32 $0x8;
	s1 =	smul.u32 $0xA00, s1;
	s6 =	sadd.s32 s6, s7  }
0xb: {  	s0 =	ssub.s32 s0, s14;
	s16 =	sadd.s32 $0xCE00, s8;
	s7 =	sadd.s32 s15, s2  }
0xc: {  	s8 =	simm.s32 $0x4;
	s14 =	simm.s32 $0x6;
	s6 =	sshll.u32 s6, $0x3  }
0xd: {  	[dreg:$0x4] =	wrdreg s16;
	s0 =	smax.u32 s0, $0x1;
	s18 =	sadd.s32 $0x1000, s7  }
0xe: {  	s11 =	sadd.s32 $0x2000, s7;
	s19 =	sadd.s32 $0x3000, s7;
	[dreg:$0x6] =	wrdreg s0  }
0xf: {  	s13 =	sadd.s32 $0x4000, s7;
	s20 =	sadd.s32 $0x5000, s7;
	[dreg:$0x7] =	wrdreg s18  }
0x10: {  	s15 =	sadd.s32 $0x6000, s7;
	s21 =	sadd.s32 $0x7000, s7;
	[dreg:$0x8] =	wrdreg s19  }
0x11: {  	s22 =	sadd.s32 $0x9000, s7;
	s16 =	simm.s32 $0xA;
	[dreg:$0x9] =	wrdreg s20  }
0x12: {  	s1 =	sadd.s32 s1, s5;
	s5 =	sadd.s32 s6, s5;
	[dreg:$0xa] =	wrdreg s21  }
0x13: {  	[dreg:$0xb] =	wrdreg s22;
	s0 =	simm.s32 $0x10000;
	s1 =	sadd.s32 $0x16E00, s1  }
0x14: {  	s6 =	simm.s32 $0x12000;
	s17 =	sadd.s32 $0xA2E00, s5;
	[dreg:$0x3] =	wrdreg s1  }
0x15: {  	s18 =	simm.s32 $0xB;
	s23 =	sadd.s32 $0xA3200, s5;
	[dreg:$0x5] =	wrdreg s17  }
0x16: {  	s19 =	simm.s32 $0xC;
	s24 =	sadd.s32 $0xA3600, s5;
	[dreg:$0xc] =	wrdreg s23  }
0x17: {  	s20 =	simm.s32 $0x0;
	s25 =	sadd.s32 $0xA3A00, s5;
	[dreg:$0xd] =	wrdreg s24  }
0x18: {  	s26 =	sadd.s32 $0xA3E00, s5;
	s5 =	simm.s32 $0x3;
	[dreg:$0xe] =	wrdreg s25  }
0x19: {  	s17 =	sadd.s32 $0x8000, s7;
	[dreg:$0xf] =	wrdreg s26;
	s25 =	simm.s32 $0x5000  }
0x1a: {  	v0 =	vimm.f32 $0.0e+00;
	s26 =	simm.s32 $0x80;
	s1 =	simm.s32 $0x14000;
	s23 =	simm.s32 $0x7  }
.LBB2_1:
0x1b: {  	s21 =	rddreg [dreg:$0x3]  }
0x1c: {  	[tilespmem:s3], [sflag:$0x1] =	stream.linear.gather [hbm4b:s21+s3], $0x5000, $0x38;
	[tilespmem:$0x1F000] =	vst v63  }
0x1d: {  	s24 =	rddreg [dreg:$0x4]  }
0x1e: {  	[tilespmem:s25], [sflag:$0x2] =	stream.linear.gather [hbm4b:s24+s3], $0x5000, $0x38;
	[tilespmem:$0x1F000] =	vst v63  }
0x1f: {  	s25 =	sand.u32 $0x3F00, s3  }
0x20: {  	s22 =	sand.u32 $0x30, s3;
	s24 =	sshrl.u32 s25, $0x2  }
0x21: {  	s21 =	simm.s32 $0x40;
	s24 =	sor.u32 s22, s24;
	s22 =	simm.s32 $0x0  }
.LBB2_2:
0x22: {  	p0 =	sne.s32 s21, $0x3FC0  }
0x23: {  	[tilespmem:s24+$0x14000] =	vst v0;
	s22 =	sadd.s32 $0x10, s22;
	s24 =	smov.u32 s21;
	s21 =	sadd.s32 $0x40, s21  }
.Ltmp0:
0x24: {  	(pc) =	sbr.rel @p0 .LBB2_2-.Ltmp0, $4  }
0x25: {  	_ = 	snop  }
0x26: {  	s24 =	sand.u32 $0x3F00, s24  }
0x27: {  	s25 =	sand.u32 $0x30, s22;
	s24 =	sshrl.u32 s24, $0x2  }
0x28: {  	s24 =	sor.u32 s25, s24  }
0x29: {  	[tilespmem:s24+$0x14000] =	vst v0;
	s21 =	simm.s32 $0x1  }
0x2a: {  	_ =	swait.ge [sflag:s21], $0x5000  }
0x2b: {  	[sflag:s21] =	ssyncset.done $0x0  }
0x2c: {  	s24 =	simm.s32 $0x2;
	[sflag:s21] =	ssyncadd.s32 $0xFFFFB000  }
0x2d: {  	_ =	swait.ge [sflag:s24], $0x5000  }
0x2e: {  	[sflag:s24] =	ssyncset.done $0x0  }
0x2f: {  	s25 =	simm.s32 $0x0;
	[sflag:s24] =	ssyncadd.s32 $0xFFFFB000  }
0x30: {  	[tilespmem:s28], [sflag:$0x3] =	stream.indirect.gather [hbm4b:s4+s26], $0x40, s25, s26, $0xb8;
	[tilespmem:$0x1F000] =	vst v63  }
0x31: {  	_ = 	snop  }
0x32: {  	[tilespmem:s29], [sflag:$0x4] =	stream.indirect.gather [hbm4b:s4+s26], $0x40, s26, s26, $0xb8;
	[tilespmem:$0x1F000] =	vst v63  }
0x33: {  	s22 =	simm.s32 $0x100  }
0x34: {  	[tilespmem:s31], [sflag:$0x5] =	stream.indirect.gather [hbm4b:s4+s26], $0x40, s22, s26, $0xb8;
	[tilespmem:$0x1F000] =	vst v63  }
0x35: {  	_ = 	snop  }
0x36: {  	[spmem:s7] =	stream.linear.scatter [tilespmem:s1], [sflag:$0xD], $0x1000, $0x38;
	[tilespmem:$0x1F000] =	vst v63  }
0x37: {  	_ =	swait.ge [sflag:s30], $0x1000  }
0x38: {  	[sflag:s30] =	ssyncset.done $0x0  }
0x39: {  	s24 =	rddreg [dreg:$0x7];
	[sflag:s30] =	ssyncadd.s32 $0xFFFFF000  }
0x3a: {  	[spmem:s24] =	stream.linear.scatter [tilespmem:s1], [sflag:$0xD], $0x1000, $0x38;
	[tilespmem:$0x1F000] =	vst v63  }
0x3b: {  	_ =	swait.ge [sflag:s30], $0x1000  }
0x3c: {  	[sflag:s30] =	ssyncset.done $0x0  }
0x3d: {  	[sflag:s30] =	ssyncadd.s32 $0xFFFFF000  }
0x3e: {  	[spmem:s11] =	stream.linear.scatter [tilespmem:s1], [sflag:$0xD], $0x1000, $0x38;
	[tilespmem:$0x1F000] =	vst v63  }
0x3f: {  	_ =	swait.ge [sflag:s30], $0x1000  }
0x40: {  	[sflag:s30] =	ssyncset.done $0x0  }
0x41: {  	s25 =	rddreg [dreg:$0x8];
	[sflag:s30] =	ssyncadd.s32 $0xFFFFF000  }
0x42: {  	[spmem:s25] =	stream.linear.scatter [tilespmem:s1], [sflag:$0xD], $0x1000, $0x38;
	[tilespmem:$0x1F000] =	vst v63  }
0x43: {  	_ =	swait.ge [sflag:s30], $0x1000  }
0x44: {  	[sflag:s30] =	ssyncset.done $0x0  }
0x45: {  	[sflag:s30] =	ssyncadd.s32 $0xFFFFF000  }
0x46: {  	[spmem:s13] =	stream.linear.scatter [tilespmem:s1], [sflag:$0xD], $0x1000, $0x38;
	[tilespmem:$0x1F000] =	vst v63  }
0x47: {  	_ =	swait.ge [sflag:s30], $0x1000  }
0x48: {  	[sflag:s30] =	ssyncset.done $0x0  }
0x49: {  	s22 =	rddreg [dreg:$0x9];
	[sflag:s30] =	ssyncadd.s32 $0xFFFFF000  }
0x4a: {  	[spmem:s22] =	stream.linear.scatter [tilespmem:s1], [sflag:$0xD], $0x1000, $0x38;
	[tilespmem:$0x1F000] =	vst v63  }
0x4b: {  	_ =	swait.ge [sflag:s30], $0x1000  }
0x4c: {  	[sflag:s30] =	ssyncset.done $0x0  }
0x4d: {  	[sflag:s30] =	ssyncadd.s32 $0xFFFFF000  }
0x4e: {  	[spmem:s15] =	stream.linear.scatter [tilespmem:s1], [sflag:$0xD], $0x1000, $0x38;
	[tilespmem:$0x1F000] =	vst v63  }
0x4f: {  	_ =	swait.ge [sflag:s30], $0x1000  }
0x50: {  	[sflag:s30] =	ssyncset.done $0x0  }
0x51: {  	s24 =	rddreg [dreg:$0xa];
	[sflag:s30] =	ssyncadd.s32 $0xFFFFF000  }
0x52: {  	[spmem:s24] =	stream.linear.scatter [tilespmem:s1], [sflag:$0xD], $0x1000, $0x38;
	[tilespmem:$0x1F000] =	vst v63  }
0x53: {  	_ =	swait.ge [sflag:s30], $0x1000  }
0x54: {  	[sflag:s30] =	ssyncset.done $0x0  }
0x55: {  	[sflag:s30] =	ssyncadd.s32 $0xFFFFF000  }
0x56: {  	[spmem:s17] =	stream.linear.scatter [tilespmem:s1], [sflag:$0xD], $0x1000, $0x38;
	[tilespmem:$0x1F000] =	vst v63  }
0x57: {  	_ =	swait.ge [sflag:s30], $0x1000  }
0x58: {  	[sflag:s30] =	ssyncset.done $0x0  }
0x59: {  	s25 =	rddreg [dreg:$0xb];
	[sflag:s30] =	ssyncadd.s32 $0xFFFFF000  }
0x5a: {  	[spmem:s25] =	stream.linear.scatter [tilespmem:s1], [sflag:$0xD], $0x1000, $0x38;
	[tilespmem:$0x1F000] =	vst v63  }
0x5b: {  	_ =	swait.ge [sflag:s30], $0x1000  }
0x5c: {  	[sflag:s30] =	ssyncset.done $0x0  }
0x5d: {  	[sflag:s30] =	ssyncadd.s32 $0xFFFFF000  }
0x5e: {  	s22 =	simm.s32 $0x180;
	[bflag:$0x0] =	sbarrier.arrive $0xFFFF  }
0x5f: {  	[tilespmem:s0], [sflag:$0x6] =	stream.indirect.gather [hbm4b:s4+s26], $0x40, s22, s26, $0xb8;
	[tilespmem:$0x1F000] =	vst v63  }
0x60: {  	_ =	swait.ge [sflag:s5], $0x2000  }
0x61: {  	[sflag:s5] =	ssyncset.done $0x0  }
0x62: {  	s25 =	simm.s32 $0x5000;
	[sflag:s5] =	ssyncadd.s32 $0xFFFFE000  }
0x63: {  	[spmem:s2] =	stream.indirect.scatter.add.f32 [tilespmem:s28], [sflag:$0x8], $0x40, s25, s26, $0xb8;
	[tilespmem:$0x1F000] =	vst v63  }
0x64: {  	s24 =	simm.s32 $0x200  }
0x65: {  	[tilespmem:s6], [sflag:$0x7] =	stream.indirect.gather [hbm4b:s4+s26], $0x40, s24, s26, $0xb8;
	[tilespmem:$0x1F000] =	vst v63  }
0x66: {  	_ =	swait.ge [sflag:s8], $0x2000  }
0x67: {  	[sflag:s8] =	ssyncset.done $0x0  }
0x68: {  	s22 =	simm.s32 $0x5080;
	[sflag:s8] =	ssyncadd.s32 $0xFFFFE000  }
0x69: {  	[spmem:s2] =	stream.indirect.scatter.add.f32 [tilespmem:s29], [sflag:$0x9], $0x40, s22, s26, $0xb8;
	[tilespmem:$0x1F000] =	vst v63  }
0x6a: {  	_ =	swait.ge [sflag:s9], $0x2000  }
0x6b: {  	[sflag:s9] =	ssyncset.done $0x0  }
0x6c: {  	s24 =	simm.s32 $0x280;
	[sflag:s9] =	ssyncadd.s32 $0xFFFFE000  }
0x6d: {  	[tilespmem:s28], [sflag:$0x3] =	stream.indirect.gather [hbm4b:s4+s26], $0x40, s24, s26, $0xb8;
	[tilespmem:$0x1F000] =	vst v63  }
0x6e: {  	_ =	swait.ge [sflag:s10], $0x2000  }
0x6f: {  	[sflag:s10] =	ssyncset.done $0x0  }
0x70: {  	s22 =	simm.s32 $0x5100;
	[sflag:s10] =	ssyncadd.s32 $0xFFFFE000  }
0x71: {  	[spmem:s2] =	stream.indirect.scatter.add.f32 [tilespmem:s31], [sflag:$0xA], $0x40, s22, s26, $0xb8;
	[tilespmem:$0x1F000] =	vst v63  }
0x72: {  	_ =	swait.ge [sflag:s12], $0x2000  }
0x73: {  	[sflag:s12] =	ssyncset.done $0x0  }
0x74: {  	s24 =	simm.s32 $0x300;
	[sflag:s12] =	ssyncadd.s32 $0xFFFFE000  }
0x75: {  	[tilespmem:s29], [sflag:$0x4] =	stream.indirect.gather [hbm4b:s4+s26], $0x40, s24, s26, $0xb8;
	[tilespmem:$0x1F000] =	vst v63  }
0x76: {  	_ =	swait.ge [sflag:s14], $0x2000  }
0x77: {  	[sflag:s14] =	ssyncset.done $0x0  }
0x78: {  	s22 =	simm.s32 $0x5180;
	[sflag:s14] =	ssyncadd.s32 $0xFFFFE000  }
0x79: {  	[spmem:s2] =	stream.indirect.scatter.add.f32 [tilespmem:s0], [sflag:$0xB], $0x40, s22, s26, $0xb8;
	[tilespmem:$0x1F000] =	vst v63  }
0x7a: {  	_ =	swait.ge [sflag:s16], $0x2000  }
0x7b: {  	[sflag:s16] =	ssyncset.done $0x0  }
0x7c: {  	s24 =	simm.s32 $0x380;
	[sflag:s16] =	ssyncadd.s32 $0xFFFFE000  }
0x7d: {  	[tilespmem:s31], [sflag:$0x5] =	stream.indirect.gather [hbm4b:s4+s26], $0x40, s24, s26, $0xb8;
	[tilespmem:$0x1F000] =	vst v63  }
0x7e: {  	_ =	swait.ge [sflag:s23], $0x2000  }
0x7f: {  	[sflag:s23] =	ssyncset.done $0x0  }
0x80: {  	s22 =	simm.s32 $0x5200;
	[sflag:s23] =	ssyncadd.s32 $0xFFFFE000  }
0x81: {  	[spmem:s2] =	stream.indirect.scatter.add.f32 [tilespmem:s6], [sflag:$0xC], $0x40, s22, s26, $0xb8;
	[tilespmem:$0x1F000] =	vst v63  }
0x82: {  	_ =	swait.ge [sflag:s18], $0x2000  }
0x83: {  	[sflag:s18] =	ssyncset.done $0x0  }
0x84: {  	s24 =	simm.s32 $0x400;
	[sflag:s18] =	ssyncadd.s32 $0xFFFFE000  }
0x85: {  	[tilespmem:s0], [sflag:$0x6] =	stream.indirect.gather [hbm4b:s4+s26], $0x40, s24, s26, $0xb8;
	[tilespmem:$0x1F000] =	vst v63  }
0x86: {  	_ =	swait.ge [sflag:s5], $0x2000  }
0x87: {  	[sflag:s5] =	ssyncset.done $0x0  }
0x88: {  	s22 =	simm.s32 $0x5280;
	[sflag:s5] =	ssyncadd.s32 $0xFFFFE000  }
0x89: {  	[spmem:s2] =	stream.indirect.scatter.add.f32 [tilespmem:s28], [sflag:$0x8], $0x40, s22, s26, $0xb8;
	[tilespmem:$0x1F000] =	vst v63  }
0x8a: {  	_ =	swait.ge [sflag:s19], $0x2000  }
0x8b: {  	[sflag:s19] =	ssyncset.done $0x0  }
0x8c: {  	s24 =	simm.s32 $0x480;
	[sflag:s19] =	ssyncadd.s32 $0xFFFFE000  }
0x8d: {  	[tilespmem:s6], [sflag:$0x7] =	stream.indirect.gather [hbm4b:s4+s26], $0x40, s24, s26, $0xb8;
	[tilespmem:$0x1F000] =	vst v63  }
0x8e: {  	_ =	swait.ge [sflag:s8], $0x2000  }
0x8f: {  	[sflag:s8] =	ssyncset.done $0x0  }
0x90: {  	s22 =	simm.s32 $0x5300;
	[sflag:s8] =	ssyncadd.s32 $0xFFFFE000  }
0x91: {  	[spmem:s2] =	stream.indirect.scatter.add.f32 [tilespmem:s29], [sflag:$0x9], $0x40, s22, s26, $0xb8;
	[tilespmem:$0x1F000] =	vst v63  }
0x92: {  	_ =	swait.ge [sflag:s9], $0x2000  }
0x93: {  	[sflag:s9] =	ssyncset.done $0x0  }
0x94: {  	s24 =	simm.s32 $0x500;
	[sflag:s9] =	ssyncadd.s32 $0xFFFFE000  }
0x95: {  	[tilespmem:s28], [sflag:$0x3] =	stream.indirect.gather [hbm4b:s4+s26], $0x40, s24, s26, $0xb8;
	[tilespmem:$0x1F000] =	vst v63  }
0x96: {  	_ =	swait.ge [sflag:s10], $0x2000  }
0x97: {  	[sflag:s10] =	ssyncset.done $0x0  }
0x98: {  	s22 =	simm.s32 $0x5380;
	[sflag:s10] =	ssyncadd.s32 $0xFFFFE000  }
0x99: {  	[spmem:s2] =	stream.indirect.scatter.add.f32 [tilespmem:s31], [sflag:$0xA], $0x40, s22, s26, $0xb8;
	[tilespmem:$0x1F000] =	vst v63  }
0x9a: {  	_ =	swait.ge [sflag:s12], $0x2000  }
0x9b: {  	[sflag:s12] =	ssyncset.done $0x0  }
0x9c: {  	s24 =	simm.s32 $0x580;
	[sflag:s12] =	ssyncadd.s32 $0xFFFFE000  }
0x9d: {  	[tilespmem:s29], [sflag:$0x4] =	stream.indirect.gather [hbm4b:s4+s26], $0x40, s24, s26, $0xb8;
	[tilespmem:$0x1F000] =	vst v63  }
0x9e: {  	_ =	swait.ge [sflag:s14], $0x2000  }
0x9f: {  	[sflag:s14] =	ssyncset.done $0x0  }
0xa0: {  	s22 =	simm.s32 $0x5400;
	[sflag:s14] =	ssyncadd.s32 $0xFFFFE000  }
0xa1: {  	[spmem:s2] =	stream.indirect.scatter.add.f32 [tilespmem:s0], [sflag:$0xB], $0x40, s22, s26, $0xb8;
	[tilespmem:$0x1F000] =	vst v63  }
0xa2: {  	_ =	swait.ge [sflag:s16], $0x2000  }
0xa3: {  	[sflag:s16] =	ssyncset.done $0x0  }
0xa4: {  	s24 =	simm.s32 $0x600;
	[sflag:s16] =	ssyncadd.s32 $0xFFFFE000  }
0xa5: {  	[tilespmem:s31], [sflag:$0x5] =	stream.indirect.gather [hbm4b:s4+s26], $0x40, s24, s26, $0xb8;
	[tilespmem:$0x1F000] =	vst v63  }
0xa6: {  	_ =	swait.ge [sflag:s23], $0x2000  }
0xa7: {  	[sflag:s23] =	ssyncset.done $0x0  }
0xa8: {  	s21 =	simm.s32 $0xA00;
	s22 =	simm.s32 $0x5480;
	[sflag:s23] =	ssyncadd.s32 $0xFFFFE000  }
.LBB2_4:
0xa9: {  	[spmem:s2] =	stream.indirect.scatter.add.f32 [tilespmem:s6], [sflag:$0xC], $0x40, s22, s26, $0xb8;
	[tilespmem:$0x1F000] =	vst v63  }
0xaa: {  	s22 =	smov.u32 s21;
	s21 =	sadd.s32 $0xA00, s21;
	_ =	swait.ge [sflag:s18], $0x2000  }
0xab: {  	s22 =	sshra.s32 s22, $0x2;
	p0 =	sne.s32 s21, $0x12C00;
	[sflag:s18] =	ssyncset.done $0x0  }
0xac: {  	s24 =	sadd.s32 $0x400, s22;
	[sflag:s18] =	ssyncadd.s32 $0xFFFFE000  }
0xad: {  	[tilespmem:s0], [sflag:$0x6] =	stream.indirect.gather [hbm4b:s4+s26], $0x40, s24, s26, $0xb8;
	[tilespmem:$0x1F000] =	vst v63  }
0xae: {  	_ =	swait.ge [sflag:s5], $0x2000  }
0xaf: {  	[sflag:s5] =	ssyncset.done $0x0  }
0xb0: {  	s24 =	sadd.s32 $0x5280, s22;
	[sflag:s5] =	ssyncadd.s32 $0xFFFFE000  }
0xb1: {  	[spmem:s2] =	stream.indirect.scatter.add.f32 [tilespmem:s28], [sflag:$0x8], $0x40, s24, s26, $0xb8;
	[tilespmem:$0x1F000] =	vst v63  }
0xb2: {  	_ =	swait.ge [sflag:s19], $0x2000  }
0xb3: {  	[sflag:s19] =	ssyncset.done $0x0  }
0xb4: {  	s24 =	sadd.s32 $0x480, s22;
	[sflag:s19] =	ssyncadd.s32 $0xFFFFE000  }
0xb5: {  	[tilespmem:s6], [sflag:$0x7] =	stream.indirect.gather [hbm4b:s4+s26], $0x40, s24, s26, $0xb8;
	[tilespmem:$0x1F000] =	vst v63  }
0xb6: {  	_ =	swait.ge [sflag:s8], $0x2000  }
0xb7: {  	[sflag:s8] =	ssyncset.done $0x0  }
0xb8: {  	s24 =	sadd.s32 $0x5300, s22;
	[sflag:s8] =	ssyncadd.s32 $0xFFFFE000  }
0xb9: {  	[spmem:s2] =	stream.indirect.scatter.add.f32 [tilespmem:s29], [sflag:$0x9], $0x40, s24, s26, $0xb8;
	[tilespmem:$0x1F000] =	vst v63  }
0xba: {  	_ =	swait.ge [sflag:s9], $0x2000  }
0xbb: {  	[sflag:s9] =	ssyncset.done $0x0  }
0xbc: {  	s24 =	sadd.s32 $0x500, s22;
	[sflag:s9] =	ssyncadd.s32 $0xFFFFE000  }
0xbd: {  	[tilespmem:s28], [sflag:$0x3] =	stream.indirect.gather [hbm4b:s4+s26], $0x40, s24, s26, $0xb8;
	[tilespmem:$0x1F000] =	vst v63  }
0xbe: {  	_ =	swait.ge [sflag:s10], $0x2000  }
0xbf: {  	[sflag:s10] =	ssyncset.done $0x0  }
0xc0: {  	s24 =	sadd.s32 $0x5380, s22;
	[sflag:s10] =	ssyncadd.s32 $0xFFFFE000  }
0xc1: {  	[spmem:s2] =	stream.indirect.scatter.add.f32 [tilespmem:s31], [sflag:$0xA], $0x40, s24, s26, $0xb8;
	[tilespmem:$0x1F000] =	vst v63  }
0xc2: {  	_ =	swait.ge [sflag:s12], $0x2000  }
0xc3: {  	[sflag:s12] =	ssyncset.done $0x0  }
0xc4: {  	s24 =	sadd.s32 $0x580, s22;
	[sflag:s12] =	ssyncadd.s32 $0xFFFFE000  }
0xc5: {  	[tilespmem:s29], [sflag:$0x4] =	stream.indirect.gather [hbm4b:s4+s26], $0x40, s24, s26, $0xb8;
	[tilespmem:$0x1F000] =	vst v63  }
0xc6: {  	_ =	swait.ge [sflag:s14], $0x2000  }
0xc7: {  	[sflag:s14] =	ssyncset.done $0x0  }
0xc8: {  	s24 =	sadd.s32 $0x5400, s22;
	[sflag:s14] =	ssyncadd.s32 $0xFFFFE000  }
0xc9: {  	[spmem:s2] =	stream.indirect.scatter.add.f32 [tilespmem:s0], [sflag:$0xB], $0x40, s24, s26, $0xb8;
	[tilespmem:$0x1F000] =	vst v63  }
0xca: {  	_ =	swait.ge [sflag:s16], $0x2000  }
0xcb: {  	[sflag:s16] =	ssyncset.done $0x0  }
.Ltmp1:
0xcc: {  	s24 =	sadd.s32 $0x600, s22;
	[sflag:s16] =	ssyncadd.s32 $0xFFFFE000;
	(pc) =	sbr.rel @p0 .LBB2_4-.Ltmp1, $4  }
0xcd: {  	[tilespmem:s31], [sflag:$0x5] =	stream.indirect.gather [hbm4b:s4+s26], $0x40, s24, s26, $0xb8;
	[tilespmem:$0x1F000] =	vst v63  }
0xce: {  	_ =	swait.ge [sflag:s23], $0x2000  }
0xcf: {  	[sflag:s23] =	ssyncset.done $0x0  }
0xd0: {  	s22 =	sadd.s32 $0x5480, s22;
	[sflag:s23] =	ssyncadd.s32 $0xFFFFE000  }
0xd1: {  	[spmem:s2] =	stream.indirect.scatter.add.f32 [tilespmem:s6], [sflag:$0xC], $0x40, s22, s26, $0xb8;
	[tilespmem:$0x1F000] =	vst v63  }
0xd2: {  	_ =	swait.ge [sflag:s18], $0x2000  }
0xd3: {  	s21 =	sshra.s32 s21, $0x2;
	[sflag:s18] =	ssyncset.done $0x0  }
0xd4: {  	s24 =	sadd.s32 $0x400, s21;
	[sflag:s18] =	ssyncadd.s32 $0xFFFFE000  }
0xd5: {  	[tilespmem:s0], [sflag:$0x6] =	stream.indirect.gather [hbm4b:s4+s26], $0x40, s24, s26, $0xb8;
	[tilespmem:$0x1F000] =	vst v63  }
0xd6: {  	_ =	swait.ge [sflag:s5], $0x2000  }
0xd7: {  	[sflag:s5] =	ssyncset.done $0x0  }
0xd8: {  	s24 =	sadd.s32 $0x5280, s21;
	[sflag:s5] =	ssyncadd.s32 $0xFFFFE000  }
0xd9: {  	[spmem:s2] =	stream.indirect.scatter.add.f32 [tilespmem:s28], [sflag:$0x8], $0x40, s24, s26, $0xb8;
	[tilespmem:$0x1F000] =	vst v63  }
0xda: {  	_ =	swait.ge [sflag:s19], $0x2000  }
0xdb: {  	[sflag:s19] =	ssyncset.done $0x0  }
0xdc: {  	s24 =	simm.s32 $0x4F80;
	[sflag:s19] =	ssyncadd.s32 $0xFFFFE000  }
0xdd: {  	[tilespmem:s6], [sflag:$0x7] =	stream.indirect.gather [hbm4b:s4+s26], $0x40, s24, s26, $0xb8;
	[tilespmem:$0x1F000] =	vst v63  }
0xde: {  	_ =	swait.ge [sflag:s8], $0x2000  }
0xdf: {  	[sflag:s8] =	ssyncset.done $0x0  }
0xe0: {  	s24 =	sadd.s32 $0x5300, s21;
	[sflag:s8] =	ssyncadd.s32 $0xFFFFE000  }
0xe1: {  	[spmem:s2] =	stream.indirect.scatter.add.f32 [tilespmem:s29], [sflag:$0x9], $0x40, s24, s26, $0xb8;
	[tilespmem:$0x1F000] =	vst v63  }
0xe2: {  	_ =	swait.ge [sflag:s9], $0x2000  }
0xe3: {  	[sflag:s9] =	ssyncset.done $0x0  }
0xe4: {  	[sflag:s9] =	ssyncadd.s32 $0xFFFFE000  }
0xe5: {  	_ =	swait.ge [sflag:s10], $0x2000  }
0xe6: {  	[sflag:s10] =	ssyncset.done $0x0  }
0xe7: {  	s24 =	sadd.s32 $0x5380, s21;
	[sflag:s10] =	ssyncadd.s32 $0xFFFFE000  }
0xe8: {  	[spmem:s2] =	stream.indirect.scatter.add.f32 [tilespmem:s31], [sflag:$0xA], $0x40, s24, s26, $0xb8;
	[tilespmem:$0x1F000] =	vst v63  }
0xe9: {  	_ =	swait.ge [sflag:s12], $0x2000  }
0xea: {  	[sflag:s12] =	ssyncset.done $0x0  }
0xeb: {  	[sflag:s12] =	ssyncadd.s32 $0xFFFFE000  }
0xec: {  	_ =	swait.ge [sflag:s14], $0x2000  }
0xed: {  	[sflag:s14] =	ssyncset.done $0x0  }
0xee: {  	s21 =	sadd.s32 $0x5400, s21;
	[sflag:s14] =	ssyncadd.s32 $0xFFFFE000  }
0xef: {  	[spmem:s2] =	stream.indirect.scatter.add.f32 [tilespmem:s0], [sflag:$0xB], $0x40, s21, s26, $0xb8;
	[tilespmem:$0x1F000] =	vst v63  }
0xf0: {  	_ =	swait.ge [sflag:s16], $0x2000  }
0xf1: {  	[sflag:s16] =	ssyncset.done $0x0  }
0xf2: {  	[sflag:s16] =	ssyncadd.s32 $0xFFFFE000  }
0xf3: {  	_ =	swait.ge [sflag:s23], $0x2000  }
0xf4: {  	[sflag:s23] =	ssyncset.done $0x0  }
0xf5: {  	s24 =	simm.s32 $0x9F80;
	[sflag:s23] =	ssyncadd.s32 $0xFFFFE000  }
0xf6: {  	[spmem:s2] =	stream.indirect.scatter.add.f32 [tilespmem:s6], [sflag:$0xC], $0x40, s24, s26, $0xb8;
	[tilespmem:$0x1F000] =	vst v63  }
0xf7: {  	_ =	swait.ge [sflag:s18], $0x2000  }
0xf8: {  	[sflag:s18] =	ssyncset.done $0x0  }
0xf9: {  	[sflag:s18] =	ssyncadd.s32 $0xFFFFE000  }
0xfa: {  	_ =	swait.ge [sflag:s19], $0x2000  }
0xfb: {  	[sflag:s19] =	ssyncset.done $0x0  }
0xfc: {  	s22 =	stileid.u32;
	[sflag:s19] =	ssyncadd.s32 $0xFFFFE000  }
0xfd: {  	s21 =	sshll.u32 s22, $0x6;
	[bflag:$0x0] =	sbarrier.arrive $0xFFFF  }
0xfe: {  	s22 =	sshrl.u32 s7, $0x3;
	s21 =	sor.u32 $0x1C0D, s21;
	s24 =	rddreg [dreg:$0x5]  }
0xff: {  	[hbm:s24], [sflag:s21] =	dma.local [spmem:s22], $0x400  }
0x100: {  	_ =	swait.ge [sflag:s30], $0x400  }
0x101: {  	[sflag:s30] =	ssyncset.done $0x0  }
0x102: {  	s22 =	sshrl.u32 s11, $0x3;
	s24 =	rddreg [dreg:$0xc];
	[sflag:s30] =	ssyncadd.s32 $0xFFFFFC00  }
0x103: {  	[hbm:s24], [sflag:s21] =	dma.local [spmem:s22], $0x400  }
0x104: {  	_ =	swait.ge [sflag:s30], $0x400  }
0x105: {  	[sflag:s30] =	ssyncset.done $0x0  }
0x106: {  	s22 =	sshrl.u32 s13, $0x3;
	s24 =	rddreg [dreg:$0xd];
	[sflag:s30] =	ssyncadd.s32 $0xFFFFFC00  }
0x107: {  	[hbm:s24], [sflag:s21] =	dma.local [spmem:s22], $0x400  }
0x108: {  	_ =	swait.ge [sflag:s30], $0x400  }
0x109: {  	[sflag:s30] =	ssyncset.done $0x0  }
0x10a: {  	s22 =	sshrl.u32 s15, $0x3;
	s24 =	rddreg [dreg:$0xe];
	[sflag:s30] =	ssyncadd.s32 $0xFFFFFC00  }
0x10b: {  	[hbm:s24], [sflag:s21] =	dma.local [spmem:s22], $0x400  }
0x10c: {  	_ =	swait.ge [sflag:s30], $0x400  }
0x10d: {  	[sflag:s30] =	ssyncset.done $0x0  }
0x10e: {  	s22 =	sshrl.u32 s17, $0x3;
	s24 =	rddreg [dreg:$0xf];
	[sflag:s30] =	ssyncadd.s32 $0xFFFFFC00  }
0x10f: {  	[hbm:s24], [sflag:s21] =	dma.local [spmem:s22], $0x400  }
0x110: {  	_ =	swait.ge [sflag:s30], $0x400  }
0x111: {  	s20 =	sadd.s32 $0x1, s20;
	s24 =	rddreg [dreg:$0x6]  }
0x112: {  	p0 =	sne.s32 s20, s24  }
.Ltmp2:
0x113: {  	_ = 	snop;
	(pc) =	sbr.rel @p0 .LBB2_1-.Ltmp2, $3  }
0x114: {  	_ =	sdelay $0x1  }
0x115: {  	[sflag:s30] =	ssyncset.done $0x0  }
0x116: {  	[sflag:s30] =	ssyncadd.s32 $0xFFFFFC00  }
0x117: {  	_ =	sfence.sel $0x180000  }
0x118: {  	[bflag:$0x0] =	sbarrier.arrive $0xFFFF  }
0x119: {  	_ =	strace $0x9000004D  }
0x11a: {  	s0 =	stileid.u32;
	[bflag:$0x2] =	sbarrier.arrive $0xFFFF  }
0x11b: {  	p0 =	sne.s32 s0, $0x0;
	s0 =	rddreg [dreg:$0x2]  }
0x11c: {  	s0 =	sadd.s32 @!p0 $0x100000, s0  }
0x11d: {  	[sflag:s0] =	ssyncadd.tile.s32 @!p0 $0x1;
	_ =	shalt  }
.Lfunc_end2:
_tile_overlayer_lowered:
.L_overlay_start_2:
0x11e: {  	(tag) =	ssettag $0x2  }
0x11f: {  	s0 =	rddreg [dreg:$0x0];
	s2 =	stileid.u32  }
0x120: {  	s1 =	rddreg [dreg:$0x1];
	p0 =	sne.s32 s2, $0x0  }
0x121: {  	s3 =	rddreg [dreg:$0x2];
	[bflag:$0x3] =	sbarrier.arrive $0xFFFF;
	s2 =	simm.s32 @!p0 $0x1C0D  }
0x122: {  	[timem:s3], [sflag:s2] =	dma.local @!p0 [hbm:s0], s1  }
0x123: {  	s0 =	simm.s32 @!p0 $0xD  }
0x124: {  	_ =	swait.ge @!p0 [sflag:s0], s1  }
0x125: {  	s1 =	ssub.s32 @!p0 $0x0, s1;
	[sflag:s0] =	ssyncset.done @!p0 $0x0  }
0x126: {  	[sflag:s0] =	ssyncadd.s32 @!p0 s1  }
0x127: {  	[bflag:$0x3] =	sbarrier.arrive $0xFFFF  }
0x128: {  	_ =	shalt  }

// kernel: kernel.19.cloned.1.call-start
scs
__scs_entry_jumppad:
0x0: {  	(pc) =	sbr.rel $0x88, $3  }
0x1: {  	(tag) =	ssettag $0x0;
	lr =	simm.s32 $0x1  }
0x2: {  	[smem:$0x3F98] =	sst lr;
	_ =	strace $0xD0000000  }
0x3: {  	_ = 	snop  }
0x4: {  	_ = 	snop  }
0x5: {  	_ = 	snop  }
0x6: {  	_ = 	snop  }
0x7: {  	_ = 	snop  }
__scs_overlays_trampoline_lowered:
0x8: {  	[smem:$0x3FA7] =	sst s0  }
0x9: {  	[smem:$0x3FA8] =	sst s1  }
0xa: {  	[smem:$0x3FA9] =	sst s2  }
0xb: {  	[smem:$0x3FAA] =	sst s3  }
0xc: {  	[smem:$0x3FAB] =	sst s4  }
0xd: {  	[smem:$0x3FAC] =	sst s5  }
0xe: {  	[smem:$0x3FAD] =	sst s6  }
0xf: {  	[smem:$0x3FAE] =	sst s7  }
0x10: {  	[smem:$0x3FAF] =	sst s8  }
0x11: {  	[smem:$0x3FB0] =	sst s9;
	s0 =	simm.s32 @!p0 $0x0  }
0x12: {  	s1 =	sld [smem:$0x3F96];
	s0 =	simm.s32 @p0 $0x1  }
0x13: {  	[smem:$0x3FB1] =	sst s0;
	s0 =	simm.s32 @!p1 $0x0  }
0x14: {  	s2 =	sld [smem:$0x3F95];
	s0 =	simm.s32 @p1 $0x1  }
0x15: {  	[smem:$0x3FB2] =	sst s0;
	s0 =	simm.s32 @!p2 $0x0  }
0x16: {  	s3 =	sld [smem:$0x3FDB];
	s0 =	simm.s32 @p2 $0x1  }
0x17: {  	s4 =	simm.s32 $0x1BF5;
	[smem:$0x3FB4] =	sst s0  }
0x18: {  	s0 =	sld [smem:$0x3F97];
	_ =	swait.ge [sflag:s4], $0x0  }
0x19: {  	s7 =	sld [smem:$0x3F98]  }
0x1a: {  	s8 =	sadd.s32 $0xFFFFE003, lr  }
0x1b: {  	s9 =	sadd.s32 $0xFFFFFEF7, lr;
	s5 =	simm.s32 $0xFFFFFFFF;
	p2 =	slt.u32 s8, $0xFFFFF086  }
0x1c: {  	p1 =	slt.u32 s9, $0xF7A;
	s5 =	simm.s32 @!p2 $0x0  }
0x1d: {  	s5 =	simm.s32 @p1 $0x1;
	p0 =	seq.s32 s7, s2  }
0x1e: {  	s7 =	smul.u32 @!p0 $0xF7A, s2;
	p2 =	seq.s32 @!p0 s5, $0x0  }
0x1f: {  	s9 =	smul.u32 $0xF7A, s1;
	s8 =	simm.s32 @!p0 $0x1BF5;
	p2 =	por !p2, p0  }
0x20: {  	[sflag:s8] =	ssyncset.s32 @!p0 $0xFFFFF086;
	s6 =	sadd.s32 @!p0 s3, s7;
	s7 =	simm.s32 @!p0 $0x108  }
0x21: {  	s3 =	sadd.s32 s3, s9;
	s6 =	sadd.s32 @!p0 $0x88, s6;
	s7 =	simm.s32 @p2 $0x1082  }
0x22: {  	[simem:s7], [sflag:s8] =	dma.local @!p0 [hbm:s6], $0xF7A  }
0x23: {  	s9 =	sor.u32 $0xD0000000, s2;
	s6 =	simm.s32 $0x108;
	_ =	swait.ge @!p0 [sflag:s8], $0x0  }
0x24: {  	s3 =	sadd.s32 $0x88, s3;
	s6 =	simm.s32 @!p1 $0x1082;
	[sflag:s4] =	ssyncset.s32 $0xFFFFF086  }
0x25: {  	[simem:s6], [sflag:s4] =	dma.local [hbm:s3], $0xF7A  }
0x26: {  	[smem:$0x3F98] =	sst s1;
	(tag) =	ssettag s2;
	_ =	strace s9  }
0x27: {  	s1 =	sld [smem:$0x3FA8]  }
0x28: {  	s2 =	sld [smem:$0x3FA9]  }
0x29: {  	s4 =	sld [smem:$0x3FAB]  }
0x2a: {  	p0 =	seq.s32 s5, $0x0;
	s5 =	sld [smem:$0x3FAC]  }
0x2b: {  	s6 =	sld [smem:$0x3FAD]  }
0x2c: {  	s7 =	sld [smem:$0x3FAE]  }
0x2d: {  	s3 =	simm.s32 $0x108;
	s8 =	sld [smem:$0x3FAF]  }
0x2e: {  	s3 =	simm.s32 @!p0 $0x1082;
	s9 =	sld [smem:$0x3FB0]  }
0x2f: {  	lr =	sadd.s32 s0, s3;
	s0 =	sld [smem:$0x3FA7]  }
0x30: {  	s3 =	sld [smem:$0x3FAA]  }
0x31: {  	[smem:$0x3FB3] =	sst s10  }
0x32: {  	s10 =	sld [smem:$0x3FB1];
	_ =	sdelay $0x3  }
0x33: {  	p0 =	seq.s32 s10, $0x1;
	s10 =	sld [smem:$0x3FB3];
	_ =	sdelay $0x3  }
0x34: {  	[smem:$0x3FB3] =	sst s10  }
0x35: {  	s10 =	sld [smem:$0x3FB2];
	_ =	sdelay $0x3  }
0x36: {  	p1 =	seq.s32 s10, $0x1;
	s10 =	sld [smem:$0x3FB3];
	_ =	sdelay $0x3  }
0x37: {  	[smem:$0x3FB3] =	sst s10  }
0x38: {  	s10 =	sld [smem:$0x3FB4]  }
0x39: {  	_ = 	snop;
	(pc) =	sbr.ind lr, $3  }
0x3a: {  	_ = 	snop  }
0x3b: {  	_ = 	snop  }
0x3c: {  	p2 =	seq.s32 s10, $0x1;
	s10 =	sld [smem:$0x3FB3]  }
0x3d: {  	_ =	shalt  }
0x3e: {  	_ =	shalt  }
0x3f: {  	_ =	shalt  }
0x40: {  	_ =	shalt  }
0x41: {  	_ =	shalt  }
0x42: {  	_ =	shalt  }
0x43: {  	_ =	shalt  }
0x44: {  	_ =	shalt  }
0x45: {  	_ =	shalt  }
0x46: {  	_ =	shalt  }
0x47: {  	_ =	shalt  }
0x48: {  	_ =	shalt  }
0x49: {  	_ =	shalt  }
0x4a: {  	_ =	shalt  }
0x4b: {  	_ =	shalt  }
0x4c: {  	_ =	shalt  }
0x4d: {  	_ =	shalt  }
0x4e: {  	_ =	shalt  }
0x4f: {  	_ =	shalt  }
0x50: {  	_ =	shalt  }
0x51: {  	_ =	shalt  }
0x52: {  	_ =	shalt  }
0x53: {  	_ =	shalt  }
0x54: {  	_ =	shalt  }
0x55: {  	_ =	shalt  }
0x56: {  	_ =	shalt  }
0x57: {  	_ =	shalt  }
0x58: {  	_ =	shalt  }
0x59: {  	_ =	shalt  }
0x5a: {  	_ =	shalt  }
0x5b: {  	_ =	shalt  }
0x5c: {  	_ =	shalt  }
0x5d: {  	_ =	shalt  }
0x5e: {  	_ =	shalt  }
0x5f: {  	_ =	shalt  }
0x60: {  	_ =	shalt  }
0x61: {  	_ =	shalt  }
0x62: {  	_ =	shalt  }
0x63: {  	_ =	shalt  }
0x64: {  	_ =	shalt  }
0x65: {  	_ =	shalt  }
0x66: {  	_ =	shalt  }
0x67: {  	_ =	shalt  }
0x68: {  	_ =	shalt  }
0x69: {  	_ =	shalt  }
0x6a: {  	_ =	shalt  }
0x6b: {  	_ =	shalt  }
0x6c: {  	_ =	shalt  }
0x6d: {  	_ =	shalt  }
0x6e: {  	_ =	shalt  }
0x6f: {  	_ =	shalt  }
0x70: {  	_ =	shalt  }
0x71: {  	_ =	shalt  }
0x72: {  	_ =	shalt  }
0x73: {  	_ =	shalt  }
0x74: {  	_ =	shalt  }
0x75: {  	_ =	shalt  }
0x76: {  	_ =	shalt  }
0x77: {  	_ =	shalt  }
0x78: {  	_ =	shalt  }
0x79: {  	_ =	shalt  }
0x7a: {  	_ =	shalt  }
0x7b: {  	_ =	shalt  }
0x7c: {  	_ =	shalt  }
0x7d: {  	_ =	shalt  }
0x7e: {  	_ =	shalt  }
0x7f: {  	_ =	shalt  }
0x80: {  	_ =	shalt  }
0x81: {  	_ =	shalt  }
0x82: {  	_ =	shalt  }
0x83: {  	_ =	shalt  }
0x84: {  	_ =	shalt  }
0x85: {  	_ =	shalt  }
0x86: {  	_ =	shalt  }
0x87: {  	_ =	shalt  }
.Lfunc_end0:
.L_simem_size_0:
called_computation.3_lowered:
.L_overlay_start_0:
0x88: {  	s2 =	sld [smem:$0x3FD9]  }
0x89: {  	s3 =	sld [smem:$0x3FFE];
	_ =	sdelay $0x1  }
0x8a: {  	s1 =	srdreg.scid  }
0x8b: {  	s0 =	sand.u32 $0x1, s1  }
0x8c: {  	s16 =	sshll.u32 s0, $0xA;
	s2 =	sadd.s32 s3, s2  }
0x8d: {  	s2 =	sadd.s32 s2, s16  }
0x8e: {  	[smem:$0x3FBF] =	sst s2  }
0x8f: {  	_ = 	snop  }
0x90: {  	(tm) =	ssettm $0x1  }
0x91: {  	s17 =	sld [smem:$0x3FFB];
	_ =	sdelay $0x3  }
0x92: {  	_ =	strace s17  }
0x93: {  	s2 =	sld [smem:$0x3FFC];
	_ =	sdelay $0x3  }
0x94: {  	_ =	strace s2  }
0x95: {  	s2 =	sld [smem:$0x3FFD];
	_ =	sdelay $0x3  }
0x96: {  	_ =	strace s2  }
0x97: {  	_ =	strace $0x8FFFFFFF  }
0x98: {  	s18 =	sld [smem:$0x3FDB];
	_ =	sdelay $0x1  }
0x99: {  	s19 =	simm.s32 $_scs_section_size  }
0x9a: {  	s4 =	simm.s32 $_size__tile_overlayer_lowered;
	s5 =	simm.s32 $_tile_overlayer_lowered  }
0x9b: {  	s22 =	simm.s32 $0x1BFF;
	s21 =	sshll.u32 s5, $0x1;
	s2 =	sadd.s32 s19, s18  }
0x9c: {  	s6 =	simm.s32 $0x0;
	s20 =	sshll.u32 s4, $0x1;
	s4 =	sadd.s32 s21, s2  }
0x9d: {  	[timem:s6], [sflag:s22] =	dma.local [hbm:s4], s20  }
0x9e: {  	_ =	swait.ge [sflag:s22], s20  }
0x9f: {  	s3 =	ssub.s32 $0x0, s20;
	[sflag:s22] =	ssyncset.done $0x0  }
0xa0: {  	[sflag:s22] =	ssyncadd.s32 s3;
	_ =	sdelay $0x1  }
0xa1: {  	s23 =	simm.s32 $0x1B8B  }
0xa2: {  	_ =	swait.ge [sflag:s23], $0x1  }
0xa3: {  	[sflag:s23] =	ssyncset.done $0x0  }
0xa4: {  	s25 =	simm.s32 $0x1B8E;
	s24 =	sld [smem:$0x3FFE];
	[sflag:s23] =	ssyncadd.s32 $0xFFFFFFFF  }
0xa5: {  	s26 =	simm.s32 $execute0_lowered;
	[smem:$0x3FD2] =	sst s25  }
0xa6: {  	s4 =	sshll.u32 s26, $0x1;
	_ =	strace $0x8000004F;
	[dreg:$0x1] =	wrdreg $0xFFFFFFFF  }
0xa7: {  	s28 =	simm.s32 $_size_execute0_lowered;
	s2 =	sadd.s32 s2, s4;
	[dreg:$0x0] =	wrdreg $0x0  }
0xa8: {  	s4 =	sshll.u32 s28, $0x1;
	[dreg:$0x2] =	wrdreg s2  }
0xa9: {  	[dreg:$0x3] =	wrdreg s4  }
0xaa: {  	[dreg:$0x4] =	wrdreg $0xC0  }
0xab: {  	_ =	task [dreg:s6], $0x5FFFF  }
0xac: {  	[dreg:$0x1] =	wrdreg $0xFFFFFFFF  }
0xad: {  	[dreg:$0x0] =	wrdreg $0x60  }
0xae: {  	[dreg:$0x2] =	wrdreg s24  }
0xaf: {  	[dreg:$0x3] =	wrdreg $0x150000  }
0xb0: {  	[dreg:$0x4] =	wrdreg $0x9  }
0xb1: {  	_ =	task.clear_ibuf [dreg:s6], $0x5FFFF;
	_ =	strace $0x9000004F  }
0xb2: {  	s29 =	simm.s32 $0x9;
	_ =	strace $0x80000051  }
0xb3: {  	_ =	swait.ge [sflag:s29], $0x1  }
0xb4: {  	[sflag:s29] =	ssyncadd.s32 $0xFFFFFFFF  }
0xb5: {  	_ =	strace $0x90000051  }
0xb6: {  	_ =	sfence  }
0xb7: {  	s30 =	sld [smem:$0x0];
	_ =	sdelay $0x2  }
0xb8: {  	s31 =	sshll.u32 s1, $0xD;
	s1 =	sshrl.u32 s1, $0x2  }
0xb9: {  	s3 =	sand.u32 $0x4000, s31;
	s1 =	sadd.s32 s1, s30  }
0xba: {  	s0 =	sor.u32 s3, s0;
	s1 =	sshll.u32 s1, $0x11  }
0xbb: {  	s0 =	sor.u32 s1, s0  }
0xbc: {  	s0 =	sadd.s32 $0x8F2B, s0  }
0xbd: {  	[sflag:s0] =	ssyncadd.remote.s32 $0x1  }
0xbe: {  	_ =	sfence.sel $0xFFFF  }
0xbf: {  	[dreg:$0x0] =	wrdreg $0xFFFFFFFF;
	(pc) =	sbr.abs _section_cstart, $3  }
0xc0: {  	[dreg:$0x1] =	wrdreg $0xFFFFFFFF  }
0xc1: {  	_ =	task.clear_ibuf [dreg:s6], $0x2FFFF;
	_ =	strace $0x9FFFFFFF  }
0xc2: {  	(tm) =	ssettm $0x7FFFFFFF  }
0xc3: {  	_ =	shalt  }
tec
execute0_lowered:
.L_overlay_start_1:
0x0: {  	(tag) =	ssettag $0x1  }
0x1: {  	s0 =	srdreg.scid;
	s5 =	rddreg [dreg:$0x0]  }
0x2: {  	s9 =	stileid.u32;
	s2 =	rddreg [dreg:$0x1]  }
0x3: {  	s3 =	simm.s32 $0x0;
	s28 =	simm.s32 $0xA000;
	s29 =	simm.s32 $0xC000  }
0x4: {  	s31 =	simm.s32 $0xE000;
	s30 =	simm.s32 $0xD;
	s7 =	smul.u32 $0x280, s9  }
0x5: {  	s10 =	simm.s32 $0x5;
	s12 =	simm.s32 $0x9;
	s8 =	smul.u32 $0xA00, s9  }
0x6: {  	s0 =	sand.u32 $0x1, s0;
	[smem:$0x7FF] =	sst s3;
	s13 =	smul.u32 $0x28000, s9  }
0x7: {  	s4 =	sadd.s32 $0x7AE00, s5;
	s1 =	sshll.u32 s0, $0x4;
	s6 =	smul.u32 $0x2800, s0  }
0x8: {  	_ =	strace $0x80000050;
	s0 =	ssub.s32 $0x2, s0;
	s1 =	sor.u32 s9, s1  }
0x9: {  	s8 =	sadd.s32 s8, s5;
	s14 =	sshrl.u32 s0, $0x1;
	s15 =	sshrl.u32 s13, $0x2  }
0xa: {  	s9 =	simm.s32 $0x8;
	s1 =	smul.u32 $0xA00, s1;
	s6 =	sadd.s32 s6, s7  }
0xb: {  	s0 =	ssub.s32 s0, s14;
	s16 =	sadd.s32 $0xCE00, s8;
	s7 =	sadd.s32 s15, s2  }
0xc: {  	s8 =	simm.s32 $0x4;
	s14 =	simm.s32 $0x6;
	s6 =	sshll.u32 s6, $0x3  }
0xd: {  	[dreg:$0x4] =	wrdreg s16;
	s0 =	smax.u32 s0, $0x1;
	s18 =	sadd.s32 $0x1000, s7  }
0xe: {  	s11 =	sadd.s32 $0x2000, s7;
	s19 =	sadd.s32 $0x3000, s7;
	[dreg:$0x6] =	wrdreg s0  }
0xf: {  	s13 =	sadd.s32 $0x4000, s7;
	s20 =	sadd.s32 $0x5000, s7;
	[dreg:$0x7] =	wrdreg s18  }
0x10: {  	s15 =	sadd.s32 $0x6000, s7;
	s21 =	sadd.s32 $0x7000, s7;
	[dreg:$0x8] =	wrdreg s19  }
0x11: {  	s22 =	sadd.s32 $0x9000, s7;
	s16 =	simm.s32 $0xA;
	[dreg:$0x9] =	wrdreg s20  }
0x12: {  	s1 =	sadd.s32 s1, s5;
	s5 =	sadd.s32 s6, s5;
	[dreg:$0xa] =	wrdreg s21  }
0x13: {  	[dreg:$0xb] =	wrdreg s22;
	s0 =	simm.s32 $0x10000;
	s1 =	sadd.s32 $0x16E00, s1  }
0x14: {  	s6 =	simm.s32 $0x12000;
	s17 =	sadd.s32 $0xA2E00, s5;
	[dreg:$0x3] =	wrdreg s1  }
0x15: {  	s18 =	simm.s32 $0xB;
	s23 =	sadd.s32 $0xA3200, s5;
	[dreg:$0x5] =	wrdreg s17  }
0x16: {  	s19 =	simm.s32 $0xC;
	s24 =	sadd.s32 $0xA3600, s5;
	[dreg:$0xc] =	wrdreg s23  }
0x17: {  	s20 =	simm.s32 $0x0;
	s25 =	sadd.s32 $0xA3A00, s5;
	[dreg:$0xd] =	wrdreg s24  }
0x18: {  	s26 =	sadd.s32 $0xA3E00, s5;
	s5 =	simm.s32 $0x3;
	[dreg:$0xe] =	wrdreg s25  }
0x19: {  	s17 =	sadd.s32 $0x8000, s7;
	[dreg:$0xf] =	wrdreg s26;
	s25 =	simm.s32 $0x5000  }
0x1a: {  	v0 =	vimm.f32 $0.0e+00;
	s26 =	simm.s32 $0x80;
	s1 =	simm.s32 $0x14000;
	s23 =	simm.s32 $0x7  }
.LBB2_1:
0x1b: {  	s21 =	rddreg [dreg:$0x3]  }
0x1c: {  	[tilespmem:s3], [sflag:$0x1] =	stream.linear.gather [hbm4b:s21+s3], $0x5000, $0x38;
	[tilespmem:$0x1F000] =	vst v63  }
0x1d: {  	s24 =	rddreg [dreg:$0x4]  }
0x1e: {  	[tilespmem:s25], [sflag:$0x2] =	stream.linear.gather [hbm4b:s24+s3], $0x5000, $0x38;
	[tilespmem:$0x1F000] =	vst v63  }
0x1f: {  	s25 =	sand.u32 $0x3F00, s3  }
0x20: {  	s22 =	sand.u32 $0x30, s3;
	s24 =	sshrl.u32 s25, $0x2  }
0x21: {  	s21 =	simm.s32 $0x40;
	s24 =	sor.u32 s22, s24;
	s22 =	simm.s32 $0x0  }
.LBB2_2:
0x22: {  	p0 =	sne.s32 s21, $0x3FC0  }
0x23: {  	[tilespmem:s24+$0x14000] =	vst v0;
	s22 =	sadd.s32 $0x10, s22;
	s24 =	smov.u32 s21;
	s21 =	sadd.s32 $0x40, s21  }
.Ltmp0:
0x24: {  	(pc) =	sbr.rel @p0 .LBB2_2-.Ltmp0, $4  }
0x25: {  	_ = 	snop  }
0x26: {  	s24 =	sand.u32 $0x3F00, s24  }
0x27: {  	s25 =	sand.u32 $0x30, s22;
	s24 =	sshrl.u32 s24, $0x2  }
0x28: {  	s24 =	sor.u32 s25, s24  }
0x29: {  	[tilespmem:s24+$0x14000] =	vst v0;
	s21 =	simm.s32 $0x1  }
0x2a: {  	_ =	swait.ge [sflag:s21], $0x5000  }
0x2b: {  	[sflag:s21] =	ssyncset.done $0x0  }
0x2c: {  	s24 =	simm.s32 $0x2;
	[sflag:s21] =	ssyncadd.s32 $0xFFFFB000  }
0x2d: {  	_ =	swait.ge [sflag:s24], $0x5000  }
0x2e: {  	[sflag:s24] =	ssyncset.done $0x0  }
0x2f: {  	s25 =	simm.s32 $0x0;
	[sflag:s24] =	ssyncadd.s32 $0xFFFFB000  }
0x30: {  	[tilespmem:s28], [sflag:$0x3] =	stream.indirect.gather [hbm4b:s4+s26], $0x40, s25, s26, $0xb8;
	[tilespmem:$0x1F000] =	vst v63  }
0x31: {  	_ = 	snop  }
0x32: {  	[tilespmem:s29], [sflag:$0x4] =	stream.indirect.gather [hbm4b:s4+s26], $0x40, s26, s26, $0xb8;
	[tilespmem:$0x1F000] =	vst v63  }
0x33: {  	s22 =	simm.s32 $0x100  }
0x34: {  	[tilespmem:s31], [sflag:$0x5] =	stream.indirect.gather [hbm4b:s4+s26], $0x40, s22, s26, $0xb8;
	[tilespmem:$0x1F000] =	vst v63  }
0x35: {  	_ = 	snop  }
0x36: {  	[spmem:s7] =	stream.linear.scatter [tilespmem:s1], [sflag:$0xD], $0x1000, $0x38;
	[tilespmem:$0x1F000] =	vst v63  }
0x37: {  	_ =	swait.ge [sflag:s30], $0x1000  }
0x38: {  	[sflag:s30] =	ssyncset.done $0x0  }
0x39: {  	s24 =	rddreg [dreg:$0x7];
	[sflag:s30] =	ssyncadd.s32 $0xFFFFF000  }
0x3a: {  	[spmem:s24] =	stream.linear.scatter [tilespmem:s1], [sflag:$0xD], $0x1000, $0x38;
	[tilespmem:$0x1F000] =	vst v63  }
0x3b: {  	_ =	swait.ge [sflag:s30], $0x1000  }
0x3c: {  	[sflag:s30] =	ssyncset.done $0x0  }
0x3d: {  	[sflag:s30] =	ssyncadd.s32 $0xFFFFF000  }
0x3e: {  	[spmem:s11] =	stream.linear.scatter [tilespmem:s1], [sflag:$0xD], $0x1000, $0x38;
	[tilespmem:$0x1F000] =	vst v63  }
0x3f: {  	_ =	swait.ge [sflag:s30], $0x1000  }
0x40: {  	[sflag:s30] =	ssyncset.done $0x0  }
0x41: {  	s25 =	rddreg [dreg:$0x8];
	[sflag:s30] =	ssyncadd.s32 $0xFFFFF000  }
0x42: {  	[spmem:s25] =	stream.linear.scatter [tilespmem:s1], [sflag:$0xD], $0x1000, $0x38;
	[tilespmem:$0x1F000] =	vst v63  }
0x43: {  	_ =	swait.ge [sflag:s30], $0x1000  }
0x44: {  	[sflag:s30] =	ssyncset.done $0x0  }
0x45: {  	[sflag:s30] =	ssyncadd.s32 $0xFFFFF000  }
0x46: {  	[spmem:s13] =	stream.linear.scatter [tilespmem:s1], [sflag:$0xD], $0x1000, $0x38;
	[tilespmem:$0x1F000] =	vst v63  }
0x47: {  	_ =	swait.ge [sflag:s30], $0x1000  }
0x48: {  	[sflag:s30] =	ssyncset.done $0x0  }
0x49: {  	s22 =	rddreg [dreg:$0x9];
	[sflag:s30] =	ssyncadd.s32 $0xFFFFF000  }
0x4a: {  	[spmem:s22] =	stream.linear.scatter [tilespmem:s1], [sflag:$0xD], $0x1000, $0x38;
	[tilespmem:$0x1F000] =	vst v63  }
0x4b: {  	_ =	swait.ge [sflag:s30], $0x1000  }
0x4c: {  	[sflag:s30] =	ssyncset.done $0x0  }
0x4d: {  	[sflag:s30] =	ssyncadd.s32 $0xFFFFF000  }
0x4e: {  	[spmem:s15] =	stream.linear.scatter [tilespmem:s1], [sflag:$0xD], $0x1000, $0x38;
	[tilespmem:$0x1F000] =	vst v63  }
0x4f: {  	_ =	swait.ge [sflag:s30], $0x1000  }
0x50: {  	[sflag:s30] =	ssyncset.done $0x0  }
0x51: {  	s24 =	rddreg [dreg:$0xa];
	[sflag:s30] =	ssyncadd.s32 $0xFFFFF000  }
0x52: {  	[spmem:s24] =	stream.linear.scatter [tilespmem:s1], [sflag:$0xD], $0x1000, $0x38;
	[tilespmem:$0x1F000] =	vst v63  }
0x53: {  	_ =	swait.ge [sflag:s30], $0x1000  }
0x54: {  	[sflag:s30] =	ssyncset.done $0x0  }
0x55: {  	[sflag:s30] =	ssyncadd.s32 $0xFFFFF000  }
0x56: {  	[spmem:s17] =	stream.linear.scatter [tilespmem:s1], [sflag:$0xD], $0x1000, $0x38;
	[tilespmem:$0x1F000] =	vst v63  }
0x57: {  	_ =	swait.ge [sflag:s30], $0x1000  }
0x58: {  	[sflag:s30] =	ssyncset.done $0x0  }
0x59: {  	s25 =	rddreg [dreg:$0xb];
	[sflag:s30] =	ssyncadd.s32 $0xFFFFF000  }
0x5a: {  	[spmem:s25] =	stream.linear.scatter [tilespmem:s1], [sflag:$0xD], $0x1000, $0x38;
	[tilespmem:$0x1F000] =	vst v63  }
0x5b: {  	_ =	swait.ge [sflag:s30], $0x1000  }
0x5c: {  	[sflag:s30] =	ssyncset.done $0x0  }
0x5d: {  	[sflag:s30] =	ssyncadd.s32 $0xFFFFF000  }
0x5e: {  	s22 =	simm.s32 $0x180;
	[bflag:$0x0] =	sbarrier.arrive $0xFFFF  }
0x5f: {  	[tilespmem:s0], [sflag:$0x6] =	stream.indirect.gather [hbm4b:s4+s26], $0x40, s22, s26, $0xb8;
	[tilespmem:$0x1F000] =	vst v63  }
0x60: {  	_ =	swait.ge [sflag:s5], $0x2000  }
0x61: {  	[sflag:s5] =	ssyncset.done $0x0  }
0x62: {  	s25 =	simm.s32 $0x5000;
	[sflag:s5] =	ssyncadd.s32 $0xFFFFE000  }
0x63: {  	[spmem:s2] =	stream.indirect.scatter.add.f32 [tilespmem:s28], [sflag:$0x8], $0x40, s25, s26, $0xb8;
	[tilespmem:$0x1F000] =	vst v63  }
0x64: {  	s24 =	simm.s32 $0x200  }
0x65: {  	[tilespmem:s6], [sflag:$0x7] =	stream.indirect.gather [hbm4b:s4+s26], $0x40, s24, s26, $0xb8;
	[tilespmem:$0x1F000] =	vst v63  }
0x66: {  	_ =	swait.ge [sflag:s8], $0x2000  }
0x67: {  	[sflag:s8] =	ssyncset.done $0x0  }
0x68: {  	s22 =	simm.s32 $0x5080;
	[sflag:s8] =	ssyncadd.s32 $0xFFFFE000  }
0x69: {  	[spmem:s2] =	stream.indirect.scatter.add.f32 [tilespmem:s29], [sflag:$0x9], $0x40, s22, s26, $0xb8;
	[tilespmem:$0x1F000] =	vst v63  }
0x6a: {  	_ =	swait.ge [sflag:s9], $0x2000  }
0x6b: {  	[sflag:s9] =	ssyncset.done $0x0  }
0x6c: {  	s24 =	simm.s32 $0x280;
	[sflag:s9] =	ssyncadd.s32 $0xFFFFE000  }
0x6d: {  	[tilespmem:s28], [sflag:$0x3] =	stream.indirect.gather [hbm4b:s4+s26], $0x40, s24, s26, $0xb8;
	[tilespmem:$0x1F000] =	vst v63  }
0x6e: {  	_ =	swait.ge [sflag:s10], $0x2000  }
0x6f: {  	[sflag:s10] =	ssyncset.done $0x0  }
0x70: {  	s22 =	simm.s32 $0x5100;
	[sflag:s10] =	ssyncadd.s32 $0xFFFFE000  }
0x71: {  	[spmem:s2] =	stream.indirect.scatter.add.f32 [tilespmem:s31], [sflag:$0xA], $0x40, s22, s26, $0xb8;
	[tilespmem:$0x1F000] =	vst v63  }
0x72: {  	_ =	swait.ge [sflag:s12], $0x2000  }
0x73: {  	[sflag:s12] =	ssyncset.done $0x0  }
0x74: {  	s24 =	simm.s32 $0x300;
	[sflag:s12] =	ssyncadd.s32 $0xFFFFE000  }
0x75: {  	[tilespmem:s29], [sflag:$0x4] =	stream.indirect.gather [hbm4b:s4+s26], $0x40, s24, s26, $0xb8;
	[tilespmem:$0x1F000] =	vst v63  }
0x76: {  	_ =	swait.ge [sflag:s14], $0x2000  }
0x77: {  	[sflag:s14] =	ssyncset.done $0x0  }
0x78: {  	s22 =	simm.s32 $0x5180;
	[sflag:s14] =	ssyncadd.s32 $0xFFFFE000  }
0x79: {  	[spmem:s2] =	stream.indirect.scatter.add.f32 [tilespmem:s0], [sflag:$0xB], $0x40, s22, s26, $0xb8;
	[tilespmem:$0x1F000] =	vst v63  }
0x7a: {  	_ =	swait.ge [sflag:s16], $0x2000  }
0x7b: {  	[sflag:s16] =	ssyncset.done $0x0  }
0x7c: {  	s24 =	simm.s32 $0x380;
	[sflag:s16] =	ssyncadd.s32 $0xFFFFE000  }
0x7d: {  	[tilespmem:s31], [sflag:$0x5] =	stream.indirect.gather [hbm4b:s4+s26], $0x40, s24, s26, $0xb8;
	[tilespmem:$0x1F000] =	vst v63  }
0x7e: {  	_ =	swait.ge [sflag:s23], $0x2000  }
0x7f: {  	[sflag:s23] =	ssyncset.done $0x0  }
0x80: {  	s22 =	simm.s32 $0x5200;
	[sflag:s23] =	ssyncadd.s32 $0xFFFFE000  }
0x81: {  	[spmem:s2] =	stream.indirect.scatter.add.f32 [tilespmem:s6], [sflag:$0xC], $0x40, s22, s26, $0xb8;
	[tilespmem:$0x1F000] =	vst v63  }
0x82: {  	_ =	swait.ge [sflag:s18], $0x2000  }
0x83: {  	[sflag:s18] =	ssyncset.done $0x0  }
0x84: {  	s24 =	simm.s32 $0x400;
	[sflag:s18] =	ssyncadd.s32 $0xFFFFE000  }
0x85: {  	[tilespmem:s0], [sflag:$0x6] =	stream.indirect.gather [hbm4b:s4+s26], $0x40, s24, s26, $0xb8;
	[tilespmem:$0x1F000] =	vst v63  }
0x86: {  	_ =	swait.ge [sflag:s5], $0x2000  }
0x87: {  	[sflag:s5] =	ssyncset.done $0x0  }
0x88: {  	s22 =	simm.s32 $0x5280;
	[sflag:s5] =	ssyncadd.s32 $0xFFFFE000  }
0x89: {  	[spmem:s2] =	stream.indirect.scatter.add.f32 [tilespmem:s28], [sflag:$0x8], $0x40, s22, s26, $0xb8;
	[tilespmem:$0x1F000] =	vst v63  }
0x8a: {  	_ =	swait.ge [sflag:s19], $0x2000  }
0x8b: {  	[sflag:s19] =	ssyncset.done $0x0  }
0x8c: {  	s24 =	simm.s32 $0x480;
	[sflag:s19] =	ssyncadd.s32 $0xFFFFE000  }
0x8d: {  	[tilespmem:s6], [sflag:$0x7] =	stream.indirect.gather [hbm4b:s4+s26], $0x40, s24, s26, $0xb8;
	[tilespmem:$0x1F000] =	vst v63  }
0x8e: {  	_ =	swait.ge [sflag:s8], $0x2000  }
0x8f: {  	[sflag:s8] =	ssyncset.done $0x0  }
0x90: {  	s22 =	simm.s32 $0x5300;
	[sflag:s8] =	ssyncadd.s32 $0xFFFFE000  }
0x91: {  	[spmem:s2] =	stream.indirect.scatter.add.f32 [tilespmem:s29], [sflag:$0x9], $0x40, s22, s26, $0xb8;
	[tilespmem:$0x1F000] =	vst v63  }
0x92: {  	_ =	swait.ge [sflag:s9], $0x2000  }
0x93: {  	[sflag:s9] =	ssyncset.done $0x0  }
0x94: {  	s24 =	simm.s32 $0x500;
	[sflag:s9] =	ssyncadd.s32 $0xFFFFE000  }
0x95: {  	[tilespmem:s28], [sflag:$0x3] =	stream.indirect.gather [hbm4b:s4+s26], $0x40, s24, s26, $0xb8;
	[tilespmem:$0x1F000] =	vst v63  }
0x96: {  	_ =	swait.ge [sflag:s10], $0x2000  }
0x97: {  	[sflag:s10] =	ssyncset.done $0x0  }
0x98: {  	s22 =	simm.s32 $0x5380;
	[sflag:s10] =	ssyncadd.s32 $0xFFFFE000  }
0x99: {  	[spmem:s2] =	stream.indirect.scatter.add.f32 [tilespmem:s31], [sflag:$0xA], $0x40, s22, s26, $0xb8;
	[tilespmem:$0x1F000] =	vst v63  }
0x9a: {  	_ =	swait.ge [sflag:s12], $0x2000  }
0x9b: {  	[sflag:s12] =	ssyncset.done $0x0  }
0x9c: {  	s24 =	simm.s32 $0x580;
	[sflag:s12] =	ssyncadd.s32 $0xFFFFE000  }
0x9d: {  	[tilespmem:s29], [sflag:$0x4] =	stream.indirect.gather [hbm4b:s4+s26], $0x40, s24, s26, $0xb8;
	[tilespmem:$0x1F000] =	vst v63  }
0x9e: {  	_ =	swait.ge [sflag:s14], $0x2000  }
0x9f: {  	[sflag:s14] =	ssyncset.done $0x0  }
0xa0: {  	s22 =	simm.s32 $0x5400;
	[sflag:s14] =	ssyncadd.s32 $0xFFFFE000  }
0xa1: {  	[spmem:s2] =	stream.indirect.scatter.add.f32 [tilespmem:s0], [sflag:$0xB], $0x40, s22, s26, $0xb8;
	[tilespmem:$0x1F000] =	vst v63  }
0xa2: {  	_ =	swait.ge [sflag:s16], $0x2000  }
0xa3: {  	[sflag:s16] =	ssyncset.done $0x0  }
0xa4: {  	s24 =	simm.s32 $0x600;
	[sflag:s16] =	ssyncadd.s32 $0xFFFFE000  }
0xa5: {  	[tilespmem:s31], [sflag:$0x5] =	stream.indirect.gather [hbm4b:s4+s26], $0x40, s24, s26, $0xb8;
	[tilespmem:$0x1F000] =	vst v63  }
0xa6: {  	_ =	swait.ge [sflag:s23], $0x2000  }
0xa7: {  	[sflag:s23] =	ssyncset.done $0x0  }
0xa8: {  	s21 =	simm.s32 $0xA00;
	s22 =	simm.s32 $0x5480;
	[sflag:s23] =	ssyncadd.s32 $0xFFFFE000  }
.LBB2_4:
0xa9: {  	[spmem:s2] =	stream.indirect.scatter.add.f32 [tilespmem:s6], [sflag:$0xC], $0x40, s22, s26, $0xb8;
	[tilespmem:$0x1F000] =	vst v63  }
0xaa: {  	s22 =	smov.u32 s21;
	s21 =	sadd.s32 $0xA00, s21;
	_ =	swait.ge [sflag:s18], $0x2000  }
0xab: {  	s22 =	sshra.s32 s22, $0x2;
	p0 =	sne.s32 s21, $0x12C00;
	[sflag:s18] =	ssyncset.done $0x0  }
0xac: {  	s24 =	sadd.s32 $0x400, s22;
	[sflag:s18] =	ssyncadd.s32 $0xFFFFE000  }
0xad: {  	[tilespmem:s0], [sflag:$0x6] =	stream.indirect.gather [hbm4b:s4+s26], $0x40, s24, s26, $0xb8;
	[tilespmem:$0x1F000] =	vst v63  }
0xae: {  	_ =	swait.ge [sflag:s5], $0x2000  }
0xaf: {  	[sflag:s5] =	ssyncset.done $0x0  }
0xb0: {  	s24 =	sadd.s32 $0x5280, s22;
	[sflag:s5] =	ssyncadd.s32 $0xFFFFE000  }
0xb1: {  	[spmem:s2] =	stream.indirect.scatter.add.f32 [tilespmem:s28], [sflag:$0x8], $0x40, s24, s26, $0xb8;
	[tilespmem:$0x1F000] =	vst v63  }
0xb2: {  	_ =	swait.ge [sflag:s19], $0x2000  }
0xb3: {  	[sflag:s19] =	ssyncset.done $0x0  }
0xb4: {  	s24 =	sadd.s32 $0x480, s22;
	[sflag:s19] =	ssyncadd.s32 $0xFFFFE000  }
0xb5: {  	[tilespmem:s6], [sflag:$0x7] =	stream.indirect.gather [hbm4b:s4+s26], $0x40, s24, s26, $0xb8;
	[tilespmem:$0x1F000] =	vst v63  }
0xb6: {  	_ =	swait.ge [sflag:s8], $0x2000  }
0xb7: {  	[sflag:s8] =	ssyncset.done $0x0  }
0xb8: {  	s24 =	sadd.s32 $0x5300, s22;
	[sflag:s8] =	ssyncadd.s32 $0xFFFFE000  }
0xb9: {  	[spmem:s2] =	stream.indirect.scatter.add.f32 [tilespmem:s29], [sflag:$0x9], $0x40, s24, s26, $0xb8;
	[tilespmem:$0x1F000] =	vst v63  }
0xba: {  	_ =	swait.ge [sflag:s9], $0x2000  }
0xbb: {  	[sflag:s9] =	ssyncset.done $0x0  }
0xbc: {  	s24 =	sadd.s32 $0x500, s22;
	[sflag:s9] =	ssyncadd.s32 $0xFFFFE000  }
0xbd: {  	[tilespmem:s28], [sflag:$0x3] =	stream.indirect.gather [hbm4b:s4+s26], $0x40, s24, s26, $0xb8;
	[tilespmem:$0x1F000] =	vst v63  }
0xbe: {  	_ =	swait.ge [sflag:s10], $0x2000  }
0xbf: {  	[sflag:s10] =	ssyncset.done $0x0  }
0xc0: {  	s24 =	sadd.s32 $0x5380, s22;
	[sflag:s10] =	ssyncadd.s32 $0xFFFFE000  }
0xc1: {  	[spmem:s2] =	stream.indirect.scatter.add.f32 [tilespmem:s31], [sflag:$0xA], $0x40, s24, s26, $0xb8;
	[tilespmem:$0x1F000] =	vst v63  }
0xc2: {  	_ =	swait.ge [sflag:s12], $0x2000  }
0xc3: {  	[sflag:s12] =	ssyncset.done $0x0  }
0xc4: {  	s24 =	sadd.s32 $0x580, s22;
	[sflag:s12] =	ssyncadd.s32 $0xFFFFE000  }
0xc5: {  	[tilespmem:s29], [sflag:$0x4] =	stream.indirect.gather [hbm4b:s4+s26], $0x40, s24, s26, $0xb8;
	[tilespmem:$0x1F000] =	vst v63  }
0xc6: {  	_ =	swait.ge [sflag:s14], $0x2000  }
0xc7: {  	[sflag:s14] =	ssyncset.done $0x0  }
0xc8: {  	s24 =	sadd.s32 $0x5400, s22;
	[sflag:s14] =	ssyncadd.s32 $0xFFFFE000  }
0xc9: {  	[spmem:s2] =	stream.indirect.scatter.add.f32 [tilespmem:s0], [sflag:$0xB], $0x40, s24, s26, $0xb8;
	[tilespmem:$0x1F000] =	vst v63  }
0xca: {  	_ =	swait.ge [sflag:s16], $0x2000  }
0xcb: {  	[sflag:s16] =	ssyncset.done $0x0  }
.Ltmp1:
0xcc: {  	s24 =	sadd.s32 $0x600, s22;
	[sflag:s16] =	ssyncadd.s32 $0xFFFFE000;
	(pc) =	sbr.rel @p0 .LBB2_4-.Ltmp1, $4  }
0xcd: {  	[tilespmem:s31], [sflag:$0x5] =	stream.indirect.gather [hbm4b:s4+s26], $0x40, s24, s26, $0xb8;
	[tilespmem:$0x1F000] =	vst v63  }
0xce: {  	_ =	swait.ge [sflag:s23], $0x2000  }
0xcf: {  	[sflag:s23] =	ssyncset.done $0x0  }
0xd0: {  	s22 =	sadd.s32 $0x5480, s22;
	[sflag:s23] =	ssyncadd.s32 $0xFFFFE000  }
0xd1: {  	[spmem:s2] =	stream.indirect.scatter.add.f32 [tilespmem:s6], [sflag:$0xC], $0x40, s22, s26, $0xb8;
	[tilespmem:$0x1F000] =	vst v63  }
0xd2: {  	_ =	swait.ge [sflag:s18], $0x2000  }
0xd3: {  	s21 =	sshra.s32 s21, $0x2;
	[sflag:s18] =	ssyncset.done $0x0  }
0xd4: {  	s24 =	sadd.s32 $0x400, s21;
	[sflag:s18] =	ssyncadd.s32 $0xFFFFE000  }
0xd5: {  	[tilespmem:s0], [sflag:$0x6] =	stream.indirect.gather [hbm4b:s4+s26], $0x40, s24, s26, $0xb8;
	[tilespmem:$0x1F000] =	vst v63  }
0xd6: {  	_ =	swait.ge [sflag:s5], $0x2000  }
0xd7: {  	[sflag:s5] =	ssyncset.done $0x0  }
0xd8: {  	s24 =	sadd.s32 $0x5280, s21;
	[sflag:s5] =	ssyncadd.s32 $0xFFFFE000  }
0xd9: {  	[spmem:s2] =	stream.indirect.scatter.add.f32 [tilespmem:s28], [sflag:$0x8], $0x40, s24, s26, $0xb8;
	[tilespmem:$0x1F000] =	vst v63  }
0xda: {  	_ =	swait.ge [sflag:s19], $0x2000  }
0xdb: {  	[sflag:s19] =	ssyncset.done $0x0  }
0xdc: {  	s24 =	simm.s32 $0x4F80;
	[sflag:s19] =	ssyncadd.s32 $0xFFFFE000  }
0xdd: {  	[tilespmem:s6], [sflag:$0x7] =	stream.indirect.gather [hbm4b:s4+s26], $0x40, s24, s26, $0xb8;
	[tilespmem:$0x1F000] =	vst v63  }
0xde: {  	_ =	swait.ge [sflag:s8], $0x2000  }
0xdf: {  	[sflag:s8] =	ssyncset.done $0x0  }
0xe0: {  	s24 =	sadd.s32 $0x5300, s21;
	[sflag:s8] =	ssyncadd.s32 $0xFFFFE000  }
0xe1: {  	[spmem:s2] =	stream.indirect.scatter.add.f32 [tilespmem:s29], [sflag:$0x9], $0x40, s24, s26, $0xb8;
	[tilespmem:$0x1F000] =	vst v63  }
0xe2: {  	_ =	swait.ge [sflag:s9], $0x2000  }
0xe3: {  	[sflag:s9] =	ssyncset.done $0x0  }
0xe4: {  	[sflag:s9] =	ssyncadd.s32 $0xFFFFE000  }
0xe5: {  	_ =	swait.ge [sflag:s10], $0x2000  }
0xe6: {  	[sflag:s10] =	ssyncset.done $0x0  }
0xe7: {  	s24 =	sadd.s32 $0x5380, s21;
	[sflag:s10] =	ssyncadd.s32 $0xFFFFE000  }
0xe8: {  	[spmem:s2] =	stream.indirect.scatter.add.f32 [tilespmem:s31], [sflag:$0xA], $0x40, s24, s26, $0xb8;
	[tilespmem:$0x1F000] =	vst v63  }
0xe9: {  	_ =	swait.ge [sflag:s12], $0x2000  }
0xea: {  	[sflag:s12] =	ssyncset.done $0x0  }
0xeb: {  	[sflag:s12] =	ssyncadd.s32 $0xFFFFE000  }
0xec: {  	_ =	swait.ge [sflag:s14], $0x2000  }
0xed: {  	[sflag:s14] =	ssyncset.done $0x0  }
0xee: {  	s21 =	sadd.s32 $0x5400, s21;
	[sflag:s14] =	ssyncadd.s32 $0xFFFFE000  }
0xef: {  	[spmem:s2] =	stream.indirect.scatter.add.f32 [tilespmem:s0], [sflag:$0xB], $0x40, s21, s26, $0xb8;
	[tilespmem:$0x1F000] =	vst v63  }
0xf0: {  	_ =	swait.ge [sflag:s16], $0x2000  }
0xf1: {  	[sflag:s16] =	ssyncset.done $0x0  }
0xf2: {  	[sflag:s16] =	ssyncadd.s32 $0xFFFFE000  }
0xf3: {  	_ =	swait.ge [sflag:s23], $0x2000  }
0xf4: {  	[sflag:s23] =	ssyncset.done $0x0  }
0xf5: {  	s24 =	simm.s32 $0x9F80;
	[sflag:s23] =	ssyncadd.s32 $0xFFFFE000  }
0xf6: {  	[spmem:s2] =	stream.indirect.scatter.add.f32 [tilespmem:s6], [sflag:$0xC], $0x40, s24, s26, $0xb8;
	[tilespmem:$0x1F000] =	vst v63  }
0xf7: {  	_ =	swait.ge [sflag:s18], $0x2000  }
0xf8: {  	[sflag:s18] =	ssyncset.done $0x0  }
0xf9: {  	[sflag:s18] =	ssyncadd.s32 $0xFFFFE000  }
0xfa: {  	_ =	swait.ge [sflag:s19], $0x2000  }
0xfb: {  	[sflag:s19] =	ssyncset.done $0x0  }
0xfc: {  	s22 =	stileid.u32;
	[sflag:s19] =	ssyncadd.s32 $0xFFFFE000  }
0xfd: {  	s21 =	sshll.u32 s22, $0x6;
	[bflag:$0x0] =	sbarrier.arrive $0xFFFF  }
0xfe: {  	s22 =	sshrl.u32 s7, $0x3;
	s21 =	sor.u32 $0x1C0D, s21;
	s24 =	rddreg [dreg:$0x5]  }
0xff: {  	[hbm:s24], [sflag:s21] =	dma.local [spmem:s22], $0x400  }
0x100: {  	_ =	swait.ge [sflag:s30], $0x400  }
0x101: {  	[sflag:s30] =	ssyncset.done $0x0  }
0x102: {  	s22 =	sshrl.u32 s11, $0x3;
	s24 =	rddreg [dreg:$0xc];
	[sflag:s30] =	ssyncadd.s32 $0xFFFFFC00  }
0x103: {  	[hbm:s24], [sflag:s21] =	dma.local [spmem:s22], $0x400  }
0x104: {  	_ =	swait.ge [sflag:s30], $0x400  }
0x105: {  	[sflag:s30] =	ssyncset.done $0x0  }
0x106: {  	s22 =	sshrl.u32 s13, $0x3;
	s24 =	rddreg [dreg:$0xd];
	[sflag:s30] =	ssyncadd.s32 $0xFFFFFC00  }
0x107: {  	[hbm:s24], [sflag:s21] =	dma.local [spmem:s22], $0x400  }
0x108: {  	_ =	swait.ge [sflag:s30], $0x400  }
0x109: {  	[sflag:s30] =	ssyncset.done $0x0  }
0x10a: {  	s22 =	sshrl.u32 s15, $0x3;
	s24 =	rddreg [dreg:$0xe];
	[sflag:s30] =	ssyncadd.s32 $0xFFFFFC00  }
0x10b: {  	[hbm:s24], [sflag:s21] =	dma.local [spmem:s22], $0x400  }
0x10c: {  	_ =	swait.ge [sflag:s30], $0x400  }
0x10d: {  	[sflag:s30] =	ssyncset.done $0x0  }
0x10e: {  	s22 =	sshrl.u32 s17, $0x3;
	s24 =	rddreg [dreg:$0xf];
	[sflag:s30] =	ssyncadd.s32 $0xFFFFFC00  }
0x10f: {  	[hbm:s24], [sflag:s21] =	dma.local [spmem:s22], $0x400  }
0x110: {  	_ =	swait.ge [sflag:s30], $0x400  }
0x111: {  	s20 =	sadd.s32 $0x1, s20;
	s24 =	rddreg [dreg:$0x6]  }
0x112: {  	p0 =	sne.s32 s20, s24  }
.Ltmp2:
0x113: {  	_ = 	snop;
	(pc) =	sbr.rel @p0 .LBB2_1-.Ltmp2, $3  }
0x114: {  	_ =	sdelay $0x1  }
0x115: {  	[sflag:s30] =	ssyncset.done $0x0  }
0x116: {  	[sflag:s30] =	ssyncadd.s32 $0xFFFFFC00  }
0x117: {  	_ =	sfence.sel $0x180000  }
0x118: {  	[bflag:$0x0] =	sbarrier.arrive $0xFFFF  }
0x119: {  	_ =	strace $0x90000050  }
0x11a: {  	s0 =	stileid.u32;
	[bflag:$0x2] =	sbarrier.arrive $0xFFFF  }
0x11b: {  	p0 =	sne.s32 s0, $0x0;
	s0 =	rddreg [dreg:$0x2]  }
0x11c: {  	s0 =	sadd.s32 @!p0 $0x100000, s0  }
0x11d: {  	[sflag:s0] =	ssyncadd.tile.s32 @!p0 $0x1;
	_ =	shalt  }
.Lfunc_end2:
_tile_overlayer_lowered:
.L_overlay_start_2:
0x11e: {  	(tag) =	ssettag $0x2  }
0x11f: {  	s0 =	rddreg [dreg:$0x0];
	s2 =	stileid.u32  }
0x120: {  	s1 =	rddreg [dreg:$0x1];
	p0 =	sne.s32 s2, $0x0  }
0x121: {  	s3 =	rddreg [dreg:$0x2];
	[bflag:$0x3] =	sbarrier.arrive $0xFFFF;
	s2 =	simm.s32 @!p0 $0x1C0D  }
0x122: {  	[timem:s3], [sflag:s2] =	dma.local @!p0 [hbm:s0], s1  }
0x123: {  	s0 =	simm.s32 @!p0 $0xD  }
0x124: {  	_ =	swait.ge @!p0 [sflag:s0], s1  }
0x125: {  	s1 =	ssub.s32 @!p0 $0x0, s1;
	[sflag:s0] =	ssyncset.done @!p0 $0x0  }
0x126: {  	[sflag:s0] =	ssyncadd.s32 @!p0 s1  }
0x127: {  	[bflag:$0x3] =	sbarrier.arrive $0xFFFF  }
0x128: {  	_ =	shalt  }

</sc_bundles>
